<compile_context>
chip_gen: v7x
topology: tpu7x:2x2x1
jax: 0.10.2.dev20260603
libtpu: 0.0.44.dev20260713+nightly
codegen_flags: <defaults>
</compile_context>

<pallas_src>
import math

import jax
import jax.numpy as jnp
from jax import lax
from jax.experimental import pallas as pl
from jax.experimental.pallas import tpu as pltpu
from jax.experimental.pallas import tpu_sc as plsc

_ABSTAIN_WEIGHT = 0.1
_NUM_WORKERS = 32
_LANES = 16


def _sc_body(nc, ns, piece_sizes,
             clp_hbm, idx_hbm, s2c_hbm,
             partmax_hbm, lpc_hbm,
             lmax_v, val_v, idx_v, gidx_v, gout_v,
             vals_s, idxs_s,
             sem0, sem1, sem):
    npiece = len(piece_sizes)
    spw = ns // _NUM_WORKERS
    cid = lax.axis_index("c")
    sid = lax.axis_index("s")
    wid = cid * _LANES + sid

    lane = lax.iota(jnp.int32, _LANES)
    ninf = jnp.full((_LANES,), -jnp.inf, jnp.float32)

    sems = (sem0, sem1)
    core_off = [16 * sum(piece_sizes[:p]) for p in range(npiece)]
    region = _LANES * max(piece_sizes)

    def _hbm_slice(p):
        return pl.ds(cid * (nc // 2) + core_off[p] + sid * piece_sizes[p],
                     piece_sizes[p])

    def _spmem_slice(b, p):
        return pl.ds(b * region + sid * piece_sizes[p], piece_sizes[p])

    def _issue(p):
        b = p % 2
        pltpu.async_copy(clp_hbm.at[_hbm_slice(p)],
                         vals_s.at[_spmem_slice(b, p)], sems[b])
        pltpu.async_copy(idx_hbm.at[_hbm_slice(p)],
                         idxs_s.at[_spmem_slice(b, p)], sems[b])

    def _wait(p):
        b = p % 2
        pltpu.make_async_copy(clp_hbm.at[_hbm_slice(p)],
                              vals_s.at[_spmem_slice(b, p)], sems[b]).wait()
        pltpu.make_async_copy(idx_hbm.at[_hbm_slice(p)],
                              idxs_s.at[_spmem_slice(b, p)], sems[b]).wait()

    _issue(0)
    if npiece > 1:
        _issue(1)

    @plsc.parallel_loop(0, (ns + _LANES) // _LANES, unroll=8)
    def _init(i):
        lmax_v[pl.ds(i * _LANES, _LANES)] = ninf

    priv = ns + lane

    for p in range(npiece):
        b = p % 2
        piece = piece_sizes[p]
        sub = piece // _LANES
        _wait(p)
        pltpu.sync_copy(
            vals_s.at[_spmem_slice(b, p)], val_v.at[pl.ds(0, piece)])
        pltpu.sync_copy(
            idxs_s.at[_spmem_slice(b, p)], idx_v.at[pl.ds(0, piece)])
        if p + 2 < npiece:
            _issue(p + 2)

        stride = sub + 1
        lane_base = lane * stride
        lane_end = jnp.minimum((lane + 1) * stride, piece)
        main_t = sub - (_LANES - 1)
        hs = plsc.load_gather(idx_v, [lane_base])

        def _rake(t, carry):
            m, cs, tgt = carry
            offs = lane_base + t
            v = plsc.load_gather(val_v, [offs])
            s = plsc.load_gather(idx_v, [offs])
            changed = s != cs
            plsc.store_scatter(lmax_v, [tgt], m, mask=changed)
            tgt = jnp.where(changed, s, tgt)
            m = jnp.where(changed, v, jnp.maximum(m, v))
            return m, s, tgt

        carry = plsc.parallel_loop(
            0, main_t, unroll=8, carry=(ninf, hs, priv))(_rake)

        def _rake_tail(t, carry):
            m, cs, tgt = carry
            offs_raw = lane_base + t
            act = offs_raw < lane_end
            offs = jnp.minimum(offs_raw, piece - 1)
            v = plsc.load_gather(val_v, [offs])
            s0 = plsc.load_gather(idx_v, [offs])
            s = jnp.where(act, s0, cs)
            changed = s != cs
            plsc.store_scatter(lmax_v, [tgt], m, mask=changed)
            tgt = jnp.where(changed, s, tgt)
            m = jnp.where(changed, v, jnp.where(act, jnp.maximum(m, v), m))
            return m, s, tgt

        m, cs, _ = plsc.parallel_loop(
            main_t, stride, unroll=4, carry=carry)(_rake_tail)

        headv = plsc.load_gather(lmax_v, [priv])
        for j in range(_LANES):
            g = plsc.load_gather(lmax_v, [hs])
            plsc.store_scatter(lmax_v, [hs], jnp.maximum(g, headv),
                               mask=lane == j)
        for j in range(_LANES):
            g = plsc.load_gather(lmax_v, [cs])
            plsc.store_scatter(lmax_v, [cs], jnp.maximum(g, m),
                               mask=lane == j)
        lmax_v[pl.ds(ns, _LANES)] = ninf

    pltpu.sync_copy(lmax_v.at[pl.ds(0, ns)], vals_s.at[pl.ds(sid * ns, ns)])
    out_copy = pltpu.async_copy(vals_s.at[pl.ds(sid * ns, ns)],
                                partmax_hbm.at[pl.ds(wid * ns, ns)], sem0)

    sbase = wid * spw
    pltpu.sync_copy(s2c_hbm.at[pl.ds(sbase, spw)], gidx_v)
    pltpu.async_copy(clp_hbm.at[gidx_v], gout_v, sem).wait()
    pltpu.sync_copy(gout_v, lpc_hbm.at[pl.ds(sbase, spw)])

    out_copy.wait()


def _tc_body(pm_ref, tail_ref, lpc_ref, bug_ref, np_ref,
             loss_ref, nnp_ref, corr_ref, nb_ref, nbc_ref):
    pm = pm_ref[...]
    tail = tail_ref[...]
    lpc = lpc_ref[...]
    bug = bug_ref[...]
    nonpad = np_ref[...]

    is_bug = bug == 1
    is_np = nonpad == 1

    seg_max = jnp.maximum(jnp.max(pm, axis=0), tail)
    lp = jnp.where(is_bug, lpc, tail)
    lp = jnp.where(is_np, lp, 0.0)
    lp = jnp.minimum(lp, math.log(0.995))
    lp = lp + jnp.where(jnp.logical_and(is_bug, is_np),
                        _ABSTAIN_WEIGHT * tail,
                        jnp.zeros_like(lp))

    nnp = jnp.sum(nonpad)
    correct = jnp.logical_and(seg_max == lp, is_np)
    nobug = jnp.logical_and(jnp.logical_not(is_bug), is_np)

    loss_ref[0, 0] = -jnp.sum(lp) / nnp.astype(jnp.float32)
    nnp_ref[0, 0] = nnp
    corr_ref[0, 0] = jnp.sum(correct.astype(jnp.int32))
    nb_ref[0, 0] = jnp.sum(nobug.astype(jnp.int32))
    nbc_ref[0, 0] = jnp.sum(jnp.logical_and(nobug, correct).astype(jnp.int32))


def kernel(candidate_log_probs, candidate_to_sample_idx, sample_has_bug,
           sample_to_correct_candidate_idx, sample_is_nonpad, train_step):
    nc = candidate_to_sample_idx.shape[0]
    ns = sample_has_bug.shape[0]
    chunk = nc // _NUM_WORKERS
    piece_sizes = [chunk // 4] * 4
    maxp = max(piece_sizes)
    region = _LANES * maxp

    sc_fn = pl.kernel(
        lambda *refs: _sc_body(nc, ns, piece_sizes, *refs),
        out_type=(
            jax.ShapeDtypeStruct((_NUM_WORKERS * ns,), jnp.float32),
            jax.ShapeDtypeStruct((ns,), jnp.float32),
        ),
        mesh=plsc.VectorSubcoreMesh(core_axis_name="c", subcore_axis_name="s"),
        compiler_params=pltpu.CompilerParams(needs_layout_passes=False),
        scratch_types=[
            pltpu.VMEM((ns + _LANES,), jnp.float32),
            pltpu.VMEM((maxp,), jnp.float32),
            pltpu.VMEM((maxp,), jnp.int32),
            pltpu.VMEM((ns // _NUM_WORKERS,), jnp.int32),
            pltpu.VMEM((ns // _NUM_WORKERS,), jnp.float32),
            pltpu.VMEM_SHARED((2 * region,), jnp.float32),
            pltpu.VMEM_SHARED((2 * region,), jnp.int32),
            pltpu.SemaphoreType.DMA,
            pltpu.SemaphoreType.DMA,
            pltpu.SemaphoreType.DMA,
        ],
    )
    partmax, lpc = sc_fn(candidate_log_probs, candidate_to_sample_idx,
                         sample_to_correct_candidate_idx)

    srows = ns // 128
    outs = pl.pallas_call(
        _tc_body,
        out_shape=(
            jax.ShapeDtypeStruct((1, 1), jnp.float32),
            jax.ShapeDtypeStruct((1, 1), jnp.int32),
            jax.ShapeDtypeStruct((1, 1), jnp.int32),
            jax.ShapeDtypeStruct((1, 1), jnp.int32),
            jax.ShapeDtypeStruct((1, 1), jnp.int32),
        ),
        out_specs=tuple(pl.BlockSpec(memory_space=pltpu.SMEM)
                        for _ in range(5)),
    )(
        partmax.reshape(_NUM_WORKERS, srows, 128),
        candidate_log_probs[nc:].reshape(srows, 128),
        lpc.reshape(srows, 128),
        sample_has_bug.astype(jnp.int32).reshape(srows, 128),
        sample_is_nonpad.astype(jnp.int32).reshape(srows, 128),
    )
    loss, nnp, corr, nb, nbc = outs
    return (loss.reshape(()), nnp.reshape(()), corr.reshape(()),
            nb.reshape(()), nbc.reshape(()))

# --- scband reference (transcript-rebuilt; emitter-appended) ---
"""Pipeline reference for scband-localization-module-3324304687536 (READ-ONLY COPY).

The authoritative reference and input builder live on the scoring server;
editing this copy changes nothing except your own understanding.
"""

import math
import jax, jax.numpy as jnp
import numpy as np

NUM_CANDIDATES = 2097152
NUM_SAMPLES = 16384
ABSTAIN_WEIGHT = 0.1
BUGGY_SAMPLES_WEIGHT = 1.0  # default schedule lambda _: 1.0


def setup_inputs(seed: int = 0) -> dict:
    key = jax.random.key(seed)
    k1, k2, k3, k4 = jax.random.split(key, 4)
    candidate_log_probs = -jnp.abs(jax.random.normal(k1, (NUM_CANDIDATES + NUM_SAMPLES,), dtype=jnp.float32))
    candidate_to_sample_idx = jnp.sort(jax.random.randint(k2, (NUM_CANDIDATES,), 0, NUM_SAMPLES))
    sample_has_bug = jax.random.randint(k3, (NUM_SAMPLES,), 0, 2).astype(bool)
    sample_to_correct_candidate_idx = jax.random.randint(k4, (NUM_SAMPLES,), 0, NUM_CANDIDATES)
    sample_is_nonpad = jnp.ones((NUM_SAMPLES,), dtype=bool)
    return {
        "candidate_log_probs": candidate_log_probs,
        "candidate_to_sample_idx": candidate_to_sample_idx,
        "sample_has_bug": sample_has_bug,
        "sample_to_correct_candidate_idx": sample_to_correct_candidate_idx,
        "sample_is_nonpad": sample_is_nonpad,
        "train_step": 1000,
    }


def reference(candidate_log_probs, candidate_to_sample_idx, sample_has_bug, sample_to_correct_candidate_idx, sample_is_nonpad, train_step):
    num_candidates = candidate_to_sample_idx.shape[0]
    num_samples = sample_has_bug.shape[0]
    num_nonpad_samples = sample_is_nonpad.sum()
    sample_range = jnp.arange(num_samples)
    no_bug_indices = num_candidates + sample_range
    cts = jnp.concatenate((candidate_to_sample_idx, sample_range))
    correct_idx = jnp.where(sample_has_bug, sample_to_correct_candidate_idx, no_bug_indices)
    log_probs_per_sample = jnp.where(sample_is_nonpad, candidate_log_probs[correct_idx], 0.0)
    log_probs_per_sample = log_probs_per_sample.clip(-math.inf, math.log(0.995))
    # abstain_weight > 0 branch
    log_probs_per_sample = log_probs_per_sample + jnp.where(
        jnp.logical_and(sample_has_bug, sample_is_nonpad),
        ABSTAIN_WEIGHT * candidate_log_probs[no_bug_indices],
        jnp.zeros_like(log_probs_per_sample),
    )
    # buggy_samples_weight_schedule(train_step) == 1.0 branch
    loss = -log_probs_per_sample.sum() / num_nonpad_samples
    max_log_prob_per_sample = jax.ops.segment_max(candidate_log_probs, cts, num_segments=num_samples)
    correct_samples = jnp.logical_and(max_log_prob_per_sample == log_probs_per_sample, sample_is_nonpad)
    sample_has_no_bug = jnp.logical_and(jnp.logical_not(sample_has_bug), sample_is_nonpad)
    return (
        loss,
        num_nonpad_samples,
        correct_samples.sum(),
        sample_has_no_bug.sum(),
        jnp.logical_and(sample_has_no_bug, correct_samples).sum(),
    )

if __name__ == "__main__":
    import jax
    _d = setup_inputs()
    print(jax.jit(kernel)(*tuple(_d.values())))

</pallas_src>

<mosaic_0001>
#map = affine_map<(d0, d1) -> (0)>
module attributes {stable_mosaic.version = 14 : i64} {
  func.func @_lambda_(%arg0: i32, %arg1: i32, %arg2: memref<2113536xf32, #tpu.memory_space<hbm>>, %arg3: memref<2097152xi32, #tpu.memory_space<hbm>>, %arg4: memref<16384xi32, #tpu.memory_space<hbm>>, %arg5: memref<524288xf32, #tpu.memory_space<hbm>>, %arg6: memref<16384xf32, #tpu.memory_space<hbm>>, %arg7: memref<16400xf32, #tpu.memory_space<vmem>>, %arg8: memref<16384xf32, #tpu.memory_space<vmem>>, %arg9: memref<16384xi32, #tpu.memory_space<vmem>>, %arg10: memref<512xi32, #tpu.memory_space<vmem>>, %arg11: memref<512xf32, #tpu.memory_space<vmem>>, %arg12: memref<524288xf32, #tpu.memory_space<vmem_shared>>, %arg13: memref<524288xi32, #tpu.memory_space<vmem_shared>>, %arg14: memref<!tpu.dma_semaphore, #tpu.memory_space<semaphore_mem>>, %arg15: memref<!tpu.dma_semaphore, #tpu.memory_space<semaphore_mem>>, %arg16: memref<!tpu.dma_semaphore, #tpu.memory_space<semaphore_mem>>) attributes {dimension_semantics = [#tpu.dimension_semantics<core_parallel>, #tpu.dimension_semantics<subcore_parallel>], iteration_bounds = array<i64: 2, 16>, scalar_prefetch = 0 : i64, scratch_operands = 10 : i64, tpu.core_type = #tpu.core_type<sc_vector_subcore>, window_params = [{transform_indices = #map}, {transform_indices = #map}, {transform_indices = #map}, {transform_indices = #map}, {transform_indices = #map}]} {
    %mul3A = arith.constant 16 : i32
    %mul3A_0 = arith.muli %arg0, %mul3A : i32
    %add3A = arith.addi %mul3A_0, %arg1 : i32
    %iota3A = tpu.iota {dimensions = array<i32: 0>} : vector<16xi32>
    %broadcast_in_dim3A = arith.constant 0xFF800000 : f32
    %broadcast_in_dim3A_1 = vector.broadcast %broadcast_in_dim3A : f32 to vector<16xf32>
    %mul3A_2 = arith.constant 1048576 : i32
    %mul3A_3 = arith.muli %arg0, %mul3A_2 : i32
    %add3A_4 = arith.constant 0 : i32
    %add3A_5 = arith.addi %mul3A_3, %add3A_4 : i32
    %mul3A_6 = arith.constant 16384 : i32
    %mul3A_7 = arith.muli %arg1, %mul3A_6 : i32
    %add3A_8 = arith.addi %add3A_5, %mul3A_7 : i32
    %mul3A_9 = arith.constant 16384 : i32
    %mul3A_10 = arith.muli %arg1, %mul3A_9 : i32
    %add3A_11 = arith.constant 0 : i32
    %add3A_12 = arith.addi %add3A_11, %mul3A_10 : i32
    %dma_start3A = tpu.memref_slice %arg12[%add3A_12] : memref<524288xf32, #tpu.memory_space<vmem_shared>> -> memref<16384xf32, #tpu.memory_space<vmem_shared>>
    %dma_start3A_13 = tpu.memref_slice %arg2[%add3A_8] : memref<2113536xf32, #tpu.memory_space<hbm>> -> memref<16384xf32, #tpu.memory_space<hbm>>
    tpu.enqueue_dma source(%dma_start3A_13 : memref<16384xf32, #tpu.memory_space<hbm>>) target(%dma_start3A : memref<16384xf32, #tpu.memory_space<vmem_shared>>) target_semaphore(%arg14 : memref<!tpu.dma_semaphore, #tpu.memory_space<semaphore_mem>>)
    %mul3A_14 = arith.constant 1048576 : i32
    %mul3A_15 = arith.muli %arg0, %mul3A_14 : i32
    %add3A_16 = arith.constant 0 : i32
    %add3A_17 = arith.addi %mul3A_15, %add3A_16 : i32
    %mul3A_18 = arith.constant 16384 : i32
    %mul3A_19 = arith.muli %arg1, %mul3A_18 : i32
    %add3A_20 = arith.addi %add3A_17, %mul3A_19 : i32
    %mul3A_21 = arith.constant 16384 : i32
    %mul3A_22 = arith.muli %arg1, %mul3A_21 : i32
    %add3A_23 = arith.constant 0 : i32
    %add3A_24 = arith.addi %add3A_23, %mul3A_22 : i32
    %dma_start3A_25 = tpu.memref_slice %arg13[%add3A_24] : memref<524288xi32, #tpu.memory_space<vmem_shared>> -> memref<16384xi32, #tpu.memory_space<vmem_shared>>
    %dma_start3A_26 = tpu.memref_slice %arg3[%add3A_20] : memref<2097152xi32, #tpu.memory_space<hbm>> -> memref<16384xi32, #tpu.memory_space<hbm>>
    tpu.enqueue_dma source(%dma_start3A_26 : memref<16384xi32, #tpu.memory_space<hbm>>) target(%dma_start3A_25 : memref<16384xi32, #tpu.memory_space<vmem_shared>>) target_semaphore(%arg14 : memref<!tpu.dma_semaphore, #tpu.memory_space<semaphore_mem>>)
    %mul3A_27 = arith.constant 1048576 : i32
    %mul3A_28 = arith.muli %arg0, %mul3A_27 : i32
    %add3A_29 = arith.constant 262144 : i32
    %add3A_30 = arith.addi %mul3A_28, %add3A_29 : i32
    %mul3A_31 = arith.constant 16384 : i32
    %mul3A_32 = arith.muli %arg1, %mul3A_31 : i32
    %add3A_33 = arith.addi %add3A_30, %mul3A_32 : i32
    %mul3A_34 = arith.constant 16384 : i32
    %mul3A_35 = arith.muli %arg1, %mul3A_34 : i32
    %add3A_36 = arith.constant 262144 : i32
    %add3A_37 = arith.addi %add3A_36, %mul3A_35 : i32
    %dma_start3A_38 = tpu.memref_slice %arg12[%add3A_37] : memref<524288xf32, #tpu.memory_space<vmem_shared>> -> memref<16384xf32, #tpu.memory_space<vmem_shared>>
    %dma_start3A_39 = tpu.memref_slice %arg2[%add3A_33] : memref<2113536xf32, #tpu.memory_space<hbm>> -> memref<16384xf32, #tpu.memory_space<hbm>>
    tpu.enqueue_dma source(%dma_start3A_39 : memref<16384xf32, #tpu.memory_space<hbm>>) target(%dma_start3A_38 : memref<16384xf32, #tpu.memory_space<vmem_shared>>) target_semaphore(%arg15 : memref<!tpu.dma_semaphore, #tpu.memory_space<semaphore_mem>>)
    %mul3A_40 = arith.constant 1048576 : i32
    %mul3A_41 = arith.muli %arg0, %mul3A_40 : i32
    %add3A_42 = arith.constant 262144 : i32
    %add3A_43 = arith.addi %mul3A_41, %add3A_42 : i32
    %mul3A_44 = arith.constant 16384 : i32
    %mul3A_45 = arith.muli %arg1, %mul3A_44 : i32
    %add3A_46 = arith.addi %add3A_43, %mul3A_45 : i32
    %mul3A_47 = arith.constant 16384 : i32
    %mul3A_48 = arith.muli %arg1, %mul3A_47 : i32
    %add3A_49 = arith.constant 262144 : i32
    %add3A_50 = arith.addi %add3A_49, %mul3A_48 : i32
    %dma_start3A_51 = tpu.memref_slice %arg13[%add3A_50] : memref<524288xi32, #tpu.memory_space<vmem_shared>> -> memref<16384xi32, #tpu.memory_space<vmem_shared>>
    %dma_start3A_52 = tpu.memref_slice %arg3[%add3A_46] : memref<2097152xi32, #tpu.memory_space<hbm>> -> memref<16384xi32, #tpu.memory_space<hbm>>
    tpu.enqueue_dma source(%dma_start3A_52 : memref<16384xi32, #tpu.memory_space<hbm>>) target(%dma_start3A_51 : memref<16384xi32, #tpu.memory_space<vmem_shared>>) target_semaphore(%arg15 : memref<!tpu.dma_semaphore, #tpu.memory_space<semaphore_mem>>)
    %parallel_loop3A = arith.constant 0 : i32
    %parallel_loop3A_53 = arith.constant 1025 : i32
    %parallel_loop3A_54 = arith.constant 1 : i32
    scf.for %parallel_loop3A_992 = %parallel_loop3A to %parallel_loop3A_53 step %parallel_loop3A_54  : i32 {
      %parallel_loop3A_993 = arith.constant 16 : i32
      %parallel_loop3A_994 = arith.muli %parallel_loop3A_992, %parallel_loop3A_993 : i32
      %parallel_loop3A_995 = arith.index_cast %parallel_loop3A_994 : i32 to index
      %parallel_loop3A_996 = tpu.vector_load %arg7[%parallel_loop3A_995] {strides = array<i32>} : memref<16400xf32, #tpu.memory_space<vmem>>, vector<16xf32>,
      tpu.vector_store %arg7[%parallel_loop3A_995], %broadcast_in_dim3A_1 {strides = array<i32>} : memref<16400xf32, #tpu.memory_space<vmem>>, vector<16xf32>,
    } {sc.loop_unroll_factor = 8 : i64, sc.parallel_access}
    %add3A_55 = arith.constant 16384 : i32
    %add3A_56 = vector.broadcast %add3A_55 : i32 to vector<16xi32>
    %add3A_57 = arith.addi %add3A_56, %iota3A : vector<16xi32>
    %mul3A_58 = arith.constant 1048576 : i32
    %mul3A_59 = arith.muli %arg0, %mul3A_58 : i32
    %add3A_60 = arith.constant 0 : i32
    %add3A_61 = arith.addi %mul3A_59, %add3A_60 : i32
    %mul3A_62 = arith.constant 16384 : i32
    %mul3A_63 = arith.muli %arg1, %mul3A_62 : i32
    %add3A_64 = arith.addi %add3A_61, %mul3A_63 : i32
    %mul3A_65 = arith.constant 16384 : i32
    %mul3A_66 = arith.muli %arg1, %mul3A_65 : i32
    %add3A_67 = arith.constant 0 : i32
    %add3A_68 = arith.addi %add3A_67, %mul3A_66 : i32
    %dma_wait3A = tpu.memref_slice %arg12[%add3A_68] : memref<524288xf32, #tpu.memory_space<vmem_shared>> -> memref<16384xf32, #tpu.memory_space<vmem_shared>>
    %dma_wait3A_69 = tpu.memref_slice %arg2[%add3A_64] : memref<2113536xf32, #tpu.memory_space<hbm>> -> memref<16384xf32, #tpu.memory_space<hbm>>
    tpu.wait_dma2 semaphore(%arg14 : memref<!tpu.dma_semaphore, #tpu.memory_space<semaphore_mem>>) src(%dma_wait3A_69 : memref<16384xf32, #tpu.memory_space<hbm>>) dst(%dma_wait3A : memref<16384xf32, #tpu.memory_space<vmem_shared>>)
    %mul3A_70 = arith.constant 1048576 : i32
    %mul3A_71 = arith.muli %arg0, %mul3A_70 : i32
    %add3A_72 = arith.constant 0 : i32
    %add3A_73 = arith.addi %mul3A_71, %add3A_72 : i32
    %mul3A_74 = arith.constant 16384 : i32
    %mul3A_75 = arith.muli %arg1, %mul3A_74 : i32
    %add3A_76 = arith.addi %add3A_73, %mul3A_75 : i32
    %mul3A_77 = arith.constant 16384 : i32
    %mul3A_78 = arith.muli %arg1, %mul3A_77 : i32
    %add3A_79 = arith.constant 0 : i32
    %add3A_80 = arith.addi %add3A_79, %mul3A_78 : i32
    %dma_wait3A_81 = tpu.memref_slice %arg13[%add3A_80] : memref<524288xi32, #tpu.memory_space<vmem_shared>> -> memref<16384xi32, #tpu.memory_space<vmem_shared>>
    %dma_wait3A_82 = tpu.memref_slice %arg3[%add3A_76] : memref<2097152xi32, #tpu.memory_space<hbm>> -> memref<16384xi32, #tpu.memory_space<hbm>>
    tpu.wait_dma2 semaphore(%arg14 : memref<!tpu.dma_semaphore, #tpu.memory_space<semaphore_mem>>) src(%dma_wait3A_82 : memref<16384xi32, #tpu.memory_space<hbm>>) dst(%dma_wait3A_81 : memref<16384xi32, #tpu.memory_space<vmem_shared>>)
    %mul3A_83 = arith.constant 16384 : i32
    %mul3A_84 = arith.muli %arg1, %mul3A_83 : i32
    %add3A_85 = arith.constant 0 : i32
    %add3A_86 = arith.addi %add3A_85, %mul3A_84 : i32
    "tpu.region"() ({
      %run_scoped3A = tpu.sem_alloc : memref<!tpu.dma_semaphore, #tpu.memory_space<semaphore_mem>>
      %dma_start3A_992 = arith.constant 0 : i32
      %dma_start3A_993 = tpu.memref_slice %arg8[%dma_start3A_992] : memref<16384xf32, #tpu.memory_space<vmem>> -> memref<16384xf32, #tpu.memory_space<vmem>>
      %dma_start3A_994 = tpu.memref_slice %arg12[%add3A_86] : memref<524288xf32, #tpu.memory_space<vmem_shared>> -> memref<16384xf32, #tpu.memory_space<vmem_shared>>
      %dma_start3A_995 = arith.constant 0 : i32
      %dma_start3A_996 = tpu.memref_slice %arg8[%dma_start3A_995] : memref<16384xf32, #tpu.memory_space<vmem>> -> memref<16384xf32, #tpu.memory_space<vmem>>
      %dma_start3A_997 = tpu.memref_slice %arg12[%add3A_86] : memref<524288xf32, #tpu.memory_space<vmem_shared>> -> memref<16384xf32, #tpu.memory_space<vmem_shared>>
      tpu.enqueue_dma source(%dma_start3A_997 : memref<16384xf32, #tpu.memory_space<vmem_shared>>) target(%dma_start3A_996 : memref<16384xf32, #tpu.memory_space<vmem>>) target_semaphore(%run_scoped3A : memref<!tpu.dma_semaphore, #tpu.memory_space<semaphore_mem>>)
      %dma_wait3A_998 = arith.constant 0 : i32
      %dma_wait3A_999 = tpu.memref_slice %arg8[%dma_wait3A_998] : memref<16384xf32, #tpu.memory_space<vmem>> -> memref<16384xf32, #tpu.memory_space<vmem>>
      %dma_wait3A_1000 = tpu.memref_slice %arg12[%add3A_86] : memref<524288xf32, #tpu.memory_space<vmem_shared>> -> memref<16384xf32, #tpu.memory_space<vmem_shared>>
      %dma_wait3A_1001 = arith.constant 0 : i32
      %dma_wait3A_1002 = tpu.memref_slice %arg8[%dma_wait3A_1001] : memref<16384xf32, #tpu.memory_space<vmem>> -> memref<16384xf32, #tpu.memory_space<vmem>>
      %dma_wait3A_1003 = tpu.memref_slice %arg12[%add3A_86] : memref<524288xf32, #tpu.memory_space<vmem_shared>> -> memref<16384xf32, #tpu.memory_space<vmem_shared>>
      tpu.wait_dma2 semaphore(%run_scoped3A : memref<!tpu.dma_semaphore, #tpu.memory_space<semaphore_mem>>) src(%dma_wait3A_1003 : memref<16384xf32, #tpu.memory_space<vmem_shared>>) dst(%dma_wait3A_1002 : memref<16384xf32, #tpu.memory_space<vmem>>)
      tpu.yield
    }) : () -> ()
    %mul3A_87 = arith.constant 16384 : i32
    %mul3A_88 = arith.muli %arg1, %mul3A_87 : i32
    %add3A_89 = arith.constant 0 : i32
    %add3A_90 = arith.addi %add3A_89, %mul3A_88 : i32
    "tpu.region"() ({
      %run_scoped3A = tpu.sem_alloc : memref<!tpu.dma_semaphore, #tpu.memory_space<semaphore_mem>>
      %dma_start3A_992 = arith.constant 0 : i32
      %dma_start3A_993 = tpu.memref_slice %arg9[%dma_start3A_992] : memref<16384xi32, #tpu.memory_space<vmem>> -> memref<16384xi32, #tpu.memory_space<vmem>>
      %dma_start3A_994 = tpu.memref_slice %arg13[%add3A_90] : memref<524288xi32, #tpu.memory_space<vmem_shared>> -> memref<16384xi32, #tpu.memory_space<vmem_shared>>
      %dma_start3A_995 = arith.constant 0 : i32
      %dma_start3A_996 = tpu.memref_slice %arg9[%dma_start3A_995] : memref<16384xi32, #tpu.memory_space<vmem>> -> memref<16384xi32, #tpu.memory_space<vmem>>
      %dma_start3A_997 = tpu.memref_slice %arg13[%add3A_90] : memref<524288xi32, #tpu.memory_space<vmem_shared>> -> memref<16384xi32, #tpu.memory_space<vmem_shared>>
      tpu.enqueue_dma source(%dma_start3A_997 : memref<16384xi32, #tpu.memory_space<vmem_shared>>) target(%dma_start3A_996 : memref<16384xi32, #tpu.memory_space<vmem>>) target_semaphore(%run_scoped3A : memref<!tpu.dma_semaphore, #tpu.memory_space<semaphore_mem>>)
      %dma_wait3A_998 = arith.constant 0 : i32
      %dma_wait3A_999 = tpu.memref_slice %arg9[%dma_wait3A_998] : memref<16384xi32, #tpu.memory_space<vmem>> -> memref<16384xi32, #tpu.memory_space<vmem>>
      %dma_wait3A_1000 = tpu.memref_slice %arg13[%add3A_90] : memref<524288xi32, #tpu.memory_space<vmem_shared>> -> memref<16384xi32, #tpu.memory_space<vmem_shared>>
      %dma_wait3A_1001 = arith.constant 0 : i32
      %dma_wait3A_1002 = tpu.memref_slice %arg9[%dma_wait3A_1001] : memref<16384xi32, #tpu.memory_space<vmem>> -> memref<16384xi32, #tpu.memory_space<vmem>>
      %dma_wait3A_1003 = tpu.memref_slice %arg13[%add3A_90] : memref<524288xi32, #tpu.memory_space<vmem_shared>> -> memref<16384xi32, #tpu.memory_space<vmem_shared>>
      tpu.wait_dma2 semaphore(%run_scoped3A : memref<!tpu.dma_semaphore, #tpu.memory_space<semaphore_mem>>) src(%dma_wait3A_1003 : memref<16384xi32, #tpu.memory_space<vmem_shared>>) dst(%dma_wait3A_1002 : memref<16384xi32, #tpu.memory_space<vmem>>)
      tpu.yield
    }) : () -> ()
    %mul3A_91 = arith.constant 1048576 : i32
    %mul3A_92 = arith.muli %arg0, %mul3A_91 : i32
    %add3A_93 = arith.constant 524288 : i32
    %add3A_94 = arith.addi %mul3A_92, %add3A_93 : i32
    %mul3A_95 = arith.constant 16384 : i32
    %mul3A_96 = arith.muli %arg1, %mul3A_95 : i32
    %add3A_97 = arith.addi %add3A_94, %mul3A_96 : i32
    %mul3A_98 = arith.constant 16384 : i32
    %mul3A_99 = arith.muli %arg1, %mul3A_98 : i32
    %add3A_100 = arith.constant 0 : i32
    %add3A_101 = arith.addi %add3A_100, %mul3A_99 : i32
    %dma_start3A_102 = tpu.memref_slice %arg12[%add3A_101] : memref<524288xf32, #tpu.memory_space<vmem_shared>> -> memref<16384xf32, #tpu.memory_space<vmem_shared>>
    %dma_start3A_103 = tpu.memref_slice %arg2[%add3A_97] : memref<2113536xf32, #tpu.memory_space<hbm>> -> memref<16384xf32, #tpu.memory_space<hbm>>
    tpu.enqueue_dma source(%dma_start3A_103 : memref<16384xf32, #tpu.memory_space<hbm>>) target(%dma_start3A_102 : memref<16384xf32, #tpu.memory_space<vmem_shared>>) target_semaphore(%arg14 : memref<!tpu.dma_semaphore, #tpu.memory_space<semaphore_mem>>)
    %mul3A_104 = arith.constant 1048576 : i32
    %mul3A_105 = arith.muli %arg0, %mul3A_104 : i32
    %add3A_106 = arith.constant 524288 : i32
    %add3A_107 = arith.addi %mul3A_105, %add3A_106 : i32
    %mul3A_108 = arith.constant 16384 : i32
    %mul3A_109 = arith.muli %arg1, %mul3A_108 : i32
    %add3A_110 = arith.addi %add3A_107, %mul3A_109 : i32
    %mul3A_111 = arith.constant 16384 : i32
    %mul3A_112 = arith.muli %arg1, %mul3A_111 : i32
    %add3A_113 = arith.constant 0 : i32
    %add3A_114 = arith.addi %add3A_113, %mul3A_112 : i32
    %dma_start3A_115 = tpu.memref_slice %arg13[%add3A_114] : memref<524288xi32, #tpu.memory_space<vmem_shared>> -> memref<16384xi32, #tpu.memory_space<vmem_shared>>
    %dma_start3A_116 = tpu.memref_slice %arg3[%add3A_110] : memref<2097152xi32, #tpu.memory_space<hbm>> -> memref<16384xi32, #tpu.memory_space<hbm>>
    tpu.enqueue_dma source(%dma_start3A_116 : memref<16384xi32, #tpu.memory_space<hbm>>) target(%dma_start3A_115 : memref<16384xi32, #tpu.memory_space<vmem_shared>>) target_semaphore(%arg14 : memref<!tpu.dma_semaphore, #tpu.memory_space<semaphore_mem>>)
    %mul3A_117 = arith.constant 1025 : i32
    %mul3A_118 = vector.broadcast %mul3A_117 : i32 to vector<16xi32>
    %mul3A_119 = arith.muli %iota3A, %mul3A_118 : vector<16xi32>
    %add3A_120 = arith.constant 1 : i32
    %add3A_121 = vector.broadcast %add3A_120 : i32 to vector<16xi32>
    %add3A_122 = arith.addi %iota3A, %add3A_121 : vector<16xi32>
    %mul3A_123 = arith.constant 1025 : i32
    %mul3A_124 = vector.broadcast %mul3A_123 : i32 to vector<16xi32>
    %mul3A_125 = arith.muli %add3A_122, %mul3A_124 : vector<16xi32>
    %min3A = arith.constant 16384 : i32
    %min3A_126 = vector.broadcast %min3A : i32 to vector<16xi32>
    %min3A_127 = arith.minsi %mul3A_125, %min3A_126 : vector<16xi32>
    %gather3A = tpu.vector_load_idx %arg9[%mul3A_119] : memref<16384xi32, #tpu.memory_space<vmem>>[vector<16xi32>], vector<16xi32>,
    %parallel_loop3A_128 = arith.constant 0 : i32
    %parallel_loop3A_129 = arith.constant 1009 : i32
    %parallel_loop3A_130 = arith.constant 1 : i32
    %parallel_loop3A_131:3 = scf.for %parallel_loop3A_992 = %parallel_loop3A_128 to %parallel_loop3A_129 step %parallel_loop3A_130 iter_args(%parallel_loop3A_993 = %broadcast_in_dim3A_1, %parallel_loop3A_994 = %gather3A, %parallel_loop3A_995 = %add3A_57) -> (vector<16xf32>, vector<16xi32>, vector<16xi32>)  : i32 {
      %parallel_loop3A_996 = vector.broadcast %parallel_loop3A_992 : i32 to vector<16xi32>
      %parallel_loop3A_997 = arith.addi %mul3A_119, %parallel_loop3A_996 : vector<16xi32>
      %parallel_loop3A_998 = tpu.vector_load_idx %arg8[%parallel_loop3A_997] : memref<16384xf32, #tpu.memory_space<vmem>>[vector<16xi32>], vector<16xf32>,
      %parallel_loop3A_999 = tpu.vector_load_idx %arg9[%parallel_loop3A_997] : memref<16384xi32, #tpu.memory_space<vmem>>[vector<16xi32>], vector<16xi32>,
      %parallel_loop3A_1000 = arith.cmpi ne, %parallel_loop3A_999, %parallel_loop3A_994 : vector<16xi32>
      tpu.vector_store_idx %arg7[%parallel_loop3A_995], %parallel_loop3A_993 masked %parallel_loop3A_1000 : memref<16400xf32, #tpu.memory_space<vmem>>[vector<16xi32>], vector<16xf32>, vector<16xi1>
      %parallel_loop3A_1001 = arith.select %parallel_loop3A_1000, %parallel_loop3A_999, %parallel_loop3A_995 : vector<16xi1>, vector<16xi32>
      %parallel_loop3A_1002 = arith.maximumf %parallel_loop3A_993, %parallel_loop3A_998 : vector<16xf32>
      %parallel_loop3A_1003 = arith.select %parallel_loop3A_1000, %parallel_loop3A_998, %parallel_loop3A_1002 : vector<16xi1>, vector<16xf32>
      scf.yield %parallel_loop3A_1003, %parallel_loop3A_999, %parallel_loop3A_1001 : vector<16xf32>, vector<16xi32>, vector<16xi32>
    } {sc.loop_unroll_factor = 8 : i64, sc.parallel_access}
    %parallel_loop3A_132 = arith.constant 1009 : i32
    %parallel_loop3A_133 = arith.constant 1025 : i32
    %parallel_loop3A_134 = arith.constant 1 : i32
    %parallel_loop3A_135:3 = scf.for %parallel_loop3A_992 = %parallel_loop3A_132 to %parallel_loop3A_133 step %parallel_loop3A_134 iter_args(%parallel_loop3A_993 = %parallel_loop3A_131#0, %parallel_loop3A_994 = %parallel_loop3A_131#1, %parallel_loop3A_995 = %parallel_loop3A_131#2) -> (vector<16xf32>, vector<16xi32>, vector<16xi32>)  : i32 {
      %parallel_loop3A_996 = vector.broadcast %parallel_loop3A_992 : i32 to vector<16xi32>
      %parallel_loop3A_997 = arith.addi %mul3A_119, %parallel_loop3A_996 : vector<16xi32>
      %parallel_loop3A_998 = arith.cmpi slt, %parallel_loop3A_997, %min3A_127 : vector<16xi32>
      %parallel_loop3A_999 = arith.constant 16383 : i32
      %parallel_loop3A_1000 = vector.broadcast %parallel_loop3A_999 : i32 to vector<16xi32>
      %parallel_loop3A_1001 = arith.minsi %parallel_loop3A_997, %parallel_loop3A_1000 : vector<16xi32>
      %parallel_loop3A_1002 = tpu.vector_load_idx %arg8[%parallel_loop3A_1001] : memref<16384xf32, #tpu.memory_space<vmem>>[vector<16xi32>], vector<16xf32>,
      %parallel_loop3A_1003 = tpu.vector_load_idx %arg9[%parallel_loop3A_1001] : memref<16384xi32, #tpu.memory_space<vmem>>[vector<16xi32>], vector<16xi32>,
      %parallel_loop3A_1004 = arith.select %parallel_loop3A_998, %parallel_loop3A_1003, %parallel_loop3A_994 : vector<16xi1>, vector<16xi32>
      %parallel_loop3A_1005 = arith.cmpi ne, %parallel_loop3A_1004, %parallel_loop3A_994 : vector<16xi32>
      tpu.vector_store_idx %arg7[%parallel_loop3A_995], %parallel_loop3A_993 masked %parallel_loop3A_1005 : memref<16400xf32, #tpu.memory_space<vmem>>[vector<16xi32>], vector<16xf32>, vector<16xi1>
      %parallel_loop3A_1006 = arith.select %parallel_loop3A_1005, %parallel_loop3A_1004, %parallel_loop3A_995 : vector<16xi1>, vector<16xi32>
      %parallel_loop3A_1007 = arith.maximumf %parallel_loop3A_993, %parallel_loop3A_1002 : vector<16xf32>
      %parallel_loop3A_1008 = arith.select %parallel_loop3A_998, %parallel_loop3A_1007, %parallel_loop3A_993 : vector<16xi1>, vector<16xf32>
      %parallel_loop3A_1009 = arith.select %parallel_loop3A_1005, %parallel_loop3A_1002, %parallel_loop3A_1008 : vector<16xi1>, vector<16xf32>
      scf.yield %parallel_loop3A_1009, %parallel_loop3A_1004, %parallel_loop3A_1006 : vector<16xf32>, vector<16xi32>, vector<16xi32>
    } {sc.loop_unroll_factor = 4 : i64, sc.parallel_access}
    %gather3A_136 = tpu.vector_load_idx %arg7[%add3A_57] : memref<16400xf32, #tpu.memory_space<vmem>>[vector<16xi32>], vector<16xf32>,
    %gather3A_137 = tpu.vector_load_idx %arg7[%gather3A] : memref<16400xf32, #tpu.memory_space<vmem>>[vector<16xi32>], vector<16xf32>,
    %max3A = arith.maximumf %gather3A_137, %gather3A_136 : vector<16xf32>
    %eq3A = arith.constant 0 : i32
    %eq3A_138 = vector.broadcast %eq3A : i32 to vector<16xi32>
    %eq3A_139 = arith.cmpi eq, %iota3A, %eq3A_138 : vector<16xi32>
    tpu.vector_store_idx %arg7[%gather3A], %max3A masked %eq3A_139 : memref<16400xf32, #tpu.memory_space<vmem>>[vector<16xi32>], vector<16xf32>, vector<16xi1>
    %gather3A_140 = tpu.vector_load_idx %arg7[%gather3A] : memref<16400xf32, #tpu.memory_space<vmem>>[vector<16xi32>], vector<16xf32>,
    %max3A_141 = arith.maximumf %gather3A_140, %gather3A_136 : vector<16xf32>
    %eq3A_142 = arith.constant 1 : i32
    %eq3A_143 = vector.broadcast %eq3A_142 : i32 to vector<16xi32>
    %eq3A_144 = arith.cmpi eq, %iota3A, %eq3A_143 : vector<16xi32>
    tpu.vector_store_idx %arg7[%gather3A], %max3A_141 masked %eq3A_144 : memref<16400xf32, #tpu.memory_space<vmem>>[vector<16xi32>], vector<16xf32>, vector<16xi1>
    %gather3A_145 = tpu.vector_load_idx %arg7[%gather3A] : memref<16400xf32, #tpu.memory_space<vmem>>[vector<16xi32>], vector<16xf32>,
    %max3A_146 = arith.maximumf %gather3A_145, %gather3A_136 : vector<16xf32>
    %eq3A_147 = arith.constant 2 : i32
    %eq3A_148 = vector.broadcast %eq3A_147 : i32 to vector<16xi32>
    %eq3A_149 = arith.cmpi eq, %iota3A, %eq3A_148 : vector<16xi32>
    tpu.vector_store_idx %arg7[%gather3A], %max3A_146 masked %eq3A_149 : memref<16400xf32, #tpu.memory_space<vmem>>[vector<16xi32>], vector<16xf32>, vector<16xi1>
    %gather3A_150 = tpu.vector_load_idx %arg7[%gather3A] : memref<16400xf32, #tpu.memory_space<vmem>>[vector<16xi32>], vector<16xf32>,
    %max3A_151 = arith.maximumf %gather3A_150, %gather3A_136 : vector<16xf32>
    %eq3A_152 = arith.constant 3 : i32
    %eq3A_153 = vector.broadcast %eq3A_152 : i32 to vector<16xi32>
    %eq3A_154 = arith.cmpi eq, %iota3A, %eq3A_153 : vector<16xi32>
    tpu.vector_store_idx %arg7[%gather3A], %max3A_151 masked %eq3A_154 : memref<16400xf32, #tpu.memory_space<vmem>>[vector<16xi32>], vector<16xf32>, vector<16xi1>
    %gather3A_155 = tpu.vector_load_idx %arg7[%gather3A] : memref<16400xf32, #tpu.memory_space<vmem>>[vector<16xi32>], vector<16xf32>,
    %max3A_156 = arith.maximumf %gather3A_155, %gather3A_136 : vector<16xf32>
    %eq3A_157 = arith.constant 4 : i32
    %eq3A_158 = vector.broadcast %eq3A_157 : i32 to vector<16xi32>
    %eq3A_159 = arith.cmpi eq, %iota3A, %eq3A_158 : vector<16xi32>
    tpu.vector_store_idx %arg7[%gather3A], %max3A_156 masked %eq3A_159 : memref<16400xf32, #tpu.memory_space<vmem>>[vector<16xi32>], vector<16xf32>, vector<16xi1>
    %gather3A_160 = tpu.vector_load_idx %arg7[%gather3A] : memref<16400xf32, #tpu.memory_space<vmem>>[vector<16xi32>], vector<16xf32>,
    %max3A_161 = arith.maximumf %gather3A_160, %gather3A_136 : vector<16xf32>
    %eq3A_162 = arith.constant 5 : i32
    %eq3A_163 = vector.broadcast %eq3A_162 : i32 to vector<16xi32>
    %eq3A_164 = arith.cmpi eq, %iota3A, %eq3A_163 : vector<16xi32>
    tpu.vector_store_idx %arg7[%gather3A], %max3A_161 masked %eq3A_164 : memref<16400xf32, #tpu.memory_space<vmem>>[vector<16xi32>], vector<16xf32>, vector<16xi1>
    %gather3A_165 = tpu.vector_load_idx %arg7[%gather3A] : memref<16400xf32, #tpu.memory_space<vmem>>[vector<16xi32>], vector<16xf32>,
    %max3A_166 = arith.maximumf %gather3A_165, %gather3A_136 : vector<16xf32>
    %eq3A_167 = arith.constant 6 : i32
    %eq3A_168 = vector.broadcast %eq3A_167 : i32 to vector<16xi32>
    %eq3A_169 = arith.cmpi eq, %iota3A, %eq3A_168 : vector<16xi32>
    tpu.vector_store_idx %arg7[%gather3A], %max3A_166 masked %eq3A_169 : memref<16400xf32, #tpu.memory_space<vmem>>[vector<16xi32>], vector<16xf32>, vector<16xi1>
    %gather3A_170 = tpu.vector_load_idx %arg7[%gather3A] : memref<16400xf32, #tpu.memory_space<vmem>>[vector<16xi32>], vector<16xf32>,
    %max3A_171 = arith.maximumf %gather3A_170, %gather3A_136 : vector<16xf32>
    %eq3A_172 = arith.constant 7 : i32
    %eq3A_173 = vector.broadcast %eq3A_172 : i32 to vector<16xi32>
    %eq3A_174 = arith.cmpi eq, %iota3A, %eq3A_173 : vector<16xi32>
    tpu.vector_store_idx %arg7[%gather3A], %max3A_171 masked %eq3A_174 : memref<16400xf32, #tpu.memory_space<vmem>>[vector<16xi32>], vector<16xf32>, vector<16xi1>
    %gather3A_175 = tpu.vector_load_idx %arg7[%gather3A] : memref<16400xf32, #tpu.memory_space<vmem>>[vector<16xi32>], vector<16xf32>,
    %max3A_176 = arith.maximumf %gather3A_175, %gather3A_136 : vector<16xf32>
    %eq3A_177 = arith.constant 8 : i32
    %eq3A_178 = vector.broadcast %eq3A_177 : i32 to vector<16xi32>
    %eq3A_179 = arith.cmpi eq, %iota3A, %eq3A_178 : vector<16xi32>
    tpu.vector_store_idx %arg7[%gather3A], %max3A_176 masked %eq3A_179 : memref<16400xf32, #tpu.memory_space<vmem>>[vector<16xi32>], vector<16xf32>, vector<16xi1>
    %gather3A_180 = tpu.vector_load_idx %arg7[%gather3A] : memref<16400xf32, #tpu.memory_space<vmem>>[vector<16xi32>], vector<16xf32>,
    %max3A_181 = arith.maximumf %gather3A_180, %gather3A_136 : vector<16xf32>
    %eq3A_182 = arith.constant 9 : i32
    %eq3A_183 = vector.broadcast %eq3A_182 : i32 to vector<16xi32>
    %eq3A_184 = arith.cmpi eq, %iota3A, %eq3A_183 : vector<16xi32>
    tpu.vector_store_idx %arg7[%gather3A], %max3A_181 masked %eq3A_184 : memref<16400xf32, #tpu.memory_space<vmem>>[vector<16xi32>], vector<16xf32>, vector<16xi1>
    %gather3A_185 = tpu.vector_load_idx %arg7[%gather3A] : memref<16400xf32, #tpu.memory_space<vmem>>[vector<16xi32>], vector<16xf32>,
    %max3A_186 = arith.maximumf %gather3A_185, %gather3A_136 : vector<16xf32>
    %eq3A_187 = arith.constant 10 : i32
    %eq3A_188 = vector.broadcast %eq3A_187 : i32 to vector<16xi32>
    %eq3A_189 = arith.cmpi eq, %iota3A, %eq3A_188 : vector<16xi32>
    tpu.vector_store_idx %arg7[%gather3A], %max3A_186 masked %eq3A_189 : memref<16400xf32, #tpu.memory_space<vmem>>[vector<16xi32>], vector<16xf32>, vector<16xi1>
    %gather3A_190 = tpu.vector_load_idx %arg7[%gather3A] : memref<16400xf32, #tpu.memory_space<vmem>>[vector<16xi32>], vector<16xf32>,
    %max3A_191 = arith.maximumf %gather3A_190, %gather3A_136 : vector<16xf32>
    %eq3A_192 = arith.constant 11 : i32
    %eq3A_193 = vector.broadcast %eq3A_192 : i32 to vector<16xi32>
    %eq3A_194 = arith.cmpi eq, %iota3A, %eq3A_193 : vector<16xi32>
    tpu.vector_store_idx %arg7[%gather3A], %max3A_191 masked %eq3A_194 : memref<16400xf32, #tpu.memory_space<vmem>>[vector<16xi32>], vector<16xf32>, vector<16xi1>
    %gather3A_195 = tpu.vector_load_idx %arg7[%gather3A] : memref<16400xf32, #tpu.memory_space<vmem>>[vector<16xi32>], vector<16xf32>,
    %max3A_196 = arith.maximumf %gather3A_195, %gather3A_136 : vector<16xf32>
    %eq3A_197 = arith.constant 12 : i32
    %eq3A_198 = vector.broadcast %eq3A_197 : i32 to vector<16xi32>
    %eq3A_199 = arith.cmpi eq, %iota3A, %eq3A_198 : vector<16xi32>
    tpu.vector_store_idx %arg7[%gather3A], %max3A_196 masked %eq3A_199 : memref<16400xf32, #tpu.memory_space<vmem>>[vector<16xi32>], vector<16xf32>, vector<16xi1>
    %gather3A_200 = tpu.vector_load_idx %arg7[%gather3A] : memref<16400xf32, #tpu.memory_space<vmem>>[vector<16xi32>], vector<16xf32>,
    %max3A_201 = arith.maximumf %gather3A_200, %gather3A_136 : vector<16xf32>
    %eq3A_202 = arith.constant 13 : i32
    %eq3A_203 = vector.broadcast %eq3A_202 : i32 to vector<16xi32>
    %eq3A_204 = arith.cmpi eq, %iota3A, %eq3A_203 : vector<16xi32>
    tpu.vector_store_idx %arg7[%gather3A], %max3A_201 masked %eq3A_204 : memref<16400xf32, #tpu.memory_space<vmem>>[vector<16xi32>], vector<16xf32>, vector<16xi1>
    %gather3A_205 = tpu.vector_load_idx %arg7[%gather3A] : memref<16400xf32, #tpu.memory_space<vmem>>[vector<16xi32>], vector<16xf32>,
    %max3A_206 = arith.maximumf %gather3A_205, %gather3A_136 : vector<16xf32>
    %eq3A_207 = arith.constant 14 : i32
    %eq3A_208 = vector.broadcast %eq3A_207 : i32 to vector<16xi32>
    %eq3A_209 = arith.cmpi eq, %iota3A, %eq3A_208 : vector<16xi32>
    tpu.vector_store_idx %arg7[%gather3A], %max3A_206 masked %eq3A_209 : memref<16400xf32, #tpu.memory_space<vmem>>[vector<16xi32>], vector<16xf32>, vector<16xi1>
    %gather3A_210 = tpu.vector_load_idx %arg7[%gather3A] : memref<16400xf32, #tpu.memory_space<vmem>>[vector<16xi32>], vector<16xf32>,
    %max3A_211 = arith.maximumf %gather3A_210, %gather3A_136 : vector<16xf32>
    %eq3A_212 = arith.constant 15 : i32
    %eq3A_213 = vector.broadcast %eq3A_212 : i32 to vector<16xi32>
    %eq3A_214 = arith.cmpi eq, %iota3A, %eq3A_213 : vector<16xi32>
    tpu.vector_store_idx %arg7[%gather3A], %max3A_211 masked %eq3A_214 : memref<16400xf32, #tpu.memory_space<vmem>>[vector<16xi32>], vector<16xf32>, vector<16xi1>
    %gather3A_215 = tpu.vector_load_idx %arg7[%parallel_loop3A_135#1] : memref<16400xf32, #tpu.memory_space<vmem>>[vector<16xi32>], vector<16xf32>,
    %max3A_216 = arith.maximumf %gather3A_215, %parallel_loop3A_135#0 : vector<16xf32>
    %eq3A_217 = arith.constant 0 : i32
    %eq3A_218 = vector.broadcast %eq3A_217 : i32 to vector<16xi32>
    %eq3A_219 = arith.cmpi eq, %iota3A, %eq3A_218 : vector<16xi32>
    tpu.vector_store_idx %arg7[%parallel_loop3A_135#1], %max3A_216 masked %eq3A_219 : memref<16400xf32, #tpu.memory_space<vmem>>[vector<16xi32>], vector<16xf32>, vector<16xi1>
    %gather3A_220 = tpu.vector_load_idx %arg7[%parallel_loop3A_135#1] : memref<16400xf32, #tpu.memory_space<vmem>>[vector<16xi32>], vector<16xf32>,
    %max3A_221 = arith.maximumf %gather3A_220, %parallel_loop3A_135#0 : vector<16xf32>
    %eq3A_222 = arith.constant 1 : i32
    %eq3A_223 = vector.broadcast %eq3A_222 : i32 to vector<16xi32>
    %eq3A_224 = arith.cmpi eq, %iota3A, %eq3A_223 : vector<16xi32>
    tpu.vector_store_idx %arg7[%parallel_loop3A_135#1], %max3A_221 masked %eq3A_224 : memref<16400xf32, #tpu.memory_space<vmem>>[vector<16xi32>], vector<16xf32>, vector<16xi1>
    %gather3A_225 = tpu.vector_load_idx %arg7[%parallel_loop3A_135#1] : memref<16400xf32, #tpu.memory_space<vmem>>[vector<16xi32>], vector<16xf32>,
    %max3A_226 = arith.maximumf %gather3A_225, %parallel_loop3A_135#0 : vector<16xf32>
    %eq3A_227 = arith.constant 2 : i32
    %eq3A_228 = vector.broadcast %eq3A_227 : i32 to vector<16xi32>
    %eq3A_229 = arith.cmpi eq, %iota3A, %eq3A_228 : vector<16xi32>
    tpu.vector_store_idx %arg7[%parallel_loop3A_135#1], %max3A_226 masked %eq3A_229 : memref<16400xf32, #tpu.memory_space<vmem>>[vector<16xi32>], vector<16xf32>, vector<16xi1>
    %gather3A_230 = tpu.vector_load_idx %arg7[%parallel_loop3A_135#1] : memref<16400xf32, #tpu.memory_space<vmem>>[vector<16xi32>], vector<16xf32>,
    %max3A_231 = arith.maximumf %gather3A_230, %parallel_loop3A_135#0 : vector<16xf32>
    %eq3A_232 = arith.constant 3 : i32
    %eq3A_233 = vector.broadcast %eq3A_232 : i32 to vector<16xi32>
    %eq3A_234 = arith.cmpi eq, %iota3A, %eq3A_233 : vector<16xi32>
    tpu.vector_store_idx %arg7[%parallel_loop3A_135#1], %max3A_231 masked %eq3A_234 : memref<16400xf32, #tpu.memory_space<vmem>>[vector<16xi32>], vector<16xf32>, vector<16xi1>
    %gather3A_235 = tpu.vector_load_idx %arg7[%parallel_loop3A_135#1] : memref<16400xf32, #tpu.memory_space<vmem>>[vector<16xi32>], vector<16xf32>,
    %max3A_236 = arith.maximumf %gather3A_235, %parallel_loop3A_135#0 : vector<16xf32>
    %eq3A_237 = arith.constant 4 : i32
    %eq3A_238 = vector.broadcast %eq3A_237 : i32 to vector<16xi32>
    %eq3A_239 = arith.cmpi eq, %iota3A, %eq3A_238 : vector<16xi32>
    tpu.vector_store_idx %arg7[%parallel_loop3A_135#1], %max3A_236 masked %eq3A_239 : memref<16400xf32, #tpu.memory_space<vmem>>[vector<16xi32>], vector<16xf32>, vector<16xi1>
    %gather3A_240 = tpu.vector_load_idx %arg7[%parallel_loop3A_135#1] : memref<16400xf32, #tpu.memory_space<vmem>>[vector<16xi32>], vector<16xf32>,
    %max3A_241 = arith.maximumf %gather3A_240, %parallel_loop3A_135#0 : vector<16xf32>
    %eq3A_242 = arith.constant 5 : i32
    %eq3A_243 = vector.broadcast %eq3A_242 : i32 to vector<16xi32>
    %eq3A_244 = arith.cmpi eq, %iota3A, %eq3A_243 : vector<16xi32>
    tpu.vector_store_idx %arg7[%parallel_loop3A_135#1], %max3A_241 masked %eq3A_244 : memref<16400xf32, #tpu.memory_space<vmem>>[vector<16xi32>], vector<16xf32>, vector<16xi1>
    %gather3A_245 = tpu.vector_load_idx %arg7[%parallel_loop3A_135#1] : memref<16400xf32, #tpu.memory_space<vmem>>[vector<16xi32>], vector<16xf32>,
    %max3A_246 = arith.maximumf %gather3A_245, %parallel_loop3A_135#0 : vector<16xf32>
    %eq3A_247 = arith.constant 6 : i32
    %eq3A_248 = vector.broadcast %eq3A_247 : i32 to vector<16xi32>
    %eq3A_249 = arith.cmpi eq, %iota3A, %eq3A_248 : vector<16xi32>
    tpu.vector_store_idx %arg7[%parallel_loop3A_135#1], %max3A_246 masked %eq3A_249 : memref<16400xf32, #tpu.memory_space<vmem>>[vector<16xi32>], vector<16xf32>, vector<16xi1>
    %gather3A_250 = tpu.vector_load_idx %arg7[%parallel_loop3A_135#1] : memref<16400xf32, #tpu.memory_space<vmem>>[vector<16xi32>], vector<16xf32>,
    %max3A_251 = arith.maximumf %gather3A_250, %parallel_loop3A_135#0 : vector<16xf32>
    %eq3A_252 = arith.constant 7 : i32
    %eq3A_253 = vector.broadcast %eq3A_252 : i32 to vector<16xi32>
    %eq3A_254 = arith.cmpi eq, %iota3A, %eq3A_253 : vector<16xi32>
    tpu.vector_store_idx %arg7[%parallel_loop3A_135#1], %max3A_251 masked %eq3A_254 : memref<16400xf32, #tpu.memory_space<vmem>>[vector<16xi32>], vector<16xf32>, vector<16xi1>
    %gather3A_255 = tpu.vector_load_idx %arg7[%parallel_loop3A_135#1] : memref<16400xf32, #tpu.memory_space<vmem>>[vector<16xi32>], vector<16xf32>,
    %max3A_256 = arith.maximumf %gather3A_255, %parallel_loop3A_135#0 : vector<16xf32>
    %eq3A_257 = arith.constant 8 : i32
    %eq3A_258 = vector.broadcast %eq3A_257 : i32 to vector<16xi32>
    %eq3A_259 = arith.cmpi eq, %iota3A, %eq3A_258 : vector<16xi32>
    tpu.vector_store_idx %arg7[%parallel_loop3A_135#1], %max3A_256 masked %eq3A_259 : memref<16400xf32, #tpu.memory_space<vmem>>[vector<16xi32>], vector<16xf32>, vector<16xi1>
    %gather3A_260 = tpu.vector_load_idx %arg7[%parallel_loop3A_135#1] : memref<16400xf32, #tpu.memory_space<vmem>>[vector<16xi32>], vector<16xf32>,
    %max3A_261 = arith.maximumf %gather3A_260, %parallel_loop3A_135#0 : vector<16xf32>
    %eq3A_262 = arith.constant 9 : i32
    %eq3A_263 = vector.broadcast %eq3A_262 : i32 to vector<16xi32>
    %eq3A_264 = arith.cmpi eq, %iota3A, %eq3A_263 : vector<16xi32>
    tpu.vector_store_idx %arg7[%parallel_loop3A_135#1], %max3A_261 masked %eq3A_264 : memref<16400xf32, #tpu.memory_space<vmem>>[vector<16xi32>], vector<16xf32>, vector<16xi1>
    %gather3A_265 = tpu.vector_load_idx %arg7[%parallel_loop3A_135#1] : memref<16400xf32, #tpu.memory_space<vmem>>[vector<16xi32>], vector<16xf32>,
    %max3A_266 = arith.maximumf %gather3A_265, %parallel_loop3A_135#0 : vector<16xf32>
    %eq3A_267 = arith.constant 10 : i32
    %eq3A_268 = vector.broadcast %eq3A_267 : i32 to vector<16xi32>
    %eq3A_269 = arith.cmpi eq, %iota3A, %eq3A_268 : vector<16xi32>
    tpu.vector_store_idx %arg7[%parallel_loop3A_135#1], %max3A_266 masked %eq3A_269 : memref<16400xf32, #tpu.memory_space<vmem>>[vector<16xi32>], vector<16xf32>, vector<16xi1>
    %gather3A_270 = tpu.vector_load_idx %arg7[%parallel_loop3A_135#1] : memref<16400xf32, #tpu.memory_space<vmem>>[vector<16xi32>], vector<16xf32>,
    %max3A_271 = arith.maximumf %gather3A_270, %parallel_loop3A_135#0 : vector<16xf32>
    %eq3A_272 = arith.constant 11 : i32
    %eq3A_273 = vector.broadcast %eq3A_272 : i32 to vector<16xi32>
    %eq3A_274 = arith.cmpi eq, %iota3A, %eq3A_273 : vector<16xi32>
    tpu.vector_store_idx %arg7[%parallel_loop3A_135#1], %max3A_271 masked %eq3A_274 : memref<16400xf32, #tpu.memory_space<vmem>>[vector<16xi32>], vector<16xf32>, vector<16xi1>
    %gather3A_275 = tpu.vector_load_idx %arg7[%parallel_loop3A_135#1] : memref<16400xf32, #tpu.memory_space<vmem>>[vector<16xi32>], vector<16xf32>,
    %max3A_276 = arith.maximumf %gather3A_275, %parallel_loop3A_135#0 : vector<16xf32>
    %eq3A_277 = arith.constant 12 : i32
    %eq3A_278 = vector.broadcast %eq3A_277 : i32 to vector<16xi32>
    %eq3A_279 = arith.cmpi eq, %iota3A, %eq3A_278 : vector<16xi32>
    tpu.vector_store_idx %arg7[%parallel_loop3A_135#1], %max3A_276 masked %eq3A_279 : memref<16400xf32, #tpu.memory_space<vmem>>[vector<16xi32>], vector<16xf32>, vector<16xi1>
    %gather3A_280 = tpu.vector_load_idx %arg7[%parallel_loop3A_135#1] : memref<16400xf32, #tpu.memory_space<vmem>>[vector<16xi32>], vector<16xf32>,
    %max3A_281 = arith.maximumf %gather3A_280, %parallel_loop3A_135#0 : vector<16xf32>
    %eq3A_282 = arith.constant 13 : i32
    %eq3A_283 = vector.broadcast %eq3A_282 : i32 to vector<16xi32>
    %eq3A_284 = arith.cmpi eq, %iota3A, %eq3A_283 : vector<16xi32>
    tpu.vector_store_idx %arg7[%parallel_loop3A_135#1], %max3A_281 masked %eq3A_284 : memref<16400xf32, #tpu.memory_space<vmem>>[vector<16xi32>], vector<16xf32>, vector<16xi1>
    %gather3A_285 = tpu.vector_load_idx %arg7[%parallel_loop3A_135#1] : memref<16400xf32, #tpu.memory_space<vmem>>[vector<16xi32>], vector<16xf32>,
    %max3A_286 = arith.maximumf %gather3A_285, %parallel_loop3A_135#0 : vector<16xf32>
    %eq3A_287 = arith.constant 14 : i32
    %eq3A_288 = vector.broadcast %eq3A_287 : i32 to vector<16xi32>
    %eq3A_289 = arith.cmpi eq, %iota3A, %eq3A_288 : vector<16xi32>
    tpu.vector_store_idx %arg7[%parallel_loop3A_135#1], %max3A_286 masked %eq3A_289 : memref<16400xf32, #tpu.memory_space<vmem>>[vector<16xi32>], vector<16xf32>, vector<16xi1>
    %gather3A_290 = tpu.vector_load_idx %arg7[%parallel_loop3A_135#1] : memref<16400xf32, #tpu.memory_space<vmem>>[vector<16xi32>], vector<16xf32>,
    %max3A_291 = arith.maximumf %gather3A_290, %parallel_loop3A_135#0 : vector<16xf32>
    %eq3A_292 = arith.constant 15 : i32
    %eq3A_293 = vector.broadcast %eq3A_292 : i32 to vector<16xi32>
    %eq3A_294 = arith.cmpi eq, %iota3A, %eq3A_293 : vector<16xi32>
    tpu.vector_store_idx %arg7[%parallel_loop3A_135#1], %max3A_291 masked %eq3A_294 : memref<16400xf32, #tpu.memory_space<vmem>>[vector<16xi32>], vector<16xf32>, vector<16xi1>
    %swap3A = arith.constant 16384 : index
    %swap3A_295 = tpu.vector_load %arg7[%swap3A] {strides = array<i32>} : memref<16400xf32, #tpu.memory_space<vmem>>, vector<16xf32>,
    tpu.vector_store %arg7[%swap3A], %broadcast_in_dim3A_1 {strides = array<i32>} : memref<16400xf32, #tpu.memory_space<vmem>>, vector<16xf32>,
    %mul3A_296 = arith.constant 1048576 : i32
    %mul3A_297 = arith.muli %arg0, %mul3A_296 : i32
    %add3A_298 = arith.constant 262144 : i32
    %add3A_299 = arith.addi %mul3A_297, %add3A_298 : i32
    %mul3A_300 = arith.constant 16384 : i32
    %mul3A_301 = arith.muli %arg1, %mul3A_300 : i32
    %add3A_302 = arith.addi %add3A_299, %mul3A_301 : i32
    %mul3A_303 = arith.constant 16384 : i32
    %mul3A_304 = arith.muli %arg1, %mul3A_303 : i32
    %add3A_305 = arith.constant 262144 : i32
    %add3A_306 = arith.addi %add3A_305, %mul3A_304 : i32
    %dma_wait3A_307 = tpu.memref_slice %arg12[%add3A_306] : memref<524288xf32, #tpu.memory_space<vmem_shared>> -> memref<16384xf32, #tpu.memory_space<vmem_shared>>
    %dma_wait3A_308 = tpu.memref_slice %arg2[%add3A_302] : memref<2113536xf32, #tpu.memory_space<hbm>> -> memref<16384xf32, #tpu.memory_space<hbm>>
    tpu.wait_dma2 semaphore(%arg15 : memref<!tpu.dma_semaphore, #tpu.memory_space<semaphore_mem>>) src(%dma_wait3A_308 : memref<16384xf32, #tpu.memory_space<hbm>>) dst(%dma_wait3A_307 : memref<16384xf32, #tpu.memory_space<vmem_shared>>)
    %mul3A_309 = arith.constant 1048576 : i32
    %mul3A_310 = arith.muli %arg0, %mul3A_309 : i32
    %add3A_311 = arith.constant 262144 : i32
    %add3A_312 = arith.addi %mul3A_310, %add3A_311 : i32
    %mul3A_313 = arith.constant 16384 : i32
    %mul3A_314 = arith.muli %arg1, %mul3A_313 : i32
    %add3A_315 = arith.addi %add3A_312, %mul3A_314 : i32
    %mul3A_316 = arith.constant 16384 : i32
    %mul3A_317 = arith.muli %arg1, %mul3A_316 : i32
    %add3A_318 = arith.constant 262144 : i32
    %add3A_319 = arith.addi %add3A_318, %mul3A_317 : i32
    %dma_wait3A_320 = tpu.memref_slice %arg13[%add3A_319] : memref<524288xi32, #tpu.memory_space<vmem_shared>> -> memref<16384xi32, #tpu.memory_space<vmem_shared>>
    %dma_wait3A_321 = tpu.memref_slice %arg3[%add3A_315] : memref<2097152xi32, #tpu.memory_space<hbm>> -> memref<16384xi32, #tpu.memory_space<hbm>>
    tpu.wait_dma2 semaphore(%arg15 : memref<!tpu.dma_semaphore, #tpu.memory_space<semaphore_mem>>) src(%dma_wait3A_321 : memref<16384xi32, #tpu.memory_space<hbm>>) dst(%dma_wait3A_320 : memref<16384xi32, #tpu.memory_space<vmem_shared>>)
    %mul3A_322 = arith.constant 16384 : i32
    %mul3A_323 = arith.muli %arg1, %mul3A_322 : i32
    %add3A_324 = arith.constant 262144 : i32
    %add3A_325 = arith.addi %add3A_324, %mul3A_323 : i32
    "tpu.region"() ({
      %run_scoped3A = tpu.sem_alloc : memref<!tpu.dma_semaphore, #tpu.memory_space<semaphore_mem>>
      %dma_start3A_992 = arith.constant 0 : i32
      %dma_start3A_993 = tpu.memref_slice %arg8[%dma_start3A_992] : memref<16384xf32, #tpu.memory_space<vmem>> -> memref<16384xf32, #tpu.memory_space<vmem>>
      %dma_start3A_994 = tpu.memref_slice %arg12[%add3A_325] : memref<524288xf32, #tpu.memory_space<vmem_shared>> -> memref<16384xf32, #tpu.memory_space<vmem_shared>>
      %dma_start3A_995 = arith.constant 0 : i32
      %dma_start3A_996 = tpu.memref_slice %arg8[%dma_start3A_995] : memref<16384xf32, #tpu.memory_space<vmem>> -> memref<16384xf32, #tpu.memory_space<vmem>>
      %dma_start3A_997 = tpu.memref_slice %arg12[%add3A_325] : memref<524288xf32, #tpu.memory_space<vmem_shared>> -> memref<16384xf32, #tpu.memory_space<vmem_shared>>
      tpu.enqueue_dma source(%dma_start3A_997 : memref<16384xf32, #tpu.memory_space<vmem_shared>>) target(%dma_start3A_996 : memref<16384xf32, #tpu.memory_space<vmem>>) target_semaphore(%run_scoped3A : memref<!tpu.dma_semaphore, #tpu.memory_space<semaphore_mem>>)
      %dma_wait3A_998 = arith.constant 0 : i32
      %dma_wait3A_999 = tpu.memref_slice %arg8[%dma_wait3A_998] : memref<16384xf32, #tpu.memory_space<vmem>> -> memref<16384xf32, #tpu.memory_space<vmem>>
      %dma_wait3A_1000 = tpu.memref_slice %arg12[%add3A_325] : memref<524288xf32, #tpu.memory_space<vmem_shared>> -> memref<16384xf32, #tpu.memory_space<vmem_shared>>
      %dma_wait3A_1001 = arith.constant 0 : i32
      %dma_wait3A_1002 = tpu.memref_slice %arg8[%dma_wait3A_1001] : memref<16384xf32, #tpu.memory_space<vmem>> -> memref<16384xf32, #tpu.memory_space<vmem>>
      %dma_wait3A_1003 = tpu.memref_slice %arg12[%add3A_325] : memref<524288xf32, #tpu.memory_space<vmem_shared>> -> memref<16384xf32, #tpu.memory_space<vmem_shared>>
      tpu.wait_dma2 semaphore(%run_scoped3A : memref<!tpu.dma_semaphore, #tpu.memory_space<semaphore_mem>>) src(%dma_wait3A_1003 : memref<16384xf32, #tpu.memory_space<vmem_shared>>) dst(%dma_wait3A_1002 : memref<16384xf32, #tpu.memory_space<vmem>>)
      tpu.yield
    }) : () -> ()
    %mul3A_326 = arith.constant 16384 : i32
    %mul3A_327 = arith.muli %arg1, %mul3A_326 : i32
    %add3A_328 = arith.constant 262144 : i32
    %add3A_329 = arith.addi %add3A_328, %mul3A_327 : i32
    "tpu.region"() ({
      %run_scoped3A = tpu.sem_alloc : memref<!tpu.dma_semaphore, #tpu.memory_space<semaphore_mem>>
      %dma_start3A_992 = arith.constant 0 : i32
      %dma_start3A_993 = tpu.memref_slice %arg9[%dma_start3A_992] : memref<16384xi32, #tpu.memory_space<vmem>> -> memref<16384xi32, #tpu.memory_space<vmem>>
      %dma_start3A_994 = tpu.memref_slice %arg13[%add3A_329] : memref<524288xi32, #tpu.memory_space<vmem_shared>> -> memref<16384xi32, #tpu.memory_space<vmem_shared>>
      %dma_start3A_995 = arith.constant 0 : i32
      %dma_start3A_996 = tpu.memref_slice %arg9[%dma_start3A_995] : memref<16384xi32, #tpu.memory_space<vmem>> -> memref<16384xi32, #tpu.memory_space<vmem>>
      %dma_start3A_997 = tpu.memref_slice %arg13[%add3A_329] : memref<524288xi32, #tpu.memory_space<vmem_shared>> -> memref<16384xi32, #tpu.memory_space<vmem_shared>>
      tpu.enqueue_dma source(%dma_start3A_997 : memref<16384xi32, #tpu.memory_space<vmem_shared>>) target(%dma_start3A_996 : memref<16384xi32, #tpu.memory_space<vmem>>) target_semaphore(%run_scoped3A : memref<!tpu.dma_semaphore, #tpu.memory_space<semaphore_mem>>)
      %dma_wait3A_998 = arith.constant 0 : i32
      %dma_wait3A_999 = tpu.memref_slice %arg9[%dma_wait3A_998] : memref<16384xi32, #tpu.memory_space<vmem>> -> memref<16384xi32, #tpu.memory_space<vmem>>
      %dma_wait3A_1000 = tpu.memref_slice %arg13[%add3A_329] : memref<524288xi32, #tpu.memory_space<vmem_shared>> -> memref<16384xi32, #tpu.memory_space<vmem_shared>>
      %dma_wait3A_1001 = arith.constant 0 : i32
      %dma_wait3A_1002 = tpu.memref_slice %arg9[%dma_wait3A_1001] : memref<16384xi32, #tpu.memory_space<vmem>> -> memref<16384xi32, #tpu.memory_space<vmem>>
      %dma_wait3A_1003 = tpu.memref_slice %arg13[%add3A_329] : memref<524288xi32, #tpu.memory_space<vmem_shared>> -> memref<16384xi32, #tpu.memory_space<vmem_shared>>
      tpu.wait_dma2 semaphore(%run_scoped3A : memref<!tpu.dma_semaphore, #tpu.memory_space<semaphore_mem>>) src(%dma_wait3A_1003 : memref<16384xi32, #tpu.memory_space<vmem_shared>>) dst(%dma_wait3A_1002 : memref<16384xi32, #tpu.memory_space<vmem>>)
      tpu.yield
    }) : () -> ()
    %mul3A_330 = arith.constant 1048576 : i32
    %mul3A_331 = arith.muli %arg0, %mul3A_330 : i32
    %add3A_332 = arith.constant 786432 : i32
    %add3A_333 = arith.addi %mul3A_331, %add3A_332 : i32
    %mul3A_334 = arith.constant 16384 : i32
    %mul3A_335 = arith.muli %arg1, %mul3A_334 : i32
    %add3A_336 = arith.addi %add3A_333, %mul3A_335 : i32
    %mul3A_337 = arith.constant 16384 : i32
    %mul3A_338 = arith.muli %arg1, %mul3A_337 : i32
    %add3A_339 = arith.constant 262144 : i32
    %add3A_340 = arith.addi %add3A_339, %mul3A_338 : i32
    %dma_start3A_341 = tpu.memref_slice %arg12[%add3A_340] : memref<524288xf32, #tpu.memory_space<vmem_shared>> -> memref<16384xf32, #tpu.memory_space<vmem_shared>>
    %dma_start3A_342 = tpu.memref_slice %arg2[%add3A_336] : memref<2113536xf32, #tpu.memory_space<hbm>> -> memref<16384xf32, #tpu.memory_space<hbm>>
    tpu.enqueue_dma source(%dma_start3A_342 : memref<16384xf32, #tpu.memory_space<hbm>>) target(%dma_start3A_341 : memref<16384xf32, #tpu.memory_space<vmem_shared>>) target_semaphore(%arg15 : memref<!tpu.dma_semaphore, #tpu.memory_space<semaphore_mem>>)
    %mul3A_343 = arith.constant 1048576 : i32
    %mul3A_344 = arith.muli %arg0, %mul3A_343 : i32
    %add3A_345 = arith.constant 786432 : i32
    %add3A_346 = arith.addi %mul3A_344, %add3A_345 : i32
    %mul3A_347 = arith.constant 16384 : i32
    %mul3A_348 = arith.muli %arg1, %mul3A_347 : i32
    %add3A_349 = arith.addi %add3A_346, %mul3A_348 : i32
    %mul3A_350 = arith.constant 16384 : i32
    %mul3A_351 = arith.muli %arg1, %mul3A_350 : i32
    %add3A_352 = arith.constant 262144 : i32
    %add3A_353 = arith.addi %add3A_352, %mul3A_351 : i32
    %dma_start3A_354 = tpu.memref_slice %arg13[%add3A_353] : memref<524288xi32, #tpu.memory_space<vmem_shared>> -> memref<16384xi32, #tpu.memory_space<vmem_shared>>
    %dma_start3A_355 = tpu.memref_slice %arg3[%add3A_349] : memref<2097152xi32, #tpu.memory_space<hbm>> -> memref<16384xi32, #tpu.memory_space<hbm>>
    tpu.enqueue_dma source(%dma_start3A_355 : memref<16384xi32, #tpu.memory_space<hbm>>) target(%dma_start3A_354 : memref<16384xi32, #tpu.memory_space<vmem_shared>>) target_semaphore(%arg15 : memref<!tpu.dma_semaphore, #tpu.memory_space<semaphore_mem>>)
    %mul3A_356 = arith.constant 1025 : i32
    %mul3A_357 = vector.broadcast %mul3A_356 : i32 to vector<16xi32>
    %mul3A_358 = arith.muli %iota3A, %mul3A_357 : vector<16xi32>
    %add3A_359 = arith.constant 1 : i32
    %add3A_360 = vector.broadcast %add3A_359 : i32 to vector<16xi32>
    %add3A_361 = arith.addi %iota3A, %add3A_360 : vector<16xi32>
    %mul3A_362 = arith.constant 1025 : i32
    %mul3A_363 = vector.broadcast %mul3A_362 : i32 to vector<16xi32>
    %mul3A_364 = arith.muli %add3A_361, %mul3A_363 : vector<16xi32>
    %min3A_365 = arith.constant 16384 : i32
    %min3A_366 = vector.broadcast %min3A_365 : i32 to vector<16xi32>
    %min3A_367 = arith.minsi %mul3A_364, %min3A_366 : vector<16xi32>
    %gather3A_368 = tpu.vector_load_idx %arg9[%mul3A_358] : memref<16384xi32, #tpu.memory_space<vmem>>[vector<16xi32>], vector<16xi32>,
    %parallel_loop3A_369 = arith.constant 0 : i32
    %parallel_loop3A_370 = arith.constant 1009 : i32
    %parallel_loop3A_371 = arith.constant 1 : i32
    %parallel_loop3A_372:3 = scf.for %parallel_loop3A_992 = %parallel_loop3A_369 to %parallel_loop3A_370 step %parallel_loop3A_371 iter_args(%parallel_loop3A_993 = %broadcast_in_dim3A_1, %parallel_loop3A_994 = %gather3A_368, %parallel_loop3A_995 = %add3A_57) -> (vector<16xf32>, vector<16xi32>, vector<16xi32>)  : i32 {
      %parallel_loop3A_996 = vector.broadcast %parallel_loop3A_992 : i32 to vector<16xi32>
      %parallel_loop3A_997 = arith.addi %mul3A_358, %parallel_loop3A_996 : vector<16xi32>
      %parallel_loop3A_998 = tpu.vector_load_idx %arg8[%parallel_loop3A_997] : memref<16384xf32, #tpu.memory_space<vmem>>[vector<16xi32>], vector<16xf32>,
      %parallel_loop3A_999 = tpu.vector_load_idx %arg9[%parallel_loop3A_997] : memref<16384xi32, #tpu.memory_space<vmem>>[vector<16xi32>], vector<16xi32>,
      %parallel_loop3A_1000 = arith.cmpi ne, %parallel_loop3A_999, %parallel_loop3A_994 : vector<16xi32>
      tpu.vector_store_idx %arg7[%parallel_loop3A_995], %parallel_loop3A_993 masked %parallel_loop3A_1000 : memref<16400xf32, #tpu.memory_space<vmem>>[vector<16xi32>], vector<16xf32>, vector<16xi1>
      %parallel_loop3A_1001 = arith.select %parallel_loop3A_1000, %parallel_loop3A_999, %parallel_loop3A_995 : vector<16xi1>, vector<16xi32>
      %parallel_loop3A_1002 = arith.maximumf %parallel_loop3A_993, %parallel_loop3A_998 : vector<16xf32>
      %parallel_loop3A_1003 = arith.select %parallel_loop3A_1000, %parallel_loop3A_998, %parallel_loop3A_1002 : vector<16xi1>, vector<16xf32>
      scf.yield %parallel_loop3A_1003, %parallel_loop3A_999, %parallel_loop3A_1001 : vector<16xf32>, vector<16xi32>, vector<16xi32>
    } {sc.loop_unroll_factor = 8 : i64, sc.parallel_access}
    %parallel_loop3A_373 = arith.constant 1009 : i32
    %parallel_loop3A_374 = arith.constant 1025 : i32
    %parallel_loop3A_375 = arith.constant 1 : i32
    %parallel_loop3A_376:3 = scf.for %parallel_loop3A_992 = %parallel_loop3A_373 to %parallel_loop3A_374 step %parallel_loop3A_375 iter_args(%parallel_loop3A_993 = %parallel_loop3A_372#0, %parallel_loop3A_994 = %parallel_loop3A_372#1, %parallel_loop3A_995 = %parallel_loop3A_372#2) -> (vector<16xf32>, vector<16xi32>, vector<16xi32>)  : i32 {
      %parallel_loop3A_996 = vector.broadcast %parallel_loop3A_992 : i32 to vector<16xi32>
      %parallel_loop3A_997 = arith.addi %mul3A_358, %parallel_loop3A_996 : vector<16xi32>
      %parallel_loop3A_998 = arith.cmpi slt, %parallel_loop3A_997, %min3A_367 : vector<16xi32>
      %parallel_loop3A_999 = arith.constant 16383 : i32
      %parallel_loop3A_1000 = vector.broadcast %parallel_loop3A_999 : i32 to vector<16xi32>
      %parallel_loop3A_1001 = arith.minsi %parallel_loop3A_997, %parallel_loop3A_1000 : vector<16xi32>
      %parallel_loop3A_1002 = tpu.vector_load_idx %arg8[%parallel_loop3A_1001] : memref<16384xf32, #tpu.memory_space<vmem>>[vector<16xi32>], vector<16xf32>,
      %parallel_loop3A_1003 = tpu.vector_load_idx %arg9[%parallel_loop3A_1001] : memref<16384xi32, #tpu.memory_space<vmem>>[vector<16xi32>], vector<16xi32>,
      %parallel_loop3A_1004 = arith.select %parallel_loop3A_998, %parallel_loop3A_1003, %parallel_loop3A_994 : vector<16xi1>, vector<16xi32>
      %parallel_loop3A_1005 = arith.cmpi ne, %parallel_loop3A_1004, %parallel_loop3A_994 : vector<16xi32>
      tpu.vector_store_idx %arg7[%parallel_loop3A_995], %parallel_loop3A_993 masked %parallel_loop3A_1005 : memref<16400xf32, #tpu.memory_space<vmem>>[vector<16xi32>], vector<16xf32>, vector<16xi1>
      %parallel_loop3A_1006 = arith.select %parallel_loop3A_1005, %parallel_loop3A_1004, %parallel_loop3A_995 : vector<16xi1>, vector<16xi32>
      %parallel_loop3A_1007 = arith.maximumf %parallel_loop3A_993, %parallel_loop3A_1002 : vector<16xf32>
      %parallel_loop3A_1008 = arith.select %parallel_loop3A_998, %parallel_loop3A_1007, %parallel_loop3A_993 : vector<16xi1>, vector<16xf32>
      %parallel_loop3A_1009 = arith.select %parallel_loop3A_1005, %parallel_loop3A_1002, %parallel_loop3A_1008 : vector<16xi1>, vector<16xf32>
      scf.yield %parallel_loop3A_1009, %parallel_loop3A_1004, %parallel_loop3A_1006 : vector<16xf32>, vector<16xi32>, vector<16xi32>
    } {sc.loop_unroll_factor = 4 : i64, sc.parallel_access}
    %gather3A_377 = tpu.vector_load_idx %arg7[%add3A_57] : memref<16400xf32, #tpu.memory_space<vmem>>[vector<16xi32>], vector<16xf32>,
    %gather3A_378 = tpu.vector_load_idx %arg7[%gather3A_368] : memref<16400xf32, #tpu.memory_space<vmem>>[vector<16xi32>], vector<16xf32>,
    %max3A_379 = arith.maximumf %gather3A_378, %gather3A_377 : vector<16xf32>
    %eq3A_380 = arith.constant 0 : i32
    %eq3A_381 = vector.broadcast %eq3A_380 : i32 to vector<16xi32>
    %eq3A_382 = arith.cmpi eq, %iota3A, %eq3A_381 : vector<16xi32>
    tpu.vector_store_idx %arg7[%gather3A_368], %max3A_379 masked %eq3A_382 : memref<16400xf32, #tpu.memory_space<vmem>>[vector<16xi32>], vector<16xf32>, vector<16xi1>
    %gather3A_383 = tpu.vector_load_idx %arg7[%gather3A_368] : memref<16400xf32, #tpu.memory_space<vmem>>[vector<16xi32>], vector<16xf32>,
    %max3A_384 = arith.maximumf %gather3A_383, %gather3A_377 : vector<16xf32>
    %eq3A_385 = arith.constant 1 : i32
    %eq3A_386 = vector.broadcast %eq3A_385 : i32 to vector<16xi32>
    %eq3A_387 = arith.cmpi eq, %iota3A, %eq3A_386 : vector<16xi32>
    tpu.vector_store_idx %arg7[%gather3A_368], %max3A_384 masked %eq3A_387 : memref<16400xf32, #tpu.memory_space<vmem>>[vector<16xi32>], vector<16xf32>, vector<16xi1>
    %gather3A_388 = tpu.vector_load_idx %arg7[%gather3A_368] : memref<16400xf32, #tpu.memory_space<vmem>>[vector<16xi32>], vector<16xf32>,
    %max3A_389 = arith.maximumf %gather3A_388, %gather3A_377 : vector<16xf32>
    %eq3A_390 = arith.constant 2 : i32
    %eq3A_391 = vector.broadcast %eq3A_390 : i32 to vector<16xi32>
    %eq3A_392 = arith.cmpi eq, %iota3A, %eq3A_391 : vector<16xi32>
    tpu.vector_store_idx %arg7[%gather3A_368], %max3A_389 masked %eq3A_392 : memref<16400xf32, #tpu.memory_space<vmem>>[vector<16xi32>], vector<16xf32>, vector<16xi1>
    %gather3A_393 = tpu.vector_load_idx %arg7[%gather3A_368] : memref<16400xf32, #tpu.memory_space<vmem>>[vector<16xi32>], vector<16xf32>,
    %max3A_394 = arith.maximumf %gather3A_393, %gather3A_377 : vector<16xf32>
    %eq3A_395 = arith.constant 3 : i32
    %eq3A_396 = vector.broadcast %eq3A_395 : i32 to vector<16xi32>
    %eq3A_397 = arith.cmpi eq, %iota3A, %eq3A_396 : vector<16xi32>
    tpu.vector_store_idx %arg7[%gather3A_368], %max3A_394 masked %eq3A_397 : memref<16400xf32, #tpu.memory_space<vmem>>[vector<16xi32>], vector<16xf32>, vector<16xi1>
    %gather3A_398 = tpu.vector_load_idx %arg7[%gather3A_368] : memref<16400xf32, #tpu.memory_space<vmem>>[vector<16xi32>], vector<16xf32>,
    %max3A_399 = arith.maximumf %gather3A_398, %gather3A_377 : vector<16xf32>
    %eq3A_400 = arith.constant 4 : i32
    %eq3A_401 = vector.broadcast %eq3A_400 : i32 to vector<16xi32>
    %eq3A_402 = arith.cmpi eq, %iota3A, %eq3A_401 : vector<16xi32>
    tpu.vector_store_idx %arg7[%gather3A_368], %max3A_399 masked %eq3A_402 : memref<16400xf32, #tpu.memory_space<vmem>>[vector<16xi32>], vector<16xf32>, vector<16xi1>
    %gather3A_403 = tpu.vector_load_idx %arg7[%gather3A_368] : memref<16400xf32, #tpu.memory_space<vmem>>[vector<16xi32>], vector<16xf32>,
    %max3A_404 = arith.maximumf %gather3A_403, %gather3A_377 : vector<16xf32>
    %eq3A_405 = arith.constant 5 : i32
    %eq3A_406 = vector.broadcast %eq3A_405 : i32 to vector<16xi32>
    %eq3A_407 = arith.cmpi eq, %iota3A, %eq3A_406 : vector<16xi32>
    tpu.vector_store_idx %arg7[%gather3A_368], %max3A_404 masked %eq3A_407 : memref<16400xf32, #tpu.memory_space<vmem>>[vector<16xi32>], vector<16xf32>, vector<16xi1>
    %gather3A_408 = tpu.vector_load_idx %arg7[%gather3A_368] : memref<16400xf32, #tpu.memory_space<vmem>>[vector<16xi32>], vector<16xf32>,
    %max3A_409 = arith.maximumf %gather3A_408, %gather3A_377 : vector<16xf32>
    %eq3A_410 = arith.constant 6 : i32
    %eq3A_411 = vector.broadcast %eq3A_410 : i32 to vector<16xi32>
    %eq3A_412 = arith.cmpi eq, %iota3A, %eq3A_411 : vector<16xi32>
    tpu.vector_store_idx %arg7[%gather3A_368], %max3A_409 masked %eq3A_412 : memref<16400xf32, #tpu.memory_space<vmem>>[vector<16xi32>], vector<16xf32>, vector<16xi1>
    %gather3A_413 = tpu.vector_load_idx %arg7[%gather3A_368] : memref<16400xf32, #tpu.memory_space<vmem>>[vector<16xi32>], vector<16xf32>,
    %max3A_414 = arith.maximumf %gather3A_413, %gather3A_377 : vector<16xf32>
    %eq3A_415 = arith.constant 7 : i32
    %eq3A_416 = vector.broadcast %eq3A_415 : i32 to vector<16xi32>
    %eq3A_417 = arith.cmpi eq, %iota3A, %eq3A_416 : vector<16xi32>
    tpu.vector_store_idx %arg7[%gather3A_368], %max3A_414 masked %eq3A_417 : memref<16400xf32, #tpu.memory_space<vmem>>[vector<16xi32>], vector<16xf32>, vector<16xi1>
    %gather3A_418 = tpu.vector_load_idx %arg7[%gather3A_368] : memref<16400xf32, #tpu.memory_space<vmem>>[vector<16xi32>], vector<16xf32>,
    %max3A_419 = arith.maximumf %gather3A_418, %gather3A_377 : vector<16xf32>
    %eq3A_420 = arith.constant 8 : i32
    %eq3A_421 = vector.broadcast %eq3A_420 : i32 to vector<16xi32>
    %eq3A_422 = arith.cmpi eq, %iota3A, %eq3A_421 : vector<16xi32>
    tpu.vector_store_idx %arg7[%gather3A_368], %max3A_419 masked %eq3A_422 : memref<16400xf32, #tpu.memory_space<vmem>>[vector<16xi32>], vector<16xf32>, vector<16xi1>
    %gather3A_423 = tpu.vector_load_idx %arg7[%gather3A_368] : memref<16400xf32, #tpu.memory_space<vmem>>[vector<16xi32>], vector<16xf32>,
    %max3A_424 = arith.maximumf %gather3A_423, %gather3A_377 : vector<16xf32>
    %eq3A_425 = arith.constant 9 : i32
    %eq3A_426 = vector.broadcast %eq3A_425 : i32 to vector<16xi32>
    %eq3A_427 = arith.cmpi eq, %iota3A, %eq3A_426 : vector<16xi32>
    tpu.vector_store_idx %arg7[%gather3A_368], %max3A_424 masked %eq3A_427 : memref<16400xf32, #tpu.memory_space<vmem>>[vector<16xi32>], vector<16xf32>, vector<16xi1>
    %gather3A_428 = tpu.vector_load_idx %arg7[%gather3A_368] : memref<16400xf32, #tpu.memory_space<vmem>>[vector<16xi32>], vector<16xf32>,
    %max3A_429 = arith.maximumf %gather3A_428, %gather3A_377 : vector<16xf32>
    %eq3A_430 = arith.constant 10 : i32
    %eq3A_431 = vector.broadcast %eq3A_430 : i32 to vector<16xi32>
    %eq3A_432 = arith.cmpi eq, %iota3A, %eq3A_431 : vector<16xi32>
    tpu.vector_store_idx %arg7[%gather3A_368], %max3A_429 masked %eq3A_432 : memref<16400xf32, #tpu.memory_space<vmem>>[vector<16xi32>], vector<16xf32>, vector<16xi1>
    %gather3A_433 = tpu.vector_load_idx %arg7[%gather3A_368] : memref<16400xf32, #tpu.memory_space<vmem>>[vector<16xi32>], vector<16xf32>,
    %max3A_434 = arith.maximumf %gather3A_433, %gather3A_377 : vector<16xf32>
    %eq3A_435 = arith.constant 11 : i32
    %eq3A_436 = vector.broadcast %eq3A_435 : i32 to vector<16xi32>
    %eq3A_437 = arith.cmpi eq, %iota3A, %eq3A_436 : vector<16xi32>
    tpu.vector_store_idx %arg7[%gather3A_368], %max3A_434 masked %eq3A_437 : memref<16400xf32, #tpu.memory_space<vmem>>[vector<16xi32>], vector<16xf32>, vector<16xi1>
    %gather3A_438 = tpu.vector_load_idx %arg7[%gather3A_368] : memref<16400xf32, #tpu.memory_space<vmem>>[vector<16xi32>], vector<16xf32>,
    %max3A_439 = arith.maximumf %gather3A_438, %gather3A_377 : vector<16xf32>
    %eq3A_440 = arith.constant 12 : i32
    %eq3A_441 = vector.broadcast %eq3A_440 : i32 to vector<16xi32>
    %eq3A_442 = arith.cmpi eq, %iota3A, %eq3A_441 : vector<16xi32>
    tpu.vector_store_idx %arg7[%gather3A_368], %max3A_439 masked %eq3A_442 : memref<16400xf32, #tpu.memory_space<vmem>>[vector<16xi32>], vector<16xf32>, vector<16xi1>
    %gather3A_443 = tpu.vector_load_idx %arg7[%gather3A_368] : memref<16400xf32, #tpu.memory_space<vmem>>[vector<16xi32>], vector<16xf32>,
    %max3A_444 = arith.maximumf %gather3A_443, %gather3A_377 : vector<16xf32>
    %eq3A_445 = arith.constant 13 : i32
    %eq3A_446 = vector.broadcast %eq3A_445 : i32 to vector<16xi32>
    %eq3A_447 = arith.cmpi eq, %iota3A, %eq3A_446 : vector<16xi32>
    tpu.vector_store_idx %arg7[%gather3A_368], %max3A_444 masked %eq3A_447 : memref<16400xf32, #tpu.memory_space<vmem>>[vector<16xi32>], vector<16xf32>, vector<16xi1>
    %gather3A_448 = tpu.vector_load_idx %arg7[%gather3A_368] : memref<16400xf32, #tpu.memory_space<vmem>>[vector<16xi32>], vector<16xf32>,
    %max3A_449 = arith.maximumf %gather3A_448, %gather3A_377 : vector<16xf32>
    %eq3A_450 = arith.constant 14 : i32
    %eq3A_451 = vector.broadcast %eq3A_450 : i32 to vector<16xi32>
    %eq3A_452 = arith.cmpi eq, %iota3A, %eq3A_451 : vector<16xi32>
    tpu.vector_store_idx %arg7[%gather3A_368], %max3A_449 masked %eq3A_452 : memref<16400xf32, #tpu.memory_space<vmem>>[vector<16xi32>], vector<16xf32>, vector<16xi1>
    %gather3A_453 = tpu.vector_load_idx %arg7[%gather3A_368] : memref<16400xf32, #tpu.memory_space<vmem>>[vector<16xi32>], vector<16xf32>,
    %max3A_454 = arith.maximumf %gather3A_453, %gather3A_377 : vector<16xf32>
    %eq3A_455 = arith.constant 15 : i32
    %eq3A_456 = vector.broadcast %eq3A_455 : i32 to vector<16xi32>
    %eq3A_457 = arith.cmpi eq, %iota3A, %eq3A_456 : vector<16xi32>
    tpu.vector_store_idx %arg7[%gather3A_368], %max3A_454 masked %eq3A_457 : memref<16400xf32, #tpu.memory_space<vmem>>[vector<16xi32>], vector<16xf32>, vector<16xi1>
    %gather3A_458 = tpu.vector_load_idx %arg7[%parallel_loop3A_376#1] : memref<16400xf32, #tpu.memory_space<vmem>>[vector<16xi32>], vector<16xf32>,
    %max3A_459 = arith.maximumf %gather3A_458, %parallel_loop3A_376#0 : vector<16xf32>
    %eq3A_460 = arith.constant 0 : i32
    %eq3A_461 = vector.broadcast %eq3A_460 : i32 to vector<16xi32>
    %eq3A_462 = arith.cmpi eq, %iota3A, %eq3A_461 : vector<16xi32>
    tpu.vector_store_idx %arg7[%parallel_loop3A_376#1], %max3A_459 masked %eq3A_462 : memref<16400xf32, #tpu.memory_space<vmem>>[vector<16xi32>], vector<16xf32>, vector<16xi1>
    %gather3A_463 = tpu.vector_load_idx %arg7[%parallel_loop3A_376#1] : memref<16400xf32, #tpu.memory_space<vmem>>[vector<16xi32>], vector<16xf32>,
    %max3A_464 = arith.maximumf %gather3A_463, %parallel_loop3A_376#0 : vector<16xf32>
    %eq3A_465 = arith.constant 1 : i32
    %eq3A_466 = vector.broadcast %eq3A_465 : i32 to vector<16xi32>
    %eq3A_467 = arith.cmpi eq, %iota3A, %eq3A_466 : vector<16xi32>
    tpu.vector_store_idx %arg7[%parallel_loop3A_376#1], %max3A_464 masked %eq3A_467 : memref<16400xf32, #tpu.memory_space<vmem>>[vector<16xi32>], vector<16xf32>, vector<16xi1>
    %gather3A_468 = tpu.vector_load_idx %arg7[%parallel_loop3A_376#1] : memref<16400xf32, #tpu.memory_space<vmem>>[vector<16xi32>], vector<16xf32>,
    %max3A_469 = arith.maximumf %gather3A_468, %parallel_loop3A_376#0 : vector<16xf32>
    %eq3A_470 = arith.constant 2 : i32
    %eq3A_471 = vector.broadcast %eq3A_470 : i32 to vector<16xi32>
    %eq3A_472 = arith.cmpi eq, %iota3A, %eq3A_471 : vector<16xi32>
    tpu.vector_store_idx %arg7[%parallel_loop3A_376#1], %max3A_469 masked %eq3A_472 : memref<16400xf32, #tpu.memory_space<vmem>>[vector<16xi32>], vector<16xf32>, vector<16xi1>
    %gather3A_473 = tpu.vector_load_idx %arg7[%parallel_loop3A_376#1] : memref<16400xf32, #tpu.memory_space<vmem>>[vector<16xi32>], vector<16xf32>,
    %max3A_474 = arith.maximumf %gather3A_473, %parallel_loop3A_376#0 : vector<16xf32>
    %eq3A_475 = arith.constant 3 : i32
    %eq3A_476 = vector.broadcast %eq3A_475 : i32 to vector<16xi32>
    %eq3A_477 = arith.cmpi eq, %iota3A, %eq3A_476 : vector<16xi32>
    tpu.vector_store_idx %arg7[%parallel_loop3A_376#1], %max3A_474 masked %eq3A_477 : memref<16400xf32, #tpu.memory_space<vmem>>[vector<16xi32>], vector<16xf32>, vector<16xi1>
    %gather3A_478 = tpu.vector_load_idx %arg7[%parallel_loop3A_376#1] : memref<16400xf32, #tpu.memory_space<vmem>>[vector<16xi32>], vector<16xf32>,
    %max3A_479 = arith.maximumf %gather3A_478, %parallel_loop3A_376#0 : vector<16xf32>
    %eq3A_480 = arith.constant 4 : i32
    %eq3A_481 = vector.broadcast %eq3A_480 : i32 to vector<16xi32>
    %eq3A_482 = arith.cmpi eq, %iota3A, %eq3A_481 : vector<16xi32>
    tpu.vector_store_idx %arg7[%parallel_loop3A_376#1], %max3A_479 masked %eq3A_482 : memref<16400xf32, #tpu.memory_space<vmem>>[vector<16xi32>], vector<16xf32>, vector<16xi1>
    %gather3A_483 = tpu.vector_load_idx %arg7[%parallel_loop3A_376#1] : memref<16400xf32, #tpu.memory_space<vmem>>[vector<16xi32>], vector<16xf32>,
    %max3A_484 = arith.maximumf %gather3A_483, %parallel_loop3A_376#0 : vector<16xf32>
    %eq3A_485 = arith.constant 5 : i32
    %eq3A_486 = vector.broadcast %eq3A_485 : i32 to vector<16xi32>
    %eq3A_487 = arith.cmpi eq, %iota3A, %eq3A_486 : vector<16xi32>
    tpu.vector_store_idx %arg7[%parallel_loop3A_376#1], %max3A_484 masked %eq3A_487 : memref<16400xf32, #tpu.memory_space<vmem>>[vector<16xi32>], vector<16xf32>, vector<16xi1>
    %gather3A_488 = tpu.vector_load_idx %arg7[%parallel_loop3A_376#1] : memref<16400xf32, #tpu.memory_space<vmem>>[vector<16xi32>], vector<16xf32>,
    %max3A_489 = arith.maximumf %gather3A_488, %parallel_loop3A_376#0 : vector<16xf32>
    %eq3A_490 = arith.constant 6 : i32
    %eq3A_491 = vector.broadcast %eq3A_490 : i32 to vector<16xi32>
    %eq3A_492 = arith.cmpi eq, %iota3A, %eq3A_491 : vector<16xi32>
    tpu.vector_store_idx %arg7[%parallel_loop3A_376#1], %max3A_489 masked %eq3A_492 : memref<16400xf32, #tpu.memory_space<vmem>>[vector<16xi32>], vector<16xf32>, vector<16xi1>
    %gather3A_493 = tpu.vector_load_idx %arg7[%parallel_loop3A_376#1] : memref<16400xf32, #tpu.memory_space<vmem>>[vector<16xi32>], vector<16xf32>,
    %max3A_494 = arith.maximumf %gather3A_493, %parallel_loop3A_376#0 : vector<16xf32>
    %eq3A_495 = arith.constant 7 : i32
    %eq3A_496 = vector.broadcast %eq3A_495 : i32 to vector<16xi32>
    %eq3A_497 = arith.cmpi eq, %iota3A, %eq3A_496 : vector<16xi32>
    tpu.vector_store_idx %arg7[%parallel_loop3A_376#1], %max3A_494 masked %eq3A_497 : memref<16400xf32, #tpu.memory_space<vmem>>[vector<16xi32>], vector<16xf32>, vector<16xi1>
    %gather3A_498 = tpu.vector_load_idx %arg7[%parallel_loop3A_376#1] : memref<16400xf32, #tpu.memory_space<vmem>>[vector<16xi32>], vector<16xf32>,
    %max3A_499 = arith.maximumf %gather3A_498, %parallel_loop3A_376#0 : vector<16xf32>
    %eq3A_500 = arith.constant 8 : i32
    %eq3A_501 = vector.broadcast %eq3A_500 : i32 to vector<16xi32>
    %eq3A_502 = arith.cmpi eq, %iota3A, %eq3A_501 : vector<16xi32>
    tpu.vector_store_idx %arg7[%parallel_loop3A_376#1], %max3A_499 masked %eq3A_502 : memref<16400xf32, #tpu.memory_space<vmem>>[vector<16xi32>], vector<16xf32>, vector<16xi1>
    %gather3A_503 = tpu.vector_load_idx %arg7[%parallel_loop3A_376#1] : memref<16400xf32, #tpu.memory_space<vmem>>[vector<16xi32>], vector<16xf32>,
    %max3A_504 = arith.maximumf %gather3A_503, %parallel_loop3A_376#0 : vector<16xf32>
    %eq3A_505 = arith.constant 9 : i32
    %eq3A_506 = vector.broadcast %eq3A_505 : i32 to vector<16xi32>
    %eq3A_507 = arith.cmpi eq, %iota3A, %eq3A_506 : vector<16xi32>
    tpu.vector_store_idx %arg7[%parallel_loop3A_376#1], %max3A_504 masked %eq3A_507 : memref<16400xf32, #tpu.memory_space<vmem>>[vector<16xi32>], vector<16xf32>, vector<16xi1>
    %gather3A_508 = tpu.vector_load_idx %arg7[%parallel_loop3A_376#1] : memref<16400xf32, #tpu.memory_space<vmem>>[vector<16xi32>], vector<16xf32>,
    %max3A_509 = arith.maximumf %gather3A_508, %parallel_loop3A_376#0 : vector<16xf32>
    %eq3A_510 = arith.constant 10 : i32
    %eq3A_511 = vector.broadcast %eq3A_510 : i32 to vector<16xi32>
    %eq3A_512 = arith.cmpi eq, %iota3A, %eq3A_511 : vector<16xi32>
    tpu.vector_store_idx %arg7[%parallel_loop3A_376#1], %max3A_509 masked %eq3A_512 : memref<16400xf32, #tpu.memory_space<vmem>>[vector<16xi32>], vector<16xf32>, vector<16xi1>
    %gather3A_513 = tpu.vector_load_idx %arg7[%parallel_loop3A_376#1] : memref<16400xf32, #tpu.memory_space<vmem>>[vector<16xi32>], vector<16xf32>,
    %max3A_514 = arith.maximumf %gather3A_513, %parallel_loop3A_376#0 : vector<16xf32>
    %eq3A_515 = arith.constant 11 : i32
    %eq3A_516 = vector.broadcast %eq3A_515 : i32 to vector<16xi32>
    %eq3A_517 = arith.cmpi eq, %iota3A, %eq3A_516 : vector<16xi32>
    tpu.vector_store_idx %arg7[%parallel_loop3A_376#1], %max3A_514 masked %eq3A_517 : memref<16400xf32, #tpu.memory_space<vmem>>[vector<16xi32>], vector<16xf32>, vector<16xi1>
    %gather3A_518 = tpu.vector_load_idx %arg7[%parallel_loop3A_376#1] : memref<16400xf32, #tpu.memory_space<vmem>>[vector<16xi32>], vector<16xf32>,
    %max3A_519 = arith.maximumf %gather3A_518, %parallel_loop3A_376#0 : vector<16xf32>
    %eq3A_520 = arith.constant 12 : i32
    %eq3A_521 = vector.broadcast %eq3A_520 : i32 to vector<16xi32>
    %eq3A_522 = arith.cmpi eq, %iota3A, %eq3A_521 : vector<16xi32>
    tpu.vector_store_idx %arg7[%parallel_loop3A_376#1], %max3A_519 masked %eq3A_522 : memref<16400xf32, #tpu.memory_space<vmem>>[vector<16xi32>], vector<16xf32>, vector<16xi1>
    %gather3A_523 = tpu.vector_load_idx %arg7[%parallel_loop3A_376#1] : memref<16400xf32, #tpu.memory_space<vmem>>[vector<16xi32>], vector<16xf32>,
    %max3A_524 = arith.maximumf %gather3A_523, %parallel_loop3A_376#0 : vector<16xf32>
    %eq3A_525 = arith.constant 13 : i32
    %eq3A_526 = vector.broadcast %eq3A_525 : i32 to vector<16xi32>
    %eq3A_527 = arith.cmpi eq, %iota3A, %eq3A_526 : vector<16xi32>
    tpu.vector_store_idx %arg7[%parallel_loop3A_376#1], %max3A_524 masked %eq3A_527 : memref<16400xf32, #tpu.memory_space<vmem>>[vector<16xi32>], vector<16xf32>, vector<16xi1>
    %gather3A_528 = tpu.vector_load_idx %arg7[%parallel_loop3A_376#1] : memref<16400xf32, #tpu.memory_space<vmem>>[vector<16xi32>], vector<16xf32>,
    %max3A_529 = arith.maximumf %gather3A_528, %parallel_loop3A_376#0 : vector<16xf32>
    %eq3A_530 = arith.constant 14 : i32
    %eq3A_531 = vector.broadcast %eq3A_530 : i32 to vector<16xi32>
    %eq3A_532 = arith.cmpi eq, %iota3A, %eq3A_531 : vector<16xi32>
    tpu.vector_store_idx %arg7[%parallel_loop3A_376#1], %max3A_529 masked %eq3A_532 : memref<16400xf32, #tpu.memory_space<vmem>>[vector<16xi32>], vector<16xf32>, vector<16xi1>
    %gather3A_533 = tpu.vector_load_idx %arg7[%parallel_loop3A_376#1] : memref<16400xf32, #tpu.memory_space<vmem>>[vector<16xi32>], vector<16xf32>,
    %max3A_534 = arith.maximumf %gather3A_533, %parallel_loop3A_376#0 : vector<16xf32>
    %eq3A_535 = arith.constant 15 : i32
    %eq3A_536 = vector.broadcast %eq3A_535 : i32 to vector<16xi32>
    %eq3A_537 = arith.cmpi eq, %iota3A, %eq3A_536 : vector<16xi32>
    tpu.vector_store_idx %arg7[%parallel_loop3A_376#1], %max3A_534 masked %eq3A_537 : memref<16400xf32, #tpu.memory_space<vmem>>[vector<16xi32>], vector<16xf32>, vector<16xi1>
    %swap3A_538 = arith.constant 16384 : index
    %swap3A_539 = tpu.vector_load %arg7[%swap3A_538] {strides = array<i32>} : memref<16400xf32, #tpu.memory_space<vmem>>, vector<16xf32>,
    tpu.vector_store %arg7[%swap3A_538], %broadcast_in_dim3A_1 {strides = array<i32>} : memref<16400xf32, #tpu.memory_space<vmem>>, vector<16xf32>,
    %mul3A_540 = arith.constant 1048576 : i32
    %mul3A_541 = arith.muli %arg0, %mul3A_540 : i32
    %add3A_542 = arith.constant 524288 : i32
    %add3A_543 = arith.addi %mul3A_541, %add3A_542 : i32
    %mul3A_544 = arith.constant 16384 : i32
    %mul3A_545 = arith.muli %arg1, %mul3A_544 : i32
    %add3A_546 = arith.addi %add3A_543, %mul3A_545 : i32
    %mul3A_547 = arith.constant 16384 : i32
    %mul3A_548 = arith.muli %arg1, %mul3A_547 : i32
    %add3A_549 = arith.constant 0 : i32
    %add3A_550 = arith.addi %add3A_549, %mul3A_548 : i32
    %dma_wait3A_551 = tpu.memref_slice %arg12[%add3A_550] : memref<524288xf32, #tpu.memory_space<vmem_shared>> -> memref<16384xf32, #tpu.memory_space<vmem_shared>>
    %dma_wait3A_552 = tpu.memref_slice %arg2[%add3A_546] : memref<2113536xf32, #tpu.memory_space<hbm>> -> memref<16384xf32, #tpu.memory_space<hbm>>
    tpu.wait_dma2 semaphore(%arg14 : memref<!tpu.dma_semaphore, #tpu.memory_space<semaphore_mem>>) src(%dma_wait3A_552 : memref<16384xf32, #tpu.memory_space<hbm>>) dst(%dma_wait3A_551 : memref<16384xf32, #tpu.memory_space<vmem_shared>>)
    %mul3A_553 = arith.constant 1048576 : i32
    %mul3A_554 = arith.muli %arg0, %mul3A_553 : i32
    %add3A_555 = arith.constant 524288 : i32
    %add3A_556 = arith.addi %mul3A_554, %add3A_555 : i32
    %mul3A_557 = arith.constant 16384 : i32
    %mul3A_558 = arith.muli %arg1, %mul3A_557 : i32
    %add3A_559 = arith.addi %add3A_556, %mul3A_558 : i32
    %mul3A_560 = arith.constant 16384 : i32
    %mul3A_561 = arith.muli %arg1, %mul3A_560 : i32
    %add3A_562 = arith.constant 0 : i32
    %add3A_563 = arith.addi %add3A_562, %mul3A_561 : i32
    %dma_wait3A_564 = tpu.memref_slice %arg13[%add3A_563] : memref<524288xi32, #tpu.memory_space<vmem_shared>> -> memref<16384xi32, #tpu.memory_space<vmem_shared>>
    %dma_wait3A_565 = tpu.memref_slice %arg3[%add3A_559] : memref<2097152xi32, #tpu.memory_space<hbm>> -> memref<16384xi32, #tpu.memory_space<hbm>>
    tpu.wait_dma2 semaphore(%arg14 : memref<!tpu.dma_semaphore, #tpu.memory_space<semaphore_mem>>) src(%dma_wait3A_565 : memref<16384xi32, #tpu.memory_space<hbm>>) dst(%dma_wait3A_564 : memref<16384xi32, #tpu.memory_space<vmem_shared>>)
    %mul3A_566 = arith.constant 16384 : i32
    %mul3A_567 = arith.muli %arg1, %mul3A_566 : i32
    %add3A_568 = arith.constant 0 : i32
    %add3A_569 = arith.addi %add3A_568, %mul3A_567 : i32
    "tpu.region"() ({
      %run_scoped3A = tpu.sem_alloc : memref<!tpu.dma_semaphore, #tpu.memory_space<semaphore_mem>>
      %dma_start3A_992 = arith.constant 0 : i32
      %dma_start3A_993 = tpu.memref_slice %arg8[%dma_start3A_992] : memref<16384xf32, #tpu.memory_space<vmem>> -> memref<16384xf32, #tpu.memory_space<vmem>>
      %dma_start3A_994 = tpu.memref_slice %arg12[%add3A_569] : memref<524288xf32, #tpu.memory_space<vmem_shared>> -> memref<16384xf32, #tpu.memory_space<vmem_shared>>
      %dma_start3A_995 = arith.constant 0 : i32
      %dma_start3A_996 = tpu.memref_slice %arg8[%dma_start3A_995] : memref<16384xf32, #tpu.memory_space<vmem>> -> memref<16384xf32, #tpu.memory_space<vmem>>
      %dma_start3A_997 = tpu.memref_slice %arg12[%add3A_569] : memref<524288xf32, #tpu.memory_space<vmem_shared>> -> memref<16384xf32, #tpu.memory_space<vmem_shared>>
      tpu.enqueue_dma source(%dma_start3A_997 : memref<16384xf32, #tpu.memory_space<vmem_shared>>) target(%dma_start3A_996 : memref<16384xf32, #tpu.memory_space<vmem>>) target_semaphore(%run_scoped3A : memref<!tpu.dma_semaphore, #tpu.memory_space<semaphore_mem>>)
      %dma_wait3A_998 = arith.constant 0 : i32
      %dma_wait3A_999 = tpu.memref_slice %arg8[%dma_wait3A_998] : memref<16384xf32, #tpu.memory_space<vmem>> -> memref<16384xf32, #tpu.memory_space<vmem>>
      %dma_wait3A_1000 = tpu.memref_slice %arg12[%add3A_569] : memref<524288xf32, #tpu.memory_space<vmem_shared>> -> memref<16384xf32, #tpu.memory_space<vmem_shared>>
      %dma_wait3A_1001 = arith.constant 0 : i32
      %dma_wait3A_1002 = tpu.memref_slice %arg8[%dma_wait3A_1001] : memref<16384xf32, #tpu.memory_space<vmem>> -> memref<16384xf32, #tpu.memory_space<vmem>>
      %dma_wait3A_1003 = tpu.memref_slice %arg12[%add3A_569] : memref<524288xf32, #tpu.memory_space<vmem_shared>> -> memref<16384xf32, #tpu.memory_space<vmem_shared>>
      tpu.wait_dma2 semaphore(%run_scoped3A : memref<!tpu.dma_semaphore, #tpu.memory_space<semaphore_mem>>) src(%dma_wait3A_1003 : memref<16384xf32, #tpu.memory_space<vmem_shared>>) dst(%dma_wait3A_1002 : memref<16384xf32, #tpu.memory_space<vmem>>)
      tpu.yield
    }) : () -> ()
    %mul3A_570 = arith.constant 16384 : i32
    %mul3A_571 = arith.muli %arg1, %mul3A_570 : i32
    %add3A_572 = arith.constant 0 : i32
    %add3A_573 = arith.addi %add3A_572, %mul3A_571 : i32
    "tpu.region"() ({
      %run_scoped3A = tpu.sem_alloc : memref<!tpu.dma_semaphore, #tpu.memory_space<semaphore_mem>>
      %dma_start3A_992 = arith.constant 0 : i32
      %dma_start3A_993 = tpu.memref_slice %arg9[%dma_start3A_992] : memref<16384xi32, #tpu.memory_space<vmem>> -> memref<16384xi32, #tpu.memory_space<vmem>>
      %dma_start3A_994 = tpu.memref_slice %arg13[%add3A_573] : memref<524288xi32, #tpu.memory_space<vmem_shared>> -> memref<16384xi32, #tpu.memory_space<vmem_shared>>
      %dma_start3A_995 = arith.constant 0 : i32
      %dma_start3A_996 = tpu.memref_slice %arg9[%dma_start3A_995] : memref<16384xi32, #tpu.memory_space<vmem>> -> memref<16384xi32, #tpu.memory_space<vmem>>
      %dma_start3A_997 = tpu.memref_slice %arg13[%add3A_573] : memref<524288xi32, #tpu.memory_space<vmem_shared>> -> memref<16384xi32, #tpu.memory_space<vmem_shared>>
      tpu.enqueue_dma source(%dma_start3A_997 : memref<16384xi32, #tpu.memory_space<vmem_shared>>) target(%dma_start3A_996 : memref<16384xi32, #tpu.memory_space<vmem>>) target_semaphore(%run_scoped3A : memref<!tpu.dma_semaphore, #tpu.memory_space<semaphore_mem>>)
      %dma_wait3A_998 = arith.constant 0 : i32
      %dma_wait3A_999 = tpu.memref_slice %arg9[%dma_wait3A_998] : memref<16384xi32, #tpu.memory_space<vmem>> -> memref<16384xi32, #tpu.memory_space<vmem>>
      %dma_wait3A_1000 = tpu.memref_slice %arg13[%add3A_573] : memref<524288xi32, #tpu.memory_space<vmem_shared>> -> memref<16384xi32, #tpu.memory_space<vmem_shared>>
      %dma_wait3A_1001 = arith.constant 0 : i32
      %dma_wait3A_1002 = tpu.memref_slice %arg9[%dma_wait3A_1001] : memref<16384xi32, #tpu.memory_space<vmem>> -> memref<16384xi32, #tpu.memory_space<vmem>>
      %dma_wait3A_1003 = tpu.memref_slice %arg13[%add3A_573] : memref<524288xi32, #tpu.memory_space<vmem_shared>> -> memref<16384xi32, #tpu.memory_space<vmem_shared>>
      tpu.wait_dma2 semaphore(%run_scoped3A : memref<!tpu.dma_semaphore, #tpu.memory_space<semaphore_mem>>) src(%dma_wait3A_1003 : memref<16384xi32, #tpu.memory_space<vmem_shared>>) dst(%dma_wait3A_1002 : memref<16384xi32, #tpu.memory_space<vmem>>)
      tpu.yield
    }) : () -> ()
    %mul3A_574 = arith.constant 1025 : i32
    %mul3A_575 = vector.broadcast %mul3A_574 : i32 to vector<16xi32>
    %mul3A_576 = arith.muli %iota3A, %mul3A_575 : vector<16xi32>
    %add3A_577 = arith.constant 1 : i32
    %add3A_578 = vector.broadcast %add3A_577 : i32 to vector<16xi32>
    %add3A_579 = arith.addi %iota3A, %add3A_578 : vector<16xi32>
    %mul3A_580 = arith.constant 1025 : i32
    %mul3A_581 = vector.broadcast %mul3A_580 : i32 to vector<16xi32>
    %mul3A_582 = arith.muli %add3A_579, %mul3A_581 : vector<16xi32>
    %min3A_583 = arith.constant 16384 : i32
    %min3A_584 = vector.broadcast %min3A_583 : i32 to vector<16xi32>
    %min3A_585 = arith.minsi %mul3A_582, %min3A_584 : vector<16xi32>
    %gather3A_586 = tpu.vector_load_idx %arg9[%mul3A_576] : memref<16384xi32, #tpu.memory_space<vmem>>[vector<16xi32>], vector<16xi32>,
    %parallel_loop3A_587 = arith.constant 0 : i32
    %parallel_loop3A_588 = arith.constant 1009 : i32
    %parallel_loop3A_589 = arith.constant 1 : i32
    %parallel_loop3A_590:3 = scf.for %parallel_loop3A_992 = %parallel_loop3A_587 to %parallel_loop3A_588 step %parallel_loop3A_589 iter_args(%parallel_loop3A_993 = %broadcast_in_dim3A_1, %parallel_loop3A_994 = %gather3A_586, %parallel_loop3A_995 = %add3A_57) -> (vector<16xf32>, vector<16xi32>, vector<16xi32>)  : i32 {
      %parallel_loop3A_996 = vector.broadcast %parallel_loop3A_992 : i32 to vector<16xi32>
      %parallel_loop3A_997 = arith.addi %mul3A_576, %parallel_loop3A_996 : vector<16xi32>
      %parallel_loop3A_998 = tpu.vector_load_idx %arg8[%parallel_loop3A_997] : memref<16384xf32, #tpu.memory_space<vmem>>[vector<16xi32>], vector<16xf32>,
      %parallel_loop3A_999 = tpu.vector_load_idx %arg9[%parallel_loop3A_997] : memref<16384xi32, #tpu.memory_space<vmem>>[vector<16xi32>], vector<16xi32>,
      %parallel_loop3A_1000 = arith.cmpi ne, %parallel_loop3A_999, %parallel_loop3A_994 : vector<16xi32>
      tpu.vector_store_idx %arg7[%parallel_loop3A_995], %parallel_loop3A_993 masked %parallel_loop3A_1000 : memref<16400xf32, #tpu.memory_space<vmem>>[vector<16xi32>], vector<16xf32>, vector<16xi1>
      %parallel_loop3A_1001 = arith.select %parallel_loop3A_1000, %parallel_loop3A_999, %parallel_loop3A_995 : vector<16xi1>, vector<16xi32>
      %parallel_loop3A_1002 = arith.maximumf %parallel_loop3A_993, %parallel_loop3A_998 : vector<16xf32>
      %parallel_loop3A_1003 = arith.select %parallel_loop3A_1000, %parallel_loop3A_998, %parallel_loop3A_1002 : vector<16xi1>, vector<16xf32>
      scf.yield %parallel_loop3A_1003, %parallel_loop3A_999, %parallel_loop3A_1001 : vector<16xf32>, vector<16xi32>, vector<16xi32>
    } {sc.loop_unroll_factor = 8 : i64, sc.parallel_access}
    %parallel_loop3A_591 = arith.constant 1009 : i32
    %parallel_loop3A_592 = arith.constant 1025 : i32
    %parallel_loop3A_593 = arith.constant 1 : i32
    %parallel_loop3A_594:3 = scf.for %parallel_loop3A_992 = %parallel_loop3A_591 to %parallel_loop3A_592 step %parallel_loop3A_593 iter_args(%parallel_loop3A_993 = %parallel_loop3A_590#0, %parallel_loop3A_994 = %parallel_loop3A_590#1, %parallel_loop3A_995 = %parallel_loop3A_590#2) -> (vector<16xf32>, vector<16xi32>, vector<16xi32>)  : i32 {
      %parallel_loop3A_996 = vector.broadcast %parallel_loop3A_992 : i32 to vector<16xi32>
      %parallel_loop3A_997 = arith.addi %mul3A_576, %parallel_loop3A_996 : vector<16xi32>
      %parallel_loop3A_998 = arith.cmpi slt, %parallel_loop3A_997, %min3A_585 : vector<16xi32>
      %parallel_loop3A_999 = arith.constant 16383 : i32
      %parallel_loop3A_1000 = vector.broadcast %parallel_loop3A_999 : i32 to vector<16xi32>
      %parallel_loop3A_1001 = arith.minsi %parallel_loop3A_997, %parallel_loop3A_1000 : vector<16xi32>
      %parallel_loop3A_1002 = tpu.vector_load_idx %arg8[%parallel_loop3A_1001] : memref<16384xf32, #tpu.memory_space<vmem>>[vector<16xi32>], vector<16xf32>,
      %parallel_loop3A_1003 = tpu.vector_load_idx %arg9[%parallel_loop3A_1001] : memref<16384xi32, #tpu.memory_space<vmem>>[vector<16xi32>], vector<16xi32>,
      %parallel_loop3A_1004 = arith.select %parallel_loop3A_998, %parallel_loop3A_1003, %parallel_loop3A_994 : vector<16xi1>, vector<16xi32>
      %parallel_loop3A_1005 = arith.cmpi ne, %parallel_loop3A_1004, %parallel_loop3A_994 : vector<16xi32>
      tpu.vector_store_idx %arg7[%parallel_loop3A_995], %parallel_loop3A_993 masked %parallel_loop3A_1005 : memref<16400xf32, #tpu.memory_space<vmem>>[vector<16xi32>], vector<16xf32>, vector<16xi1>
      %parallel_loop3A_1006 = arith.select %parallel_loop3A_1005, %parallel_loop3A_1004, %parallel_loop3A_995 : vector<16xi1>, vector<16xi32>
      %parallel_loop3A_1007 = arith.maximumf %parallel_loop3A_993, %parallel_loop3A_1002 : vector<16xf32>
      %parallel_loop3A_1008 = arith.select %parallel_loop3A_998, %parallel_loop3A_1007, %parallel_loop3A_993 : vector<16xi1>, vector<16xf32>
      %parallel_loop3A_1009 = arith.select %parallel_loop3A_1005, %parallel_loop3A_1002, %parallel_loop3A_1008 : vector<16xi1>, vector<16xf32>
      scf.yield %parallel_loop3A_1009, %parallel_loop3A_1004, %parallel_loop3A_1006 : vector<16xf32>, vector<16xi32>, vector<16xi32>
    } {sc.loop_unroll_factor = 4 : i64, sc.parallel_access}
    %gather3A_595 = tpu.vector_load_idx %arg7[%add3A_57] : memref<16400xf32, #tpu.memory_space<vmem>>[vector<16xi32>], vector<16xf32>,
    %gather3A_596 = tpu.vector_load_idx %arg7[%gather3A_586] : memref<16400xf32, #tpu.memory_space<vmem>>[vector<16xi32>], vector<16xf32>,
    %max3A_597 = arith.maximumf %gather3A_596, %gather3A_595 : vector<16xf32>
    %eq3A_598 = arith.constant 0 : i32
    %eq3A_599 = vector.broadcast %eq3A_598 : i32 to vector<16xi32>
    %eq3A_600 = arith.cmpi eq, %iota3A, %eq3A_599 : vector<16xi32>
    tpu.vector_store_idx %arg7[%gather3A_586], %max3A_597 masked %eq3A_600 : memref<16400xf32, #tpu.memory_space<vmem>>[vector<16xi32>], vector<16xf32>, vector<16xi1>
    %gather3A_601 = tpu.vector_load_idx %arg7[%gather3A_586] : memref<16400xf32, #tpu.memory_space<vmem>>[vector<16xi32>], vector<16xf32>,
    %max3A_602 = arith.maximumf %gather3A_601, %gather3A_595 : vector<16xf32>
    %eq3A_603 = arith.constant 1 : i32
    %eq3A_604 = vector.broadcast %eq3A_603 : i32 to vector<16xi32>
    %eq3A_605 = arith.cmpi eq, %iota3A, %eq3A_604 : vector<16xi32>
    tpu.vector_store_idx %arg7[%gather3A_586], %max3A_602 masked %eq3A_605 : memref<16400xf32, #tpu.memory_space<vmem>>[vector<16xi32>], vector<16xf32>, vector<16xi1>
    %gather3A_606 = tpu.vector_load_idx %arg7[%gather3A_586] : memref<16400xf32, #tpu.memory_space<vmem>>[vector<16xi32>], vector<16xf32>,
    %max3A_607 = arith.maximumf %gather3A_606, %gather3A_595 : vector<16xf32>
    %eq3A_608 = arith.constant 2 : i32
    %eq3A_609 = vector.broadcast %eq3A_608 : i32 to vector<16xi32>
    %eq3A_610 = arith.cmpi eq, %iota3A, %eq3A_609 : vector<16xi32>
    tpu.vector_store_idx %arg7[%gather3A_586], %max3A_607 masked %eq3A_610 : memref<16400xf32, #tpu.memory_space<vmem>>[vector<16xi32>], vector<16xf32>, vector<16xi1>
    %gather3A_611 = tpu.vector_load_idx %arg7[%gather3A_586] : memref<16400xf32, #tpu.memory_space<vmem>>[vector<16xi32>], vector<16xf32>,
    %max3A_612 = arith.maximumf %gather3A_611, %gather3A_595 : vector<16xf32>
    %eq3A_613 = arith.constant 3 : i32
    %eq3A_614 = vector.broadcast %eq3A_613 : i32 to vector<16xi32>
    %eq3A_615 = arith.cmpi eq, %iota3A, %eq3A_614 : vector<16xi32>
    tpu.vector_store_idx %arg7[%gather3A_586], %max3A_612 masked %eq3A_615 : memref<16400xf32, #tpu.memory_space<vmem>>[vector<16xi32>], vector<16xf32>, vector<16xi1>
    %gather3A_616 = tpu.vector_load_idx %arg7[%gather3A_586] : memref<16400xf32, #tpu.memory_space<vmem>>[vector<16xi32>], vector<16xf32>,
    %max3A_617 = arith.maximumf %gather3A_616, %gather3A_595 : vector<16xf32>
    %eq3A_618 = arith.constant 4 : i32
    %eq3A_619 = vector.broadcast %eq3A_618 : i32 to vector<16xi32>
    %eq3A_620 = arith.cmpi eq, %iota3A, %eq3A_619 : vector<16xi32>
    tpu.vector_store_idx %arg7[%gather3A_586], %max3A_617 masked %eq3A_620 : memref<16400xf32, #tpu.memory_space<vmem>>[vector<16xi32>], vector<16xf32>, vector<16xi1>
    %gather3A_621 = tpu.vector_load_idx %arg7[%gather3A_586] : memref<16400xf32, #tpu.memory_space<vmem>>[vector<16xi32>], vector<16xf32>,
    %max3A_622 = arith.maximumf %gather3A_621, %gather3A_595 : vector<16xf32>
    %eq3A_623 = arith.constant 5 : i32
    %eq3A_624 = vector.broadcast %eq3A_623 : i32 to vector<16xi32>
    %eq3A_625 = arith.cmpi eq, %iota3A, %eq3A_624 : vector<16xi32>
    tpu.vector_store_idx %arg7[%gather3A_586], %max3A_622 masked %eq3A_625 : memref<16400xf32, #tpu.memory_space<vmem>>[vector<16xi32>], vector<16xf32>, vector<16xi1>
    %gather3A_626 = tpu.vector_load_idx %arg7[%gather3A_586] : memref<16400xf32, #tpu.memory_space<vmem>>[vector<16xi32>], vector<16xf32>,
    %max3A_627 = arith.maximumf %gather3A_626, %gather3A_595 : vector<16xf32>
    %eq3A_628 = arith.constant 6 : i32
    %eq3A_629 = vector.broadcast %eq3A_628 : i32 to vector<16xi32>
    %eq3A_630 = arith.cmpi eq, %iota3A, %eq3A_629 : vector<16xi32>
    tpu.vector_store_idx %arg7[%gather3A_586], %max3A_627 masked %eq3A_630 : memref<16400xf32, #tpu.memory_space<vmem>>[vector<16xi32>], vector<16xf32>, vector<16xi1>
    %gather3A_631 = tpu.vector_load_idx %arg7[%gather3A_586] : memref<16400xf32, #tpu.memory_space<vmem>>[vector<16xi32>], vector<16xf32>,
    %max3A_632 = arith.maximumf %gather3A_631, %gather3A_595 : vector<16xf32>
    %eq3A_633 = arith.constant 7 : i32
    %eq3A_634 = vector.broadcast %eq3A_633 : i32 to vector<16xi32>
    %eq3A_635 = arith.cmpi eq, %iota3A, %eq3A_634 : vector<16xi32>
    tpu.vector_store_idx %arg7[%gather3A_586], %max3A_632 masked %eq3A_635 : memref<16400xf32, #tpu.memory_space<vmem>>[vector<16xi32>], vector<16xf32>, vector<16xi1>
    %gather3A_636 = tpu.vector_load_idx %arg7[%gather3A_586] : memref<16400xf32, #tpu.memory_space<vmem>>[vector<16xi32>], vector<16xf32>,
    %max3A_637 = arith.maximumf %gather3A_636, %gather3A_595 : vector<16xf32>
    %eq3A_638 = arith.constant 8 : i32
    %eq3A_639 = vector.broadcast %eq3A_638 : i32 to vector<16xi32>
    %eq3A_640 = arith.cmpi eq, %iota3A, %eq3A_639 : vector<16xi32>
    tpu.vector_store_idx %arg7[%gather3A_586], %max3A_637 masked %eq3A_640 : memref<16400xf32, #tpu.memory_space<vmem>>[vector<16xi32>], vector<16xf32>, vector<16xi1>
    %gather3A_641 = tpu.vector_load_idx %arg7[%gather3A_586] : memref<16400xf32, #tpu.memory_space<vmem>>[vector<16xi32>], vector<16xf32>,
    %max3A_642 = arith.maximumf %gather3A_641, %gather3A_595 : vector<16xf32>
    %eq3A_643 = arith.constant 9 : i32
    %eq3A_644 = vector.broadcast %eq3A_643 : i32 to vector<16xi32>
    %eq3A_645 = arith.cmpi eq, %iota3A, %eq3A_644 : vector<16xi32>
    tpu.vector_store_idx %arg7[%gather3A_586], %max3A_642 masked %eq3A_645 : memref<16400xf32, #tpu.memory_space<vmem>>[vector<16xi32>], vector<16xf32>, vector<16xi1>
    %gather3A_646 = tpu.vector_load_idx %arg7[%gather3A_586] : memref<16400xf32, #tpu.memory_space<vmem>>[vector<16xi32>], vector<16xf32>,
    %max3A_647 = arith.maximumf %gather3A_646, %gather3A_595 : vector<16xf32>
    %eq3A_648 = arith.constant 10 : i32
    %eq3A_649 = vector.broadcast %eq3A_648 : i32 to vector<16xi32>
    %eq3A_650 = arith.cmpi eq, %iota3A, %eq3A_649 : vector<16xi32>
    tpu.vector_store_idx %arg7[%gather3A_586], %max3A_647 masked %eq3A_650 : memref<16400xf32, #tpu.memory_space<vmem>>[vector<16xi32>], vector<16xf32>, vector<16xi1>
    %gather3A_651 = tpu.vector_load_idx %arg7[%gather3A_586] : memref<16400xf32, #tpu.memory_space<vmem>>[vector<16xi32>], vector<16xf32>,
    %max3A_652 = arith.maximumf %gather3A_651, %gather3A_595 : vector<16xf32>
    %eq3A_653 = arith.constant 11 : i32
    %eq3A_654 = vector.broadcast %eq3A_653 : i32 to vector<16xi32>
    %eq3A_655 = arith.cmpi eq, %iota3A, %eq3A_654 : vector<16xi32>
    tpu.vector_store_idx %arg7[%gather3A_586], %max3A_652 masked %eq3A_655 : memref<16400xf32, #tpu.memory_space<vmem>>[vector<16xi32>], vector<16xf32>, vector<16xi1>
    %gather3A_656 = tpu.vector_load_idx %arg7[%gather3A_586] : memref<16400xf32, #tpu.memory_space<vmem>>[vector<16xi32>], vector<16xf32>,
    %max3A_657 = arith.maximumf %gather3A_656, %gather3A_595 : vector<16xf32>
    %eq3A_658 = arith.constant 12 : i32
    %eq3A_659 = vector.broadcast %eq3A_658 : i32 to vector<16xi32>
    %eq3A_660 = arith.cmpi eq, %iota3A, %eq3A_659 : vector<16xi32>
    tpu.vector_store_idx %arg7[%gather3A_586], %max3A_657 masked %eq3A_660 : memref<16400xf32, #tpu.memory_space<vmem>>[vector<16xi32>], vector<16xf32>, vector<16xi1>
    %gather3A_661 = tpu.vector_load_idx %arg7[%gather3A_586] : memref<16400xf32, #tpu.memory_space<vmem>>[vector<16xi32>], vector<16xf32>,
    %max3A_662 = arith.maximumf %gather3A_661, %gather3A_595 : vector<16xf32>
    %eq3A_663 = arith.constant 13 : i32
    %eq3A_664 = vector.broadcast %eq3A_663 : i32 to vector<16xi32>
    %eq3A_665 = arith.cmpi eq, %iota3A, %eq3A_664 : vector<16xi32>
    tpu.vector_store_idx %arg7[%gather3A_586], %max3A_662 masked %eq3A_665 : memref<16400xf32, #tpu.memory_space<vmem>>[vector<16xi32>], vector<16xf32>, vector<16xi1>
    %gather3A_666 = tpu.vector_load_idx %arg7[%gather3A_586] : memref<16400xf32, #tpu.memory_space<vmem>>[vector<16xi32>], vector<16xf32>,
    %max3A_667 = arith.maximumf %gather3A_666, %gather3A_595 : vector<16xf32>
    %eq3A_668 = arith.constant 14 : i32
    %eq3A_669 = vector.broadcast %eq3A_668 : i32 to vector<16xi32>
    %eq3A_670 = arith.cmpi eq, %iota3A, %eq3A_669 : vector<16xi32>
    tpu.vector_store_idx %arg7[%gather3A_586], %max3A_667 masked %eq3A_670 : memref<16400xf32, #tpu.memory_space<vmem>>[vector<16xi32>], vector<16xf32>, vector<16xi1>
    %gather3A_671 = tpu.vector_load_idx %arg7[%gather3A_586] : memref<16400xf32, #tpu.memory_space<vmem>>[vector<16xi32>], vector<16xf32>,
    %max3A_672 = arith.maximumf %gather3A_671, %gather3A_595 : vector<16xf32>
    %eq3A_673 = arith.constant 15 : i32
    %eq3A_674 = vector.broadcast %eq3A_673 : i32 to vector<16xi32>
    %eq3A_675 = arith.cmpi eq, %iota3A, %eq3A_674 : vector<16xi32>
    tpu.vector_store_idx %arg7[%gather3A_586], %max3A_672 masked %eq3A_675 : memref<16400xf32, #tpu.memory_space<vmem>>[vector<16xi32>], vector<16xf32>, vector<16xi1>
    %gather3A_676 = tpu.vector_load_idx %arg7[%parallel_loop3A_594#1] : memref<16400xf32, #tpu.memory_space<vmem>>[vector<16xi32>], vector<16xf32>,
    %max3A_677 = arith.maximumf %gather3A_676, %parallel_loop3A_594#0 : vector<16xf32>
    %eq3A_678 = arith.constant 0 : i32
    %eq3A_679 = vector.broadcast %eq3A_678 : i32 to vector<16xi32>
    %eq3A_680 = arith.cmpi eq, %iota3A, %eq3A_679 : vector<16xi32>
    tpu.vector_store_idx %arg7[%parallel_loop3A_594#1], %max3A_677 masked %eq3A_680 : memref<16400xf32, #tpu.memory_space<vmem>>[vector<16xi32>], vector<16xf32>, vector<16xi1>
    %gather3A_681 = tpu.vector_load_idx %arg7[%parallel_loop3A_594#1] : memref<16400xf32, #tpu.memory_space<vmem>>[vector<16xi32>], vector<16xf32>,
    %max3A_682 = arith.maximumf %gather3A_681, %parallel_loop3A_594#0 : vector<16xf32>
    %eq3A_683 = arith.constant 1 : i32
    %eq3A_684 = vector.broadcast %eq3A_683 : i32 to vector<16xi32>
    %eq3A_685 = arith.cmpi eq, %iota3A, %eq3A_684 : vector<16xi32>
    tpu.vector_store_idx %arg7[%parallel_loop3A_594#1], %max3A_682 masked %eq3A_685 : memref<16400xf32, #tpu.memory_space<vmem>>[vector<16xi32>], vector<16xf32>, vector<16xi1>
    %gather3A_686 = tpu.vector_load_idx %arg7[%parallel_loop3A_594#1] : memref<16400xf32, #tpu.memory_space<vmem>>[vector<16xi32>], vector<16xf32>,
    %max3A_687 = arith.maximumf %gather3A_686, %parallel_loop3A_594#0 : vector<16xf32>
    %eq3A_688 = arith.constant 2 : i32
    %eq3A_689 = vector.broadcast %eq3A_688 : i32 to vector<16xi32>
    %eq3A_690 = arith.cmpi eq, %iota3A, %eq3A_689 : vector<16xi32>
    tpu.vector_store_idx %arg7[%parallel_loop3A_594#1], %max3A_687 masked %eq3A_690 : memref<16400xf32, #tpu.memory_space<vmem>>[vector<16xi32>], vector<16xf32>, vector<16xi1>
    %gather3A_691 = tpu.vector_load_idx %arg7[%parallel_loop3A_594#1] : memref<16400xf32, #tpu.memory_space<vmem>>[vector<16xi32>], vector<16xf32>,
    %max3A_692 = arith.maximumf %gather3A_691, %parallel_loop3A_594#0 : vector<16xf32>
    %eq3A_693 = arith.constant 3 : i32
    %eq3A_694 = vector.broadcast %eq3A_693 : i32 to vector<16xi32>
    %eq3A_695 = arith.cmpi eq, %iota3A, %eq3A_694 : vector<16xi32>
    tpu.vector_store_idx %arg7[%parallel_loop3A_594#1], %max3A_692 masked %eq3A_695 : memref<16400xf32, #tpu.memory_space<vmem>>[vector<16xi32>], vector<16xf32>, vector<16xi1>
    %gather3A_696 = tpu.vector_load_idx %arg7[%parallel_loop3A_594#1] : memref<16400xf32, #tpu.memory_space<vmem>>[vector<16xi32>], vector<16xf32>,
    %max3A_697 = arith.maximumf %gather3A_696, %parallel_loop3A_594#0 : vector<16xf32>
    %eq3A_698 = arith.constant 4 : i32
    %eq3A_699 = vector.broadcast %eq3A_698 : i32 to vector<16xi32>
    %eq3A_700 = arith.cmpi eq, %iota3A, %eq3A_699 : vector<16xi32>
    tpu.vector_store_idx %arg7[%parallel_loop3A_594#1], %max3A_697 masked %eq3A_700 : memref<16400xf32, #tpu.memory_space<vmem>>[vector<16xi32>], vector<16xf32>, vector<16xi1>
    %gather3A_701 = tpu.vector_load_idx %arg7[%parallel_loop3A_594#1] : memref<16400xf32, #tpu.memory_space<vmem>>[vector<16xi32>], vector<16xf32>,
    %max3A_702 = arith.maximumf %gather3A_701, %parallel_loop3A_594#0 : vector<16xf32>
    %eq3A_703 = arith.constant 5 : i32
    %eq3A_704 = vector.broadcast %eq3A_703 : i32 to vector<16xi32>
    %eq3A_705 = arith.cmpi eq, %iota3A, %eq3A_704 : vector<16xi32>
    tpu.vector_store_idx %arg7[%parallel_loop3A_594#1], %max3A_702 masked %eq3A_705 : memref<16400xf32, #tpu.memory_space<vmem>>[vector<16xi32>], vector<16xf32>, vector<16xi1>
    %gather3A_706 = tpu.vector_load_idx %arg7[%parallel_loop3A_594#1] : memref<16400xf32, #tpu.memory_space<vmem>>[vector<16xi32>], vector<16xf32>,
    %max3A_707 = arith.maximumf %gather3A_706, %parallel_loop3A_594#0 : vector<16xf32>
    %eq3A_708 = arith.constant 6 : i32
    %eq3A_709 = vector.broadcast %eq3A_708 : i32 to vector<16xi32>
    %eq3A_710 = arith.cmpi eq, %iota3A, %eq3A_709 : vector<16xi32>
    tpu.vector_store_idx %arg7[%parallel_loop3A_594#1], %max3A_707 masked %eq3A_710 : memref<16400xf32, #tpu.memory_space<vmem>>[vector<16xi32>], vector<16xf32>, vector<16xi1>
    %gather3A_711 = tpu.vector_load_idx %arg7[%parallel_loop3A_594#1] : memref<16400xf32, #tpu.memory_space<vmem>>[vector<16xi32>], vector<16xf32>,
    %max3A_712 = arith.maximumf %gather3A_711, %parallel_loop3A_594#0 : vector<16xf32>
    %eq3A_713 = arith.constant 7 : i32
    %eq3A_714 = vector.broadcast %eq3A_713 : i32 to vector<16xi32>
    %eq3A_715 = arith.cmpi eq, %iota3A, %eq3A_714 : vector<16xi32>
    tpu.vector_store_idx %arg7[%parallel_loop3A_594#1], %max3A_712 masked %eq3A_715 : memref<16400xf32, #tpu.memory_space<vmem>>[vector<16xi32>], vector<16xf32>, vector<16xi1>
    %gather3A_716 = tpu.vector_load_idx %arg7[%parallel_loop3A_594#1] : memref<16400xf32, #tpu.memory_space<vmem>>[vector<16xi32>], vector<16xf32>,
    %max3A_717 = arith.maximumf %gather3A_716, %parallel_loop3A_594#0 : vector<16xf32>
    %eq3A_718 = arith.constant 8 : i32
    %eq3A_719 = vector.broadcast %eq3A_718 : i32 to vector<16xi32>
    %eq3A_720 = arith.cmpi eq, %iota3A, %eq3A_719 : vector<16xi32>
    tpu.vector_store_idx %arg7[%parallel_loop3A_594#1], %max3A_717 masked %eq3A_720 : memref<16400xf32, #tpu.memory_space<vmem>>[vector<16xi32>], vector<16xf32>, vector<16xi1>
    %gather3A_721 = tpu.vector_load_idx %arg7[%parallel_loop3A_594#1] : memref<16400xf32, #tpu.memory_space<vmem>>[vector<16xi32>], vector<16xf32>,
    %max3A_722 = arith.maximumf %gather3A_721, %parallel_loop3A_594#0 : vector<16xf32>
    %eq3A_723 = arith.constant 9 : i32
    %eq3A_724 = vector.broadcast %eq3A_723 : i32 to vector<16xi32>
    %eq3A_725 = arith.cmpi eq, %iota3A, %eq3A_724 : vector<16xi32>
    tpu.vector_store_idx %arg7[%parallel_loop3A_594#1], %max3A_722 masked %eq3A_725 : memref<16400xf32, #tpu.memory_space<vmem>>[vector<16xi32>], vector<16xf32>, vector<16xi1>
    %gather3A_726 = tpu.vector_load_idx %arg7[%parallel_loop3A_594#1] : memref<16400xf32, #tpu.memory_space<vmem>>[vector<16xi32>], vector<16xf32>,
    %max3A_727 = arith.maximumf %gather3A_726, %parallel_loop3A_594#0 : vector<16xf32>
    %eq3A_728 = arith.constant 10 : i32
    %eq3A_729 = vector.broadcast %eq3A_728 : i32 to vector<16xi32>
    %eq3A_730 = arith.cmpi eq, %iota3A, %eq3A_729 : vector<16xi32>
    tpu.vector_store_idx %arg7[%parallel_loop3A_594#1], %max3A_727 masked %eq3A_730 : memref<16400xf32, #tpu.memory_space<vmem>>[vector<16xi32>], vector<16xf32>, vector<16xi1>
    %gather3A_731 = tpu.vector_load_idx %arg7[%parallel_loop3A_594#1] : memref<16400xf32, #tpu.memory_space<vmem>>[vector<16xi32>], vector<16xf32>,
    %max3A_732 = arith.maximumf %gather3A_731, %parallel_loop3A_594#0 : vector<16xf32>
    %eq3A_733 = arith.constant 11 : i32
    %eq3A_734 = vector.broadcast %eq3A_733 : i32 to vector<16xi32>
    %eq3A_735 = arith.cmpi eq, %iota3A, %eq3A_734 : vector<16xi32>
    tpu.vector_store_idx %arg7[%parallel_loop3A_594#1], %max3A_732 masked %eq3A_735 : memref<16400xf32, #tpu.memory_space<vmem>>[vector<16xi32>], vector<16xf32>, vector<16xi1>
    %gather3A_736 = tpu.vector_load_idx %arg7[%parallel_loop3A_594#1] : memref<16400xf32, #tpu.memory_space<vmem>>[vector<16xi32>], vector<16xf32>,
    %max3A_737 = arith.maximumf %gather3A_736, %parallel_loop3A_594#0 : vector<16xf32>
    %eq3A_738 = arith.constant 12 : i32
    %eq3A_739 = vector.broadcast %eq3A_738 : i32 to vector<16xi32>
    %eq3A_740 = arith.cmpi eq, %iota3A, %eq3A_739 : vector<16xi32>
    tpu.vector_store_idx %arg7[%parallel_loop3A_594#1], %max3A_737 masked %eq3A_740 : memref<16400xf32, #tpu.memory_space<vmem>>[vector<16xi32>], vector<16xf32>, vector<16xi1>
    %gather3A_741 = tpu.vector_load_idx %arg7[%parallel_loop3A_594#1] : memref<16400xf32, #tpu.memory_space<vmem>>[vector<16xi32>], vector<16xf32>,
    %max3A_742 = arith.maximumf %gather3A_741, %parallel_loop3A_594#0 : vector<16xf32>
    %eq3A_743 = arith.constant 13 : i32
    %eq3A_744 = vector.broadcast %eq3A_743 : i32 to vector<16xi32>
    %eq3A_745 = arith.cmpi eq, %iota3A, %eq3A_744 : vector<16xi32>
    tpu.vector_store_idx %arg7[%parallel_loop3A_594#1], %max3A_742 masked %eq3A_745 : memref<16400xf32, #tpu.memory_space<vmem>>[vector<16xi32>], vector<16xf32>, vector<16xi1>
    %gather3A_746 = tpu.vector_load_idx %arg7[%parallel_loop3A_594#1] : memref<16400xf32, #tpu.memory_space<vmem>>[vector<16xi32>], vector<16xf32>,
    %max3A_747 = arith.maximumf %gather3A_746, %parallel_loop3A_594#0 : vector<16xf32>
    %eq3A_748 = arith.constant 14 : i32
    %eq3A_749 = vector.broadcast %eq3A_748 : i32 to vector<16xi32>
    %eq3A_750 = arith.cmpi eq, %iota3A, %eq3A_749 : vector<16xi32>
    tpu.vector_store_idx %arg7[%parallel_loop3A_594#1], %max3A_747 masked %eq3A_750 : memref<16400xf32, #tpu.memory_space<vmem>>[vector<16xi32>], vector<16xf32>, vector<16xi1>
    %gather3A_751 = tpu.vector_load_idx %arg7[%parallel_loop3A_594#1] : memref<16400xf32, #tpu.memory_space<vmem>>[vector<16xi32>], vector<16xf32>,
    %max3A_752 = arith.maximumf %gather3A_751, %parallel_loop3A_594#0 : vector<16xf32>
    %eq3A_753 = arith.constant 15 : i32
    %eq3A_754 = vector.broadcast %eq3A_753 : i32 to vector<16xi32>
    %eq3A_755 = arith.cmpi eq, %iota3A, %eq3A_754 : vector<16xi32>
    tpu.vector_store_idx %arg7[%parallel_loop3A_594#1], %max3A_752 masked %eq3A_755 : memref<16400xf32, #tpu.memory_space<vmem>>[vector<16xi32>], vector<16xf32>, vector<16xi1>
    %swap3A_756 = arith.constant 16384 : index
    %swap3A_757 = tpu.vector_load %arg7[%swap3A_756] {strides = array<i32>} : memref<16400xf32, #tpu.memory_space<vmem>>, vector<16xf32>,
    tpu.vector_store %arg7[%swap3A_756], %broadcast_in_dim3A_1 {strides = array<i32>} : memref<16400xf32, #tpu.memory_space<vmem>>, vector<16xf32>,
    %mul3A_758 = arith.constant 1048576 : i32
    %mul3A_759 = arith.muli %arg0, %mul3A_758 : i32
    %add3A_760 = arith.constant 786432 : i32
    %add3A_761 = arith.addi %mul3A_759, %add3A_760 : i32
    %mul3A_762 = arith.constant 16384 : i32
    %mul3A_763 = arith.muli %arg1, %mul3A_762 : i32
    %add3A_764 = arith.addi %add3A_761, %mul3A_763 : i32
    %mul3A_765 = arith.constant 16384 : i32
    %mul3A_766 = arith.muli %arg1, %mul3A_765 : i32
    %add3A_767 = arith.constant 262144 : i32
    %add3A_768 = arith.addi %add3A_767, %mul3A_766 : i32
    %dma_wait3A_769 = tpu.memref_slice %arg12[%add3A_768] : memref<524288xf32, #tpu.memory_space<vmem_shared>> -> memref<16384xf32, #tpu.memory_space<vmem_shared>>
    %dma_wait3A_770 = tpu.memref_slice %arg2[%add3A_764] : memref<2113536xf32, #tpu.memory_space<hbm>> -> memref<16384xf32, #tpu.memory_space<hbm>>
    tpu.wait_dma2 semaphore(%arg15 : memref<!tpu.dma_semaphore, #tpu.memory_space<semaphore_mem>>) src(%dma_wait3A_770 : memref<16384xf32, #tpu.memory_space<hbm>>) dst(%dma_wait3A_769 : memref<16384xf32, #tpu.memory_space<vmem_shared>>)
    %mul3A_771 = arith.constant 1048576 : i32
    %mul3A_772 = arith.muli %arg0, %mul3A_771 : i32
    %add3A_773 = arith.constant 786432 : i32
    %add3A_774 = arith.addi %mul3A_772, %add3A_773 : i32
    %mul3A_775 = arith.constant 16384 : i32
    %mul3A_776 = arith.muli %arg1, %mul3A_775 : i32
    %add3A_777 = arith.addi %add3A_774, %mul3A_776 : i32
    %mul3A_778 = arith.constant 16384 : i32
    %mul3A_779 = arith.muli %arg1, %mul3A_778 : i32
    %add3A_780 = arith.constant 262144 : i32
    %add3A_781 = arith.addi %add3A_780, %mul3A_779 : i32
    %dma_wait3A_782 = tpu.memref_slice %arg13[%add3A_781] : memref<524288xi32, #tpu.memory_space<vmem_shared>> -> memref<16384xi32, #tpu.memory_space<vmem_shared>>
    %dma_wait3A_783 = tpu.memref_slice %arg3[%add3A_777] : memref<2097152xi32, #tpu.memory_space<hbm>> -> memref<16384xi32, #tpu.memory_space<hbm>>
    tpu.wait_dma2 semaphore(%arg15 : memref<!tpu.dma_semaphore, #tpu.memory_space<semaphore_mem>>) src(%dma_wait3A_783 : memref<16384xi32, #tpu.memory_space<hbm>>) dst(%dma_wait3A_782 : memref<16384xi32, #tpu.memory_space<vmem_shared>>)
    %mul3A_784 = arith.constant 16384 : i32
    %mul3A_785 = arith.muli %arg1, %mul3A_784 : i32
    %add3A_786 = arith.constant 262144 : i32
    %add3A_787 = arith.addi %add3A_786, %mul3A_785 : i32
    "tpu.region"() ({
      %run_scoped3A = tpu.sem_alloc : memref<!tpu.dma_semaphore, #tpu.memory_space<semaphore_mem>>
      %dma_start3A_992 = arith.constant 0 : i32
      %dma_start3A_993 = tpu.memref_slice %arg8[%dma_start3A_992] : memref<16384xf32, #tpu.memory_space<vmem>> -> memref<16384xf32, #tpu.memory_space<vmem>>
      %dma_start3A_994 = tpu.memref_slice %arg12[%add3A_787] : memref<524288xf32, #tpu.memory_space<vmem_shared>> -> memref<16384xf32, #tpu.memory_space<vmem_shared>>
      %dma_start3A_995 = arith.constant 0 : i32
      %dma_start3A_996 = tpu.memref_slice %arg8[%dma_start3A_995] : memref<16384xf32, #tpu.memory_space<vmem>> -> memref<16384xf32, #tpu.memory_space<vmem>>
      %dma_start3A_997 = tpu.memref_slice %arg12[%add3A_787] : memref<524288xf32, #tpu.memory_space<vmem_shared>> -> memref<16384xf32, #tpu.memory_space<vmem_shared>>
      tpu.enqueue_dma source(%dma_start3A_997 : memref<16384xf32, #tpu.memory_space<vmem_shared>>) target(%dma_start3A_996 : memref<16384xf32, #tpu.memory_space<vmem>>) target_semaphore(%run_scoped3A : memref<!tpu.dma_semaphore, #tpu.memory_space<semaphore_mem>>)
      %dma_wait3A_998 = arith.constant 0 : i32
      %dma_wait3A_999 = tpu.memref_slice %arg8[%dma_wait3A_998] : memref<16384xf32, #tpu.memory_space<vmem>> -> memref<16384xf32, #tpu.memory_space<vmem>>
      %dma_wait3A_1000 = tpu.memref_slice %arg12[%add3A_787] : memref<524288xf32, #tpu.memory_space<vmem_shared>> -> memref<16384xf32, #tpu.memory_space<vmem_shared>>
      %dma_wait3A_1001 = arith.constant 0 : i32
      %dma_wait3A_1002 = tpu.memref_slice %arg8[%dma_wait3A_1001] : memref<16384xf32, #tpu.memory_space<vmem>> -> memref<16384xf32, #tpu.memory_space<vmem>>
      %dma_wait3A_1003 = tpu.memref_slice %arg12[%add3A_787] : memref<524288xf32, #tpu.memory_space<vmem_shared>> -> memref<16384xf32, #tpu.memory_space<vmem_shared>>
      tpu.wait_dma2 semaphore(%run_scoped3A : memref<!tpu.dma_semaphore, #tpu.memory_space<semaphore_mem>>) src(%dma_wait3A_1003 : memref<16384xf32, #tpu.memory_space<vmem_shared>>) dst(%dma_wait3A_1002 : memref<16384xf32, #tpu.memory_space<vmem>>)
      tpu.yield
    }) : () -> ()
    %mul3A_788 = arith.constant 16384 : i32
    %mul3A_789 = arith.muli %arg1, %mul3A_788 : i32
    %add3A_790 = arith.constant 262144 : i32
    %add3A_791 = arith.addi %add3A_790, %mul3A_789 : i32
    "tpu.region"() ({
      %run_scoped3A = tpu.sem_alloc : memref<!tpu.dma_semaphore, #tpu.memory_space<semaphore_mem>>
      %dma_start3A_992 = arith.constant 0 : i32
      %dma_start3A_993 = tpu.memref_slice %arg9[%dma_start3A_992] : memref<16384xi32, #tpu.memory_space<vmem>> -> memref<16384xi32, #tpu.memory_space<vmem>>
      %dma_start3A_994 = tpu.memref_slice %arg13[%add3A_791] : memref<524288xi32, #tpu.memory_space<vmem_shared>> -> memref<16384xi32, #tpu.memory_space<vmem_shared>>
      %dma_start3A_995 = arith.constant 0 : i32
      %dma_start3A_996 = tpu.memref_slice %arg9[%dma_start3A_995] : memref<16384xi32, #tpu.memory_space<vmem>> -> memref<16384xi32, #tpu.memory_space<vmem>>
      %dma_start3A_997 = tpu.memref_slice %arg13[%add3A_791] : memref<524288xi32, #tpu.memory_space<vmem_shared>> -> memref<16384xi32, #tpu.memory_space<vmem_shared>>
      tpu.enqueue_dma source(%dma_start3A_997 : memref<16384xi32, #tpu.memory_space<vmem_shared>>) target(%dma_start3A_996 : memref<16384xi32, #tpu.memory_space<vmem>>) target_semaphore(%run_scoped3A : memref<!tpu.dma_semaphore, #tpu.memory_space<semaphore_mem>>)
      %dma_wait3A_998 = arith.constant 0 : i32
      %dma_wait3A_999 = tpu.memref_slice %arg9[%dma_wait3A_998] : memref<16384xi32, #tpu.memory_space<vmem>> -> memref<16384xi32, #tpu.memory_space<vmem>>
      %dma_wait3A_1000 = tpu.memref_slice %arg13[%add3A_791] : memref<524288xi32, #tpu.memory_space<vmem_shared>> -> memref<16384xi32, #tpu.memory_space<vmem_shared>>
      %dma_wait3A_1001 = arith.constant 0 : i32
      %dma_wait3A_1002 = tpu.memref_slice %arg9[%dma_wait3A_1001] : memref<16384xi32, #tpu.memory_space<vmem>> -> memref<16384xi32, #tpu.memory_space<vmem>>
      %dma_wait3A_1003 = tpu.memref_slice %arg13[%add3A_791] : memref<524288xi32, #tpu.memory_space<vmem_shared>> -> memref<16384xi32, #tpu.memory_space<vmem_shared>>
      tpu.wait_dma2 semaphore(%run_scoped3A : memref<!tpu.dma_semaphore, #tpu.memory_space<semaphore_mem>>) src(%dma_wait3A_1003 : memref<16384xi32, #tpu.memory_space<vmem_shared>>) dst(%dma_wait3A_1002 : memref<16384xi32, #tpu.memory_space<vmem>>)
      tpu.yield
    }) : () -> ()
    %mul3A_792 = arith.constant 1025 : i32
    %mul3A_793 = vector.broadcast %mul3A_792 : i32 to vector<16xi32>
    %mul3A_794 = arith.muli %iota3A, %mul3A_793 : vector<16xi32>
    %add3A_795 = arith.constant 1 : i32
    %add3A_796 = vector.broadcast %add3A_795 : i32 to vector<16xi32>
    %add3A_797 = arith.addi %iota3A, %add3A_796 : vector<16xi32>
    %mul3A_798 = arith.constant 1025 : i32
    %mul3A_799 = vector.broadcast %mul3A_798 : i32 to vector<16xi32>
    %mul3A_800 = arith.muli %add3A_797, %mul3A_799 : vector<16xi32>
    %min3A_801 = arith.constant 16384 : i32
    %min3A_802 = vector.broadcast %min3A_801 : i32 to vector<16xi32>
    %min3A_803 = arith.minsi %mul3A_800, %min3A_802 : vector<16xi32>
    %gather3A_804 = tpu.vector_load_idx %arg9[%mul3A_794] : memref<16384xi32, #tpu.memory_space<vmem>>[vector<16xi32>], vector<16xi32>,
    %parallel_loop3A_805 = arith.constant 0 : i32
    %parallel_loop3A_806 = arith.constant 1009 : i32
    %parallel_loop3A_807 = arith.constant 1 : i32
    %parallel_loop3A_808:3 = scf.for %parallel_loop3A_992 = %parallel_loop3A_805 to %parallel_loop3A_806 step %parallel_loop3A_807 iter_args(%parallel_loop3A_993 = %broadcast_in_dim3A_1, %parallel_loop3A_994 = %gather3A_804, %parallel_loop3A_995 = %add3A_57) -> (vector<16xf32>, vector<16xi32>, vector<16xi32>)  : i32 {
      %parallel_loop3A_996 = vector.broadcast %parallel_loop3A_992 : i32 to vector<16xi32>
      %parallel_loop3A_997 = arith.addi %mul3A_794, %parallel_loop3A_996 : vector<16xi32>
      %parallel_loop3A_998 = tpu.vector_load_idx %arg8[%parallel_loop3A_997] : memref<16384xf32, #tpu.memory_space<vmem>>[vector<16xi32>], vector<16xf32>,
      %parallel_loop3A_999 = tpu.vector_load_idx %arg9[%parallel_loop3A_997] : memref<16384xi32, #tpu.memory_space<vmem>>[vector<16xi32>], vector<16xi32>,
      %parallel_loop3A_1000 = arith.cmpi ne, %parallel_loop3A_999, %parallel_loop3A_994 : vector<16xi32>
      tpu.vector_store_idx %arg7[%parallel_loop3A_995], %parallel_loop3A_993 masked %parallel_loop3A_1000 : memref<16400xf32, #tpu.memory_space<vmem>>[vector<16xi32>], vector<16xf32>, vector<16xi1>
      %parallel_loop3A_1001 = arith.select %parallel_loop3A_1000, %parallel_loop3A_999, %parallel_loop3A_995 : vector<16xi1>, vector<16xi32>
      %parallel_loop3A_1002 = arith.maximumf %parallel_loop3A_993, %parallel_loop3A_998 : vector<16xf32>
      %parallel_loop3A_1003 = arith.select %parallel_loop3A_1000, %parallel_loop3A_998, %parallel_loop3A_1002 : vector<16xi1>, vector<16xf32>
      scf.yield %parallel_loop3A_1003, %parallel_loop3A_999, %parallel_loop3A_1001 : vector<16xf32>, vector<16xi32>, vector<16xi32>
    } {sc.loop_unroll_factor = 8 : i64, sc.parallel_access}
    %parallel_loop3A_809 = arith.constant 1009 : i32
    %parallel_loop3A_810 = arith.constant 1025 : i32
    %parallel_loop3A_811 = arith.constant 1 : i32
    %parallel_loop3A_812:3 = scf.for %parallel_loop3A_992 = %parallel_loop3A_809 to %parallel_loop3A_810 step %parallel_loop3A_811 iter_args(%parallel_loop3A_993 = %parallel_loop3A_808#0, %parallel_loop3A_994 = %parallel_loop3A_808#1, %parallel_loop3A_995 = %parallel_loop3A_808#2) -> (vector<16xf32>, vector<16xi32>, vector<16xi32>)  : i32 {
      %parallel_loop3A_996 = vector.broadcast %parallel_loop3A_992 : i32 to vector<16xi32>
      %parallel_loop3A_997 = arith.addi %mul3A_794, %parallel_loop3A_996 : vector<16xi32>
      %parallel_loop3A_998 = arith.cmpi slt, %parallel_loop3A_997, %min3A_803 : vector<16xi32>
      %parallel_loop3A_999 = arith.constant 16383 : i32
      %parallel_loop3A_1000 = vector.broadcast %parallel_loop3A_999 : i32 to vector<16xi32>
      %parallel_loop3A_1001 = arith.minsi %parallel_loop3A_997, %parallel_loop3A_1000 : vector<16xi32>
      %parallel_loop3A_1002 = tpu.vector_load_idx %arg8[%parallel_loop3A_1001] : memref<16384xf32, #tpu.memory_space<vmem>>[vector<16xi32>], vector<16xf32>,
      %parallel_loop3A_1003 = tpu.vector_load_idx %arg9[%parallel_loop3A_1001] : memref<16384xi32, #tpu.memory_space<vmem>>[vector<16xi32>], vector<16xi32>,
      %parallel_loop3A_1004 = arith.select %parallel_loop3A_998, %parallel_loop3A_1003, %parallel_loop3A_994 : vector<16xi1>, vector<16xi32>
      %parallel_loop3A_1005 = arith.cmpi ne, %parallel_loop3A_1004, %parallel_loop3A_994 : vector<16xi32>
      tpu.vector_store_idx %arg7[%parallel_loop3A_995], %parallel_loop3A_993 masked %parallel_loop3A_1005 : memref<16400xf32, #tpu.memory_space<vmem>>[vector<16xi32>], vector<16xf32>, vector<16xi1>
      %parallel_loop3A_1006 = arith.select %parallel_loop3A_1005, %parallel_loop3A_1004, %parallel_loop3A_995 : vector<16xi1>, vector<16xi32>
      %parallel_loop3A_1007 = arith.maximumf %parallel_loop3A_993, %parallel_loop3A_1002 : vector<16xf32>
      %parallel_loop3A_1008 = arith.select %parallel_loop3A_998, %parallel_loop3A_1007, %parallel_loop3A_993 : vector<16xi1>, vector<16xf32>
      %parallel_loop3A_1009 = arith.select %parallel_loop3A_1005, %parallel_loop3A_1002, %parallel_loop3A_1008 : vector<16xi1>, vector<16xf32>
      scf.yield %parallel_loop3A_1009, %parallel_loop3A_1004, %parallel_loop3A_1006 : vector<16xf32>, vector<16xi32>, vector<16xi32>
    } {sc.loop_unroll_factor = 4 : i64, sc.parallel_access}
    %gather3A_813 = tpu.vector_load_idx %arg7[%add3A_57] : memref<16400xf32, #tpu.memory_space<vmem>>[vector<16xi32>], vector<16xf32>,
    %gather3A_814 = tpu.vector_load_idx %arg7[%gather3A_804] : memref<16400xf32, #tpu.memory_space<vmem>>[vector<16xi32>], vector<16xf32>,
    %max3A_815 = arith.maximumf %gather3A_814, %gather3A_813 : vector<16xf32>
    %eq3A_816 = arith.constant 0 : i32
    %eq3A_817 = vector.broadcast %eq3A_816 : i32 to vector<16xi32>
    %eq3A_818 = arith.cmpi eq, %iota3A, %eq3A_817 : vector<16xi32>
    tpu.vector_store_idx %arg7[%gather3A_804], %max3A_815 masked %eq3A_818 : memref<16400xf32, #tpu.memory_space<vmem>>[vector<16xi32>], vector<16xf32>, vector<16xi1>
    %gather3A_819 = tpu.vector_load_idx %arg7[%gather3A_804] : memref<16400xf32, #tpu.memory_space<vmem>>[vector<16xi32>], vector<16xf32>,
    %max3A_820 = arith.maximumf %gather3A_819, %gather3A_813 : vector<16xf32>
    %eq3A_821 = arith.constant 1 : i32
    %eq3A_822 = vector.broadcast %eq3A_821 : i32 to vector<16xi32>
    %eq3A_823 = arith.cmpi eq, %iota3A, %eq3A_822 : vector<16xi32>
    tpu.vector_store_idx %arg7[%gather3A_804], %max3A_820 masked %eq3A_823 : memref<16400xf32, #tpu.memory_space<vmem>>[vector<16xi32>], vector<16xf32>, vector<16xi1>
    %gather3A_824 = tpu.vector_load_idx %arg7[%gather3A_804] : memref<16400xf32, #tpu.memory_space<vmem>>[vector<16xi32>], vector<16xf32>,
    %max3A_825 = arith.maximumf %gather3A_824, %gather3A_813 : vector<16xf32>
    %eq3A_826 = arith.constant 2 : i32
    %eq3A_827 = vector.broadcast %eq3A_826 : i32 to vector<16xi32>
    %eq3A_828 = arith.cmpi eq, %iota3A, %eq3A_827 : vector<16xi32>
    tpu.vector_store_idx %arg7[%gather3A_804], %max3A_825 masked %eq3A_828 : memref<16400xf32, #tpu.memory_space<vmem>>[vector<16xi32>], vector<16xf32>, vector<16xi1>
    %gather3A_829 = tpu.vector_load_idx %arg7[%gather3A_804] : memref<16400xf32, #tpu.memory_space<vmem>>[vector<16xi32>], vector<16xf32>,
    %max3A_830 = arith.maximumf %gather3A_829, %gather3A_813 : vector<16xf32>
    %eq3A_831 = arith.constant 3 : i32
    %eq3A_832 = vector.broadcast %eq3A_831 : i32 to vector<16xi32>
    %eq3A_833 = arith.cmpi eq, %iota3A, %eq3A_832 : vector<16xi32>
    tpu.vector_store_idx %arg7[%gather3A_804], %max3A_830 masked %eq3A_833 : memref<16400xf32, #tpu.memory_space<vmem>>[vector<16xi32>], vector<16xf32>, vector<16xi1>
    %gather3A_834 = tpu.vector_load_idx %arg7[%gather3A_804] : memref<16400xf32, #tpu.memory_space<vmem>>[vector<16xi32>], vector<16xf32>,
    %max3A_835 = arith.maximumf %gather3A_834, %gather3A_813 : vector<16xf32>
    %eq3A_836 = arith.constant 4 : i32
    %eq3A_837 = vector.broadcast %eq3A_836 : i32 to vector<16xi32>
    %eq3A_838 = arith.cmpi eq, %iota3A, %eq3A_837 : vector<16xi32>
    tpu.vector_store_idx %arg7[%gather3A_804], %max3A_835 masked %eq3A_838 : memref<16400xf32, #tpu.memory_space<vmem>>[vector<16xi32>], vector<16xf32>, vector<16xi1>
    %gather3A_839 = tpu.vector_load_idx %arg7[%gather3A_804] : memref<16400xf32, #tpu.memory_space<vmem>>[vector<16xi32>], vector<16xf32>,
    %max3A_840 = arith.maximumf %gather3A_839, %gather3A_813 : vector<16xf32>
    %eq3A_841 = arith.constant 5 : i32
    %eq3A_842 = vector.broadcast %eq3A_841 : i32 to vector<16xi32>
    %eq3A_843 = arith.cmpi eq, %iota3A, %eq3A_842 : vector<16xi32>
    tpu.vector_store_idx %arg7[%gather3A_804], %max3A_840 masked %eq3A_843 : memref<16400xf32, #tpu.memory_space<vmem>>[vector<16xi32>], vector<16xf32>, vector<16xi1>
    %gather3A_844 = tpu.vector_load_idx %arg7[%gather3A_804] : memref<16400xf32, #tpu.memory_space<vmem>>[vector<16xi32>], vector<16xf32>,
    %max3A_845 = arith.maximumf %gather3A_844, %gather3A_813 : vector<16xf32>
    %eq3A_846 = arith.constant 6 : i32
    %eq3A_847 = vector.broadcast %eq3A_846 : i32 to vector<16xi32>
    %eq3A_848 = arith.cmpi eq, %iota3A, %eq3A_847 : vector<16xi32>
    tpu.vector_store_idx %arg7[%gather3A_804], %max3A_845 masked %eq3A_848 : memref<16400xf32, #tpu.memory_space<vmem>>[vector<16xi32>], vector<16xf32>, vector<16xi1>
    %gather3A_849 = tpu.vector_load_idx %arg7[%gather3A_804] : memref<16400xf32, #tpu.memory_space<vmem>>[vector<16xi32>], vector<16xf32>,
    %max3A_850 = arith.maximumf %gather3A_849, %gather3A_813 : vector<16xf32>
    %eq3A_851 = arith.constant 7 : i32
    %eq3A_852 = vector.broadcast %eq3A_851 : i32 to vector<16xi32>
    %eq3A_853 = arith.cmpi eq, %iota3A, %eq3A_852 : vector<16xi32>
    tpu.vector_store_idx %arg7[%gather3A_804], %max3A_850 masked %eq3A_853 : memref<16400xf32, #tpu.memory_space<vmem>>[vector<16xi32>], vector<16xf32>, vector<16xi1>
    %gather3A_854 = tpu.vector_load_idx %arg7[%gather3A_804] : memref<16400xf32, #tpu.memory_space<vmem>>[vector<16xi32>], vector<16xf32>,
    %max3A_855 = arith.maximumf %gather3A_854, %gather3A_813 : vector<16xf32>
    %eq3A_856 = arith.constant 8 : i32
    %eq3A_857 = vector.broadcast %eq3A_856 : i32 to vector<16xi32>
    %eq3A_858 = arith.cmpi eq, %iota3A, %eq3A_857 : vector<16xi32>
    tpu.vector_store_idx %arg7[%gather3A_804], %max3A_855 masked %eq3A_858 : memref<16400xf32, #tpu.memory_space<vmem>>[vector<16xi32>], vector<16xf32>, vector<16xi1>
    %gather3A_859 = tpu.vector_load_idx %arg7[%gather3A_804] : memref<16400xf32, #tpu.memory_space<vmem>>[vector<16xi32>], vector<16xf32>,
    %max3A_860 = arith.maximumf %gather3A_859, %gather3A_813 : vector<16xf32>
    %eq3A_861 = arith.constant 9 : i32
    %eq3A_862 = vector.broadcast %eq3A_861 : i32 to vector<16xi32>
    %eq3A_863 = arith.cmpi eq, %iota3A, %eq3A_862 : vector<16xi32>
    tpu.vector_store_idx %arg7[%gather3A_804], %max3A_860 masked %eq3A_863 : memref<16400xf32, #tpu.memory_space<vmem>>[vector<16xi32>], vector<16xf32>, vector<16xi1>
    %gather3A_864 = tpu.vector_load_idx %arg7[%gather3A_804] : memref<16400xf32, #tpu.memory_space<vmem>>[vector<16xi32>], vector<16xf32>,
    %max3A_865 = arith.maximumf %gather3A_864, %gather3A_813 : vector<16xf32>
    %eq3A_866 = arith.constant 10 : i32
    %eq3A_867 = vector.broadcast %eq3A_866 : i32 to vector<16xi32>
    %eq3A_868 = arith.cmpi eq, %iota3A, %eq3A_867 : vector<16xi32>
    tpu.vector_store_idx %arg7[%gather3A_804], %max3A_865 masked %eq3A_868 : memref<16400xf32, #tpu.memory_space<vmem>>[vector<16xi32>], vector<16xf32>, vector<16xi1>
    %gather3A_869 = tpu.vector_load_idx %arg7[%gather3A_804] : memref<16400xf32, #tpu.memory_space<vmem>>[vector<16xi32>], vector<16xf32>,
    %max3A_870 = arith.maximumf %gather3A_869, %gather3A_813 : vector<16xf32>
    %eq3A_871 = arith.constant 11 : i32
    %eq3A_872 = vector.broadcast %eq3A_871 : i32 to vector<16xi32>
    %eq3A_873 = arith.cmpi eq, %iota3A, %eq3A_872 : vector<16xi32>
    tpu.vector_store_idx %arg7[%gather3A_804], %max3A_870 masked %eq3A_873 : memref<16400xf32, #tpu.memory_space<vmem>>[vector<16xi32>], vector<16xf32>, vector<16xi1>
    %gather3A_874 = tpu.vector_load_idx %arg7[%gather3A_804] : memref<16400xf32, #tpu.memory_space<vmem>>[vector<16xi32>], vector<16xf32>,
    %max3A_875 = arith.maximumf %gather3A_874, %gather3A_813 : vector<16xf32>
    %eq3A_876 = arith.constant 12 : i32
    %eq3A_877 = vector.broadcast %eq3A_876 : i32 to vector<16xi32>
    %eq3A_878 = arith.cmpi eq, %iota3A, %eq3A_877 : vector<16xi32>
    tpu.vector_store_idx %arg7[%gather3A_804], %max3A_875 masked %eq3A_878 : memref<16400xf32, #tpu.memory_space<vmem>>[vector<16xi32>], vector<16xf32>, vector<16xi1>
    %gather3A_879 = tpu.vector_load_idx %arg7[%gather3A_804] : memref<16400xf32, #tpu.memory_space<vmem>>[vector<16xi32>], vector<16xf32>,
    %max3A_880 = arith.maximumf %gather3A_879, %gather3A_813 : vector<16xf32>
    %eq3A_881 = arith.constant 13 : i32
    %eq3A_882 = vector.broadcast %eq3A_881 : i32 to vector<16xi32>
    %eq3A_883 = arith.cmpi eq, %iota3A, %eq3A_882 : vector<16xi32>
    tpu.vector_store_idx %arg7[%gather3A_804], %max3A_880 masked %eq3A_883 : memref<16400xf32, #tpu.memory_space<vmem>>[vector<16xi32>], vector<16xf32>, vector<16xi1>
    %gather3A_884 = tpu.vector_load_idx %arg7[%gather3A_804] : memref<16400xf32, #tpu.memory_space<vmem>>[vector<16xi32>], vector<16xf32>,
    %max3A_885 = arith.maximumf %gather3A_884, %gather3A_813 : vector<16xf32>
    %eq3A_886 = arith.constant 14 : i32
    %eq3A_887 = vector.broadcast %eq3A_886 : i32 to vector<16xi32>
    %eq3A_888 = arith.cmpi eq, %iota3A, %eq3A_887 : vector<16xi32>
    tpu.vector_store_idx %arg7[%gather3A_804], %max3A_885 masked %eq3A_888 : memref<16400xf32, #tpu.memory_space<vmem>>[vector<16xi32>], vector<16xf32>, vector<16xi1>
    %gather3A_889 = tpu.vector_load_idx %arg7[%gather3A_804] : memref<16400xf32, #tpu.memory_space<vmem>>[vector<16xi32>], vector<16xf32>,
    %max3A_890 = arith.maximumf %gather3A_889, %gather3A_813 : vector<16xf32>
    %eq3A_891 = arith.constant 15 : i32
    %eq3A_892 = vector.broadcast %eq3A_891 : i32 to vector<16xi32>
    %eq3A_893 = arith.cmpi eq, %iota3A, %eq3A_892 : vector<16xi32>
    tpu.vector_store_idx %arg7[%gather3A_804], %max3A_890 masked %eq3A_893 : memref<16400xf32, #tpu.memory_space<vmem>>[vector<16xi32>], vector<16xf32>, vector<16xi1>
    %gather3A_894 = tpu.vector_load_idx %arg7[%parallel_loop3A_812#1] : memref<16400xf32, #tpu.memory_space<vmem>>[vector<16xi32>], vector<16xf32>,
    %max3A_895 = arith.maximumf %gather3A_894, %parallel_loop3A_812#0 : vector<16xf32>
    %eq3A_896 = arith.constant 0 : i32
    %eq3A_897 = vector.broadcast %eq3A_896 : i32 to vector<16xi32>
    %eq3A_898 = arith.cmpi eq, %iota3A, %eq3A_897 : vector<16xi32>
    tpu.vector_store_idx %arg7[%parallel_loop3A_812#1], %max3A_895 masked %eq3A_898 : memref<16400xf32, #tpu.memory_space<vmem>>[vector<16xi32>], vector<16xf32>, vector<16xi1>
    %gather3A_899 = tpu.vector_load_idx %arg7[%parallel_loop3A_812#1] : memref<16400xf32, #tpu.memory_space<vmem>>[vector<16xi32>], vector<16xf32>,
    %max3A_900 = arith.maximumf %gather3A_899, %parallel_loop3A_812#0 : vector<16xf32>
    %eq3A_901 = arith.constant 1 : i32
    %eq3A_902 = vector.broadcast %eq3A_901 : i32 to vector<16xi32>
    %eq3A_903 = arith.cmpi eq, %iota3A, %eq3A_902 : vector<16xi32>
    tpu.vector_store_idx %arg7[%parallel_loop3A_812#1], %max3A_900 masked %eq3A_903 : memref<16400xf32, #tpu.memory_space<vmem>>[vector<16xi32>], vector<16xf32>, vector<16xi1>
    %gather3A_904 = tpu.vector_load_idx %arg7[%parallel_loop3A_812#1] : memref<16400xf32, #tpu.memory_space<vmem>>[vector<16xi32>], vector<16xf32>,
    %max3A_905 = arith.maximumf %gather3A_904, %parallel_loop3A_812#0 : vector<16xf32>
    %eq3A_906 = arith.constant 2 : i32
    %eq3A_907 = vector.broadcast %eq3A_906 : i32 to vector<16xi32>
    %eq3A_908 = arith.cmpi eq, %iota3A, %eq3A_907 : vector<16xi32>
    tpu.vector_store_idx %arg7[%parallel_loop3A_812#1], %max3A_905 masked %eq3A_908 : memref<16400xf32, #tpu.memory_space<vmem>>[vector<16xi32>], vector<16xf32>, vector<16xi1>
    %gather3A_909 = tpu.vector_load_idx %arg7[%parallel_loop3A_812#1] : memref<16400xf32, #tpu.memory_space<vmem>>[vector<16xi32>], vector<16xf32>,
    %max3A_910 = arith.maximumf %gather3A_909, %parallel_loop3A_812#0 : vector<16xf32>
    %eq3A_911 = arith.constant 3 : i32
    %eq3A_912 = vector.broadcast %eq3A_911 : i32 to vector<16xi32>
    %eq3A_913 = arith.cmpi eq, %iota3A, %eq3A_912 : vector<16xi32>
    tpu.vector_store_idx %arg7[%parallel_loop3A_812#1], %max3A_910 masked %eq3A_913 : memref<16400xf32, #tpu.memory_space<vmem>>[vector<16xi32>], vector<16xf32>, vector<16xi1>
    %gather3A_914 = tpu.vector_load_idx %arg7[%parallel_loop3A_812#1] : memref<16400xf32, #tpu.memory_space<vmem>>[vector<16xi32>], vector<16xf32>,
    %max3A_915 = arith.maximumf %gather3A_914, %parallel_loop3A_812#0 : vector<16xf32>
    %eq3A_916 = arith.constant 4 : i32
    %eq3A_917 = vector.broadcast %eq3A_916 : i32 to vector<16xi32>
    %eq3A_918 = arith.cmpi eq, %iota3A, %eq3A_917 : vector<16xi32>
    tpu.vector_store_idx %arg7[%parallel_loop3A_812#1], %max3A_915 masked %eq3A_918 : memref<16400xf32, #tpu.memory_space<vmem>>[vector<16xi32>], vector<16xf32>, vector<16xi1>
    %gather3A_919 = tpu.vector_load_idx %arg7[%parallel_loop3A_812#1] : memref<16400xf32, #tpu.memory_space<vmem>>[vector<16xi32>], vector<16xf32>,
    %max3A_920 = arith.maximumf %gather3A_919, %parallel_loop3A_812#0 : vector<16xf32>
    %eq3A_921 = arith.constant 5 : i32
    %eq3A_922 = vector.broadcast %eq3A_921 : i32 to vector<16xi32>
    %eq3A_923 = arith.cmpi eq, %iota3A, %eq3A_922 : vector<16xi32>
    tpu.vector_store_idx %arg7[%parallel_loop3A_812#1], %max3A_920 masked %eq3A_923 : memref<16400xf32, #tpu.memory_space<vmem>>[vector<16xi32>], vector<16xf32>, vector<16xi1>
    %gather3A_924 = tpu.vector_load_idx %arg7[%parallel_loop3A_812#1] : memref<16400xf32, #tpu.memory_space<vmem>>[vector<16xi32>], vector<16xf32>,
    %max3A_925 = arith.maximumf %gather3A_924, %parallel_loop3A_812#0 : vector<16xf32>
    %eq3A_926 = arith.constant 6 : i32
    %eq3A_927 = vector.broadcast %eq3A_926 : i32 to vector<16xi32>
    %eq3A_928 = arith.cmpi eq, %iota3A, %eq3A_927 : vector<16xi32>
    tpu.vector_store_idx %arg7[%parallel_loop3A_812#1], %max3A_925 masked %eq3A_928 : memref<16400xf32, #tpu.memory_space<vmem>>[vector<16xi32>], vector<16xf32>, vector<16xi1>
    %gather3A_929 = tpu.vector_load_idx %arg7[%parallel_loop3A_812#1] : memref<16400xf32, #tpu.memory_space<vmem>>[vector<16xi32>], vector<16xf32>,
    %max3A_930 = arith.maximumf %gather3A_929, %parallel_loop3A_812#0 : vector<16xf32>
    %eq3A_931 = arith.constant 7 : i32
    %eq3A_932 = vector.broadcast %eq3A_931 : i32 to vector<16xi32>
    %eq3A_933 = arith.cmpi eq, %iota3A, %eq3A_932 : vector<16xi32>
    tpu.vector_store_idx %arg7[%parallel_loop3A_812#1], %max3A_930 masked %eq3A_933 : memref<16400xf32, #tpu.memory_space<vmem>>[vector<16xi32>], vector<16xf32>, vector<16xi1>
    %gather3A_934 = tpu.vector_load_idx %arg7[%parallel_loop3A_812#1] : memref<16400xf32, #tpu.memory_space<vmem>>[vector<16xi32>], vector<16xf32>,
    %max3A_935 = arith.maximumf %gather3A_934, %parallel_loop3A_812#0 : vector<16xf32>
    %eq3A_936 = arith.constant 8 : i32
    %eq3A_937 = vector.broadcast %eq3A_936 : i32 to vector<16xi32>
    %eq3A_938 = arith.cmpi eq, %iota3A, %eq3A_937 : vector<16xi32>
    tpu.vector_store_idx %arg7[%parallel_loop3A_812#1], %max3A_935 masked %eq3A_938 : memref<16400xf32, #tpu.memory_space<vmem>>[vector<16xi32>], vector<16xf32>, vector<16xi1>
    %gather3A_939 = tpu.vector_load_idx %arg7[%parallel_loop3A_812#1] : memref<16400xf32, #tpu.memory_space<vmem>>[vector<16xi32>], vector<16xf32>,
    %max3A_940 = arith.maximumf %gather3A_939, %parallel_loop3A_812#0 : vector<16xf32>
    %eq3A_941 = arith.constant 9 : i32
    %eq3A_942 = vector.broadcast %eq3A_941 : i32 to vector<16xi32>
    %eq3A_943 = arith.cmpi eq, %iota3A, %eq3A_942 : vector<16xi32>
    tpu.vector_store_idx %arg7[%parallel_loop3A_812#1], %max3A_940 masked %eq3A_943 : memref<16400xf32, #tpu.memory_space<vmem>>[vector<16xi32>], vector<16xf32>, vector<16xi1>
    %gather3A_944 = tpu.vector_load_idx %arg7[%parallel_loop3A_812#1] : memref<16400xf32, #tpu.memory_space<vmem>>[vector<16xi32>], vector<16xf32>,
    %max3A_945 = arith.maximumf %gather3A_944, %parallel_loop3A_812#0 : vector<16xf32>
    %eq3A_946 = arith.constant 10 : i32
    %eq3A_947 = vector.broadcast %eq3A_946 : i32 to vector<16xi32>
    %eq3A_948 = arith.cmpi eq, %iota3A, %eq3A_947 : vector<16xi32>
    tpu.vector_store_idx %arg7[%parallel_loop3A_812#1], %max3A_945 masked %eq3A_948 : memref<16400xf32, #tpu.memory_space<vmem>>[vector<16xi32>], vector<16xf32>, vector<16xi1>
    %gather3A_949 = tpu.vector_load_idx %arg7[%parallel_loop3A_812#1] : memref<16400xf32, #tpu.memory_space<vmem>>[vector<16xi32>], vector<16xf32>,
    %max3A_950 = arith.maximumf %gather3A_949, %parallel_loop3A_812#0 : vector<16xf32>
    %eq3A_951 = arith.constant 11 : i32
    %eq3A_952 = vector.broadcast %eq3A_951 : i32 to vector<16xi32>
    %eq3A_953 = arith.cmpi eq, %iota3A, %eq3A_952 : vector<16xi32>
    tpu.vector_store_idx %arg7[%parallel_loop3A_812#1], %max3A_950 masked %eq3A_953 : memref<16400xf32, #tpu.memory_space<vmem>>[vector<16xi32>], vector<16xf32>, vector<16xi1>
    %gather3A_954 = tpu.vector_load_idx %arg7[%parallel_loop3A_812#1] : memref<16400xf32, #tpu.memory_space<vmem>>[vector<16xi32>], vector<16xf32>,
    %max3A_955 = arith.maximumf %gather3A_954, %parallel_loop3A_812#0 : vector<16xf32>
    %eq3A_956 = arith.constant 12 : i32
    %eq3A_957 = vector.broadcast %eq3A_956 : i32 to vector<16xi32>
    %eq3A_958 = arith.cmpi eq, %iota3A, %eq3A_957 : vector<16xi32>
    tpu.vector_store_idx %arg7[%parallel_loop3A_812#1], %max3A_955 masked %eq3A_958 : memref<16400xf32, #tpu.memory_space<vmem>>[vector<16xi32>], vector<16xf32>, vector<16xi1>
    %gather3A_959 = tpu.vector_load_idx %arg7[%parallel_loop3A_812#1] : memref<16400xf32, #tpu.memory_space<vmem>>[vector<16xi32>], vector<16xf32>,
    %max3A_960 = arith.maximumf %gather3A_959, %parallel_loop3A_812#0 : vector<16xf32>
    %eq3A_961 = arith.constant 13 : i32
    %eq3A_962 = vector.broadcast %eq3A_961 : i32 to vector<16xi32>
    %eq3A_963 = arith.cmpi eq, %iota3A, %eq3A_962 : vector<16xi32>
    tpu.vector_store_idx %arg7[%parallel_loop3A_812#1], %max3A_960 masked %eq3A_963 : memref<16400xf32, #tpu.memory_space<vmem>>[vector<16xi32>], vector<16xf32>, vector<16xi1>
    %gather3A_964 = tpu.vector_load_idx %arg7[%parallel_loop3A_812#1] : memref<16400xf32, #tpu.memory_space<vmem>>[vector<16xi32>], vector<16xf32>,
    %max3A_965 = arith.maximumf %gather3A_964, %parallel_loop3A_812#0 : vector<16xf32>
    %eq3A_966 = arith.constant 14 : i32
    %eq3A_967 = vector.broadcast %eq3A_966 : i32 to vector<16xi32>
    %eq3A_968 = arith.cmpi eq, %iota3A, %eq3A_967 : vector<16xi32>
    tpu.vector_store_idx %arg7[%parallel_loop3A_812#1], %max3A_965 masked %eq3A_968 : memref<16400xf32, #tpu.memory_space<vmem>>[vector<16xi32>], vector<16xf32>, vector<16xi1>
    %gather3A_969 = tpu.vector_load_idx %arg7[%parallel_loop3A_812#1] : memref<16400xf32, #tpu.memory_space<vmem>>[vector<16xi32>], vector<16xf32>,
    %max3A_970 = arith.maximumf %gather3A_969, %parallel_loop3A_812#0 : vector<16xf32>
    %eq3A_971 = arith.constant 15 : i32
    %eq3A_972 = vector.broadcast %eq3A_971 : i32 to vector<16xi32>
    %eq3A_973 = arith.cmpi eq, %iota3A, %eq3A_972 : vector<16xi32>
    tpu.vector_store_idx %arg7[%parallel_loop3A_812#1], %max3A_970 masked %eq3A_973 : memref<16400xf32, #tpu.memory_space<vmem>>[vector<16xi32>], vector<16xf32>, vector<16xi1>
    %swap3A_974 = arith.constant 16384 : index
    %swap3A_975 = tpu.vector_load %arg7[%swap3A_974] {strides = array<i32>} : memref<16400xf32, #tpu.memory_space<vmem>>, vector<16xf32>,
    tpu.vector_store %arg7[%swap3A_974], %broadcast_in_dim3A_1 {strides = array<i32>} : memref<16400xf32, #tpu.memory_space<vmem>>, vector<16xf32>,
    %mul3A_976 = arith.constant 16384 : i32
    %mul3A_977 = arith.muli %arg1, %mul3A_976 : i32
    "tpu.region"() ({
      %run_scoped3A = tpu.sem_alloc : memref<!tpu.dma_semaphore, #tpu.memory_space<semaphore_mem>>
      %dma_start3A_992 = arith.constant 0 : i32
      %dma_start3A_993 = tpu.memref_slice %arg7[%dma_start3A_992] : memref<16400xf32, #tpu.memory_space<vmem>> -> memref<16384xf32, #tpu.memory_space<vmem>>
      %dma_start3A_994 = tpu.memref_slice %arg12[%mul3A_977] : memref<524288xf32, #tpu.memory_space<vmem_shared>> -> memref<16384xf32, #tpu.memory_space<vmem_shared>>
      %dma_start3A_995 = tpu.memref_slice %arg12[%mul3A_977] : memref<524288xf32, #tpu.memory_space<vmem_shared>> -> memref<16384xf32, #tpu.memory_space<vmem_shared>>
      %dma_start3A_996 = arith.constant 0 : i32
      %dma_start3A_997 = tpu.memref_slice %arg7[%dma_start3A_996] : memref<16400xf32, #tpu.memory_space<vmem>> -> memref<16384xf32, #tpu.memory_space<vmem>>
      tpu.enqueue_dma source(%dma_start3A_997 : memref<16384xf32, #tpu.memory_space<vmem>>) target(%dma_start3A_995 : memref<16384xf32, #tpu.memory_space<vmem_shared>>) target_semaphore(%run_scoped3A : memref<!tpu.dma_semaphore, #tpu.memory_space<semaphore_mem>>)
      %dma_wait3A_998 = arith.constant 0 : i32
      %dma_wait3A_999 = tpu.memref_slice %arg7[%dma_wait3A_998] : memref<16400xf32, #tpu.memory_space<vmem>> -> memref<16384xf32, #tpu.memory_space<vmem>>
      %dma_wait3A_1000 = tpu.memref_slice %arg12[%mul3A_977] : memref<524288xf32, #tpu.memory_space<vmem_shared>> -> memref<16384xf32, #tpu.memory_space<vmem_shared>>
      %dma_wait3A_1001 = tpu.memref_slice %arg12[%mul3A_977] : memref<524288xf32, #tpu.memory_space<vmem_shared>> -> memref<16384xf32, #tpu.memory_space<vmem_shared>>
      %dma_wait3A_1002 = arith.constant 0 : i32
      %dma_wait3A_1003 = tpu.memref_slice %arg7[%dma_wait3A_1002] : memref<16400xf32, #tpu.memory_space<vmem>> -> memref<16384xf32, #tpu.memory_space<vmem>>
      tpu.wait_dma2 semaphore(%run_scoped3A : memref<!tpu.dma_semaphore, #tpu.memory_space<semaphore_mem>>) src(%dma_wait3A_1003 : memref<16384xf32, #tpu.memory_space<vmem>>) dst(%dma_wait3A_1001 : memref<16384xf32, #tpu.memory_space<vmem_shared>>)
      tpu.yield
    }) : () -> ()
    %mul3A_978 = arith.constant 16384 : i32
    %mul3A_979 = arith.muli %arg1, %mul3A_978 : i32
    %mul3A_980 = arith.constant 16384 : i32
    %mul3A_981 = arith.muli %add3A, %mul3A_980 : i32
    %dma_start3A_982 = tpu.memref_slice %arg5[%mul3A_981] : memref<524288xf32, #tpu.memory_space<hbm>> -> memref<16384xf32, #tpu.memory_space<hbm>>
    %dma_start3A_983 = tpu.memref_slice %arg12[%mul3A_979] : memref<524288xf32, #tpu.memory_space<vmem_shared>> -> memref<16384xf32, #tpu.memory_space<vmem_shared>>
    tpu.enqueue_dma source(%dma_start3A_983 : memref<16384xf32, #tpu.memory_space<vmem_shared>>) target(%dma_start3A_982 : memref<16384xf32, #tpu.memory_space<hbm>>) target_semaphore(%arg14 : memref<!tpu.dma_semaphore, #tpu.memory_space<semaphore_mem>>)
    %mul3A_984 = arith.constant 512 : i32
    %mul3A_985 = arith.muli %add3A, %mul3A_984 : i32
    "tpu.region"() ({
      %run_scoped3A = tpu.sem_alloc : memref<!tpu.dma_semaphore, #tpu.memory_space<semaphore_mem>>
      %dma_start3A_992 = tpu.memref_slice %arg4[%mul3A_985] : memref<16384xi32, #tpu.memory_space<hbm>> -> memref<512xi32, #tpu.memory_space<hbm>>
      %dma_start3A_993 = tpu.memref_slice %arg4[%mul3A_985] : memref<16384xi32, #tpu.memory_space<hbm>> -> memref<512xi32, #tpu.memory_space<hbm>>
      tpu.enqueue_dma source(%dma_start3A_993 : memref<512xi32, #tpu.memory_space<hbm>>) target(%arg10 : memref<512xi32, #tpu.memory_space<vmem>>) target_semaphore(%run_scoped3A : memref<!tpu.dma_semaphore, #tpu.memory_space<semaphore_mem>>)
      %dma_wait3A_994 = tpu.memref_slice %arg4[%mul3A_985] : memref<16384xi32, #tpu.memory_space<hbm>> -> memref<512xi32, #tpu.memory_space<hbm>>
      %dma_wait3A_995 = tpu.memref_slice %arg4[%mul3A_985] : memref<16384xi32, #tpu.memory_space<hbm>> -> memref<512xi32, #tpu.memory_space<hbm>>
      tpu.wait_dma2 semaphore(%run_scoped3A : memref<!tpu.dma_semaphore, #tpu.memory_space<semaphore_mem>>) src(%dma_wait3A_995 : memref<512xi32, #tpu.memory_space<hbm>>) dst(%arg10 : memref<512xi32, #tpu.memory_space<vmem>>)
      tpu.yield
    }) : () -> ()
    %dma_start3A_986 = arith.constant 0 : i32
    %dma_start3A_987 = tpu.memref_slice %arg2[%dma_start3A_986] : memref<2113536xf32, #tpu.memory_space<hbm>> -> memref<2113536xf32, #tpu.memory_space<hbm>>
    tpu.enqueue_indirect_dma source(%dma_start3A_987 : memref<2113536xf32, #tpu.memory_space<hbm>>) target(%arg11 : memref<512xf32, #tpu.memory_space<vmem>>) offsets(%arg10 : memref<512xi32, #tpu.memory_space<vmem>>) semaphore(%arg16 : memref<!tpu.dma_semaphore, #tpu.memory_space<semaphore_mem>>)
    %dma_wait3A_988 = arith.constant 0 : i32
    %dma_wait3A_989 = tpu.memref_slice %arg2[%dma_wait3A_988] : memref<2113536xf32, #tpu.memory_space<hbm>> -> memref<2113536xf32, #tpu.memory_space<hbm>>
    tpu.wait_indirect_dma semaphore(%arg16 : memref<!tpu.dma_semaphore, #tpu.memory_space<semaphore_mem>>) src(%dma_wait3A_989 : memref<2113536xf32, #tpu.memory_space<hbm>>) dst(%arg11 : memref<512xf32, #tpu.memory_space<vmem>>)
    "tpu.region"() ({
      %run_scoped3A = tpu.sem_alloc : memref<!tpu.dma_semaphore, #tpu.memory_space<semaphore_mem>>
      %dma_start3A_992 = tpu.memref_slice %arg6[%mul3A_985] : memref<16384xf32, #tpu.memory_space<hbm>> -> memref<512xf32, #tpu.memory_space<hbm>>
      %dma_start3A_993 = tpu.memref_slice %arg6[%mul3A_985] : memref<16384xf32, #tpu.memory_space<hbm>> -> memref<512xf32, #tpu.memory_space<hbm>>
      tpu.enqueue_dma source(%arg11 : memref<512xf32, #tpu.memory_space<vmem>>) target(%dma_start3A_993 : memref<512xf32, #tpu.memory_space<hbm>>) target_semaphore(%run_scoped3A : memref<!tpu.dma_semaphore, #tpu.memory_space<semaphore_mem>>)
      %dma_wait3A_994 = tpu.memref_slice %arg6[%mul3A_985] : memref<16384xf32, #tpu.memory_space<hbm>> -> memref<512xf32, #tpu.memory_space<hbm>>
      %dma_wait3A_995 = tpu.memref_slice %arg6[%mul3A_985] : memref<16384xf32, #tpu.memory_space<hbm>> -> memref<512xf32, #tpu.memory_space<hbm>>
      tpu.wait_dma2 semaphore(%run_scoped3A : memref<!tpu.dma_semaphore, #tpu.memory_space<semaphore_mem>>) src(%arg11 : memref<512xf32, #tpu.memory_space<vmem>>) dst(%dma_wait3A_995 : memref<512xf32, #tpu.memory_space<hbm>>)
      tpu.yield
    }) : () -> ()
    %dma_wait3A_990 = tpu.memref_slice %arg5[%mul3A_981] : memref<524288xf32, #tpu.memory_space<hbm>> -> memref<16384xf32, #tpu.memory_space<hbm>>
    %dma_wait3A_991 = tpu.memref_slice %arg12[%mul3A_979] : memref<524288xf32, #tpu.memory_space<vmem_shared>> -> memref<16384xf32, #tpu.memory_space<vmem_shared>>
    tpu.wait_dma2 semaphore(%arg14 : memref<!tpu.dma_semaphore, #tpu.memory_space<semaphore_mem>>) src(%dma_wait3A_991 : memref<16384xf32, #tpu.memory_space<vmem_shared>>) dst(%dma_wait3A_990 : memref<16384xf32, #tpu.memory_space<hbm>>)
    return
  }
}

module attributes {stable_mosaic.version = 14 : i64} {
  func.func @_tc_body(%arg0: memref<32x128x128xf32, #tpu.memory_space<vmem>>, %arg1: memref<128x128xf32, #tpu.memory_space<vmem>>, %arg2: memref<128x128xf32, #tpu.memory_space<vmem>>, %arg3: memref<128x128xi32, #tpu.memory_space<vmem>>, %arg4: memref<128x128xi32, #tpu.memory_space<vmem>>, %arg5: memref<1x1xf32, #tpu.memory_space<smem>>, %arg6: memref<1x1xi32, #tpu.memory_space<smem>>, %arg7: memref<1x1xi32, #tpu.memory_space<smem>>, %arg8: memref<1x1xi32, #tpu.memory_space<smem>>, %arg9: memref<1x1xi32, #tpu.memory_space<smem>>) attributes {dimension_semantics = [], scalar_prefetch = 0 : i64, scratch_operands = 0 : i64, tpu.core_type = #tpu.core_type<tc>} {
    %get3A = arith.constant 0 : index
    %get3A_0 = arith.constant 0 : index
    %get3A_1 = arith.constant 0 : index
    %get3A_2 = vector.load %arg0[%get3A, %get3A_0, %get3A_1] : memref<32x128x128xf32, #tpu.memory_space<vmem>>, vector<32x128x128xf32>
    %get3A_3 = arith.constant 0 : index
    %get3A_4 = arith.constant 0 : index
    %get3A_5 = vector.load %arg1[%get3A_3, %get3A_4] : memref<128x128xf32, #tpu.memory_space<vmem>>, vector<128x128xf32>
    %get3A_6 = arith.constant 0 : index
    %get3A_7 = arith.constant 0 : index
    %get3A_8 = vector.load %arg2[%get3A_6, %get3A_7] : memref<128x128xf32, #tpu.memory_space<vmem>>, vector<128x128xf32>
    %get3A_9 = arith.constant 0 : index
    %get3A_10 = arith.constant 0 : index
    %get3A_11 = vector.load %arg3[%get3A_9, %get3A_10] : memref<128x128xi32, #tpu.memory_space<vmem>>, vector<128x128xi32>
    %get3A_12 = arith.constant 0 : index
    %get3A_13 = arith.constant 0 : index
    %get3A_14 = vector.load %arg4[%get3A_12, %get3A_13] : memref<128x128xi32, #tpu.memory_space<vmem>>, vector<128x128xi32>
    %eq3A = arith.constant 1 : i32
    %eq3A_15 = vector.broadcast %eq3A : i32 to vector<128x128xi32>
    %eq3A_16 = arith.cmpi eq, %get3A_11, %eq3A_15 : vector<128x128xi32>
    %eq3A_17 = arith.constant 1 : i32
    %eq3A_18 = vector.broadcast %eq3A_17 : i32 to vector<128x128xi32>
    %eq3A_19 = arith.cmpi eq, %get3A_14, %eq3A_18 : vector<128x128xi32>
    %reduce_max3A = arith.constant dense<0xFF800000> : vector<128x128xf32>
    %reduce_max3A_20 = vector.multi_reduction <maximumf>, %get3A_2, %reduce_max3A [0] : vector<32x128x128xf32> to vector<128x128xf32>
    %max3A = arith.maximumf %reduce_max3A_20, %get3A_5 : vector<128x128xf32>
    %select_n3A = arith.select %eq3A_16, %get3A_8, %get3A_5 : vector<128x128xi1>, vector<128x128xf32>
    %jit3A = arith.constant 0.000000e+00 : f32
    %broadcast_in_dim3A = vector.broadcast %jit3A : f32 to vector<128x128xf32>
    %select_n3A_21 = arith.select %eq3A_19, %select_n3A, %broadcast_in_dim3A : vector<128x128xi1>, vector<128x128xf32>
    %min3A = arith.constant -0.00501254201 : f32
    %min3A_22 = vector.broadcast %min3A : f32 to vector<128x128xf32>
    %min3A_23 = arith.minimumf %select_n3A_21, %min3A_22 : vector<128x128xf32>
    %and3A = arith.andi %eq3A_16, %eq3A_19 : vector<128x128xi1>
    %mul3A = arith.constant 1.000000e-01 : f32
    %mul3A_24 = vector.broadcast %mul3A : f32 to vector<128x128xf32>
    %mul3A_25 = arith.mulf %mul3A_24, %get3A_5 : vector<128x128xf32>
    %broadcast_in_dim3A_26 = arith.constant 0.000000e+00 : f32
    %broadcast_in_dim3A_27 = vector.broadcast %broadcast_in_dim3A_26 : f32 to vector<128x128xf32>
    %select_n3A_28 = arith.select %and3A, %mul3A_25, %broadcast_in_dim3A_27 : vector<128x128xi1>, vector<128x128xf32>
    %add3A = arith.addf %min3A_23, %select_n3A_28 : vector<128x128xf32>
    %reduce_sum3A = vector.shape_cast %get3A_14 : vector<128x128xi32> to vector<1x128x128xi32>
    %reduce_sum3A_29 = arith.constant dense<0> : vector<1xi32>
    %reduce_sum3A_30 = vector.multi_reduction <add>, %reduce_sum3A, %reduce_sum3A_29 [1, 2] : vector<1x128x128xi32> to vector<1xi32>
    %reduce_sum3A_31 = vector.shape_cast %reduce_sum3A_30 : vector<1xi32> to vector<1x1x1xi32>
    %reduce_sum3A_32 = vector.extract %reduce_sum3A_31[0, 0, 0] : i32 from vector<1x1x1xi32>
    %eq3A_33 = arith.cmpf oeq, %max3A, %add3A : vector<128x128xf32>
    %and3A_34 = arith.andi %eq3A_33, %eq3A_19 : vector<128x128xi1>
    %not3A = arith.constant dense<true> : vector<128x128xi1>
    %not3A_35 = arith.xori %eq3A_16, %not3A : vector<128x128xi1>
    %and3A_36 = arith.andi %not3A_35, %eq3A_19 : vector<128x128xi1>
    %reduce_sum3A_37 = vector.shape_cast %add3A : vector<128x128xf32> to vector<1x128x128xf32>
    %reduce_sum3A_38 = arith.constant dense<0.000000e+00> : vector<1xf32>
    %reduce_sum3A_39 = vector.multi_reduction <add>, %reduce_sum3A_37, %reduce_sum3A_38 [1, 2] : vector<1x128x128xf32> to vector<1xf32>
    %reduce_sum3A_40 = vector.shape_cast %reduce_sum3A_39 : vector<1xf32> to vector<1x1x1xf32>
    %reduce_sum3A_41 = vector.extract %reduce_sum3A_40[0, 0, 0] : f32 from vector<1x1x1xf32>
    %neg3A = arith.constant 0.000000e+00 : f32
    %neg3A_42 = arith.subf %neg3A, %reduce_sum3A_41 : f32
    %convert_element_type3A = arith.sitofp %reduce_sum3A_32 : i32 to f32
    %div3A = arith.divf %neg3A_42, %convert_element_type3A : f32
    %swap3A = arith.constant 0 : index
    %swap3A_43 = arith.constant 0 : index
    %swap3A_44 = memref.load %arg5[%swap3A, %swap3A_43] : memref<1x1xf32, #tpu.memory_space<smem>>
    memref.store %div3A, %arg5[%swap3A, %swap3A_43] : memref<1x1xf32, #tpu.memory_space<smem>>
    %swap3A_45 = arith.constant 0 : index
    %swap3A_46 = arith.constant 0 : index
    %swap3A_47 = memref.load %arg6[%swap3A_45, %swap3A_46] : memref<1x1xi32, #tpu.memory_space<smem>>
    memref.store %reduce_sum3A_32, %arg6[%swap3A_45, %swap3A_46] : memref<1x1xi32, #tpu.memory_space<smem>>
    %convert_element_type3A_48 = arith.extui %and3A_34 : vector<128x128xi1> to vector<128x128xi32>
    %reduce_sum3A_49 = vector.shape_cast %convert_element_type3A_48 : vector<128x128xi32> to vector<1x128x128xi32>
    %reduce_sum3A_50 = arith.constant dense<0> : vector<1xi32>
    %reduce_sum3A_51 = vector.multi_reduction <add>, %reduce_sum3A_49, %reduce_sum3A_50 [1, 2] : vector<1x128x128xi32> to vector<1xi32>
    %reduce_sum3A_52 = vector.shape_cast %reduce_sum3A_51 : vector<1xi32> to vector<1x1x1xi32>
    %reduce_sum3A_53 = vector.extract %reduce_sum3A_52[0, 0, 0] : i32 from vector<1x1x1xi32>
    %swap3A_54 = arith.constant 0 : index
    %swap3A_55 = arith.constant 0 : index
    %swap3A_56 = memref.load %arg7[%swap3A_54, %swap3A_55] : memref<1x1xi32, #tpu.memory_space<smem>>
    memref.store %reduce_sum3A_53, %arg7[%swap3A_54, %swap3A_55] : memref<1x1xi32, #tpu.memory_space<smem>>
    %convert_element_type3A_57 = arith.extui %and3A_36 : vector<128x128xi1> to vector<128x128xi32>
    %reduce_sum3A_58 = vector.shape_cast %convert_element_type3A_57 : vector<128x128xi32> to vector<1x128x128xi32>
    %reduce_sum3A_59 = arith.constant dense<0> : vector<1xi32>
    %reduce_sum3A_60 = vector.multi_reduction <add>, %reduce_sum3A_58, %reduce_sum3A_59 [1, 2] : vector<1x128x128xi32> to vector<1xi32>
    %reduce_sum3A_61 = vector.shape_cast %reduce_sum3A_60 : vector<1xi32> to vector<1x1x1xi32>
    %reduce_sum3A_62 = vector.extract %reduce_sum3A_61[0, 0, 0] : i32 from vector<1x1x1xi32>
    %swap3A_63 = arith.constant 0 : index
    %swap3A_64 = arith.constant 0 : index
    %swap3A_65 = memref.load %arg8[%swap3A_63, %swap3A_64] : memref<1x1xi32, #tpu.memory_space<smem>>
    memref.store %reduce_sum3A_62, %arg8[%swap3A_63, %swap3A_64] : memref<1x1xi32, #tpu.memory_space<smem>>
    %and3A_66 = arith.andi %and3A_36, %and3A_34 : vector<128x128xi1>
    %convert_element_type3A_67 = arith.extui %and3A_66 : vector<128x128xi1> to vector<128x128xi32>
    %reduce_sum3A_68 = vector.shape_cast %convert_element_type3A_67 : vector<128x128xi32> to vector<1x128x128xi32>
    %reduce_sum3A_69 = arith.constant dense<0> : vector<1xi32>
    %reduce_sum3A_70 = vector.multi_reduction <add>, %reduce_sum3A_68, %reduce_sum3A_69 [1, 2] : vector<1x128x128xi32> to vector<1xi32>
    %reduce_sum3A_71 = vector.shape_cast %reduce_sum3A_70 : vector<1xi32> to vector<1x1x1xi32>
    %reduce_sum3A_72 = vector.extract %reduce_sum3A_71[0, 0, 0] : i32 from vector<1x1x1xi32>
    %swap3A_73 = arith.constant 0 : index
    %swap3A_74 = arith.constant 0 : index
    %swap3A_75 = memref.load %arg9[%swap3A_73, %swap3A_74] : memref<1x1xi32, #tpu.memory_space<smem>>
    memref.store %reduce_sum3A_72, %arg9[%swap3A_73, %swap3A_74] : memref<1x1xi32, #tpu.memory_space<smem>>
    return
  }
}

</mosaic_0001>

<sc_bundles>
// kernel: kernel.4.cloned.1.call-start
scs
__scs_entry_jumppad:
0x0: {  	(pc) =	sbr.rel $0x88, $3  }
0x1: {  	(tag) =	ssettag $0x0;
	lr =	simm.s32 $0x1  }
0x2: {  	[smem:$0x3F9C] =	sst lr;
	_ =	strace $0xD0000000  }
0x3: {  	_ = 	snop  }
0x4: {  	_ = 	snop  }
0x5: {  	_ = 	snop  }
0x6: {  	_ = 	snop  }
0x7: {  	_ = 	snop  }
__scs_overlays_trampoline_lowered:
0x8: {  	[smem:$0x3FAB] =	sst s0  }
0x9: {  	[smem:$0x3FAC] =	sst s1  }
0xa: {  	[smem:$0x3FAD] =	sst s2  }
0xb: {  	[smem:$0x3FAE] =	sst s3  }
0xc: {  	[smem:$0x3FAF] =	sst s4  }
0xd: {  	[smem:$0x3FB0] =	sst s5  }
0xe: {  	[smem:$0x3FB1] =	sst s6  }
0xf: {  	[smem:$0x3FB2] =	sst s7  }
0x10: {  	[smem:$0x3FB3] =	sst s8  }
0x11: {  	[smem:$0x3FB4] =	sst s9;
	s0 =	simm.s32 @!p0 $0x0  }
0x12: {  	s1 =	sld [smem:$0x3F9A];
	s0 =	simm.s32 @p0 $0x1  }
0x13: {  	[smem:$0x3FB5] =	sst s0;
	s0 =	simm.s32 @!p1 $0x0  }
0x14: {  	s2 =	sld [smem:$0x3F99];
	s0 =	simm.s32 @p1 $0x1  }
0x15: {  	[smem:$0x3FB6] =	sst s0;
	s0 =	simm.s32 @!p2 $0x0  }
0x16: {  	s3 =	sld [smem:$0x3FDB];
	s0 =	simm.s32 @p2 $0x1  }
0x17: {  	s4 =	simm.s32 $0x1BF5;
	[smem:$0x3FB8] =	sst s0  }
0x18: {  	s0 =	sld [smem:$0x3F9B];
	_ =	swait.ge [sflag:s4], $0x0  }
0x19: {  	s7 =	sld [smem:$0x3F9C]  }
0x1a: {  	s8 =	sadd.s32 $0xFFFFE003, lr  }
0x1b: {  	s9 =	sadd.s32 $0xFFFFFEF7, lr;
	s5 =	simm.s32 $0xFFFFFFFF;
	p2 =	slt.u32 s8, $0xFFFFF086  }
0x1c: {  	p1 =	slt.u32 s9, $0xF7A;
	s5 =	simm.s32 @!p2 $0x0  }
0x1d: {  	s5 =	simm.s32 @p1 $0x1;
	p0 =	seq.s32 s7, s2  }
0x1e: {  	s7 =	smul.u32 @!p0 $0xF7A, s2;
	p2 =	seq.s32 @!p0 s5, $0x0  }
0x1f: {  	s9 =	smul.u32 $0xF7A, s1;
	s8 =	simm.s32 @!p0 $0x1BF5;
	p2 =	por !p2, p0  }
0x20: {  	[sflag:s8] =	ssyncset.s32 @!p0 $0xFFFFF086;
	s6 =	sadd.s32 @!p0 s3, s7;
	s7 =	simm.s32 @!p0 $0x108  }
0x21: {  	s3 =	sadd.s32 s3, s9;
	s6 =	sadd.s32 @!p0 $0x88, s6;
	s7 =	simm.s32 @p2 $0x1082  }
0x22: {  	[simem:s7], [sflag:s8] =	dma.local @!p0 [hbm:s6], $0xF7A  }
0x23: {  	s9 =	sor.u32 $0xD0000000, s2;
	s6 =	simm.s32 $0x108;
	_ =	swait.ge @!p0 [sflag:s8], $0x0  }
0x24: {  	s3 =	sadd.s32 $0x88, s3;
	s6 =	simm.s32 @!p1 $0x1082;
	[sflag:s4] =	ssyncset.s32 $0xFFFFF086  }
0x25: {  	[simem:s6], [sflag:s4] =	dma.local [hbm:s3], $0xF7A  }
0x26: {  	[smem:$0x3F9C] =	sst s1;
	(tag) =	ssettag s2;
	_ =	strace s9  }
0x27: {  	s1 =	sld [smem:$0x3FAC]  }
0x28: {  	s2 =	sld [smem:$0x3FAD]  }
0x29: {  	s4 =	sld [smem:$0x3FAF]  }
0x2a: {  	p0 =	seq.s32 s5, $0x0;
	s5 =	sld [smem:$0x3FB0]  }
0x2b: {  	s6 =	sld [smem:$0x3FB1]  }
0x2c: {  	s7 =	sld [smem:$0x3FB2]  }
0x2d: {  	s3 =	simm.s32 $0x108;
	s8 =	sld [smem:$0x3FB3]  }
0x2e: {  	s3 =	simm.s32 @!p0 $0x1082;
	s9 =	sld [smem:$0x3FB4]  }
0x2f: {  	lr =	sadd.s32 s0, s3;
	s0 =	sld [smem:$0x3FAB]  }
0x30: {  	s3 =	sld [smem:$0x3FAE]  }
0x31: {  	[smem:$0x3FB7] =	sst s10  }
0x32: {  	s10 =	sld [smem:$0x3FB5];
	_ =	sdelay $0x3  }
0x33: {  	p0 =	seq.s32 s10, $0x1;
	s10 =	sld [smem:$0x3FB7];
	_ =	sdelay $0x3  }
0x34: {  	[smem:$0x3FB7] =	sst s10  }
0x35: {  	s10 =	sld [smem:$0x3FB6];
	_ =	sdelay $0x3  }
0x36: {  	p1 =	seq.s32 s10, $0x1;
	s10 =	sld [smem:$0x3FB7];
	_ =	sdelay $0x3  }
0x37: {  	[smem:$0x3FB7] =	sst s10  }
0x38: {  	s10 =	sld [smem:$0x3FB8]  }
0x39: {  	_ = 	snop;
	(pc) =	sbr.ind lr, $3  }
0x3a: {  	_ = 	snop  }
0x3b: {  	_ = 	snop  }
0x3c: {  	p2 =	seq.s32 s10, $0x1;
	s10 =	sld [smem:$0x3FB7]  }
0x3d: {  	_ =	shalt  }
0x3e: {  	_ =	shalt  }
0x3f: {  	_ =	shalt  }
0x40: {  	_ =	shalt  }
0x41: {  	_ =	shalt  }
0x42: {  	_ =	shalt  }
0x43: {  	_ =	shalt  }
0x44: {  	_ =	shalt  }
0x45: {  	_ =	shalt  }
0x46: {  	_ =	shalt  }
0x47: {  	_ =	shalt  }
0x48: {  	_ =	shalt  }
0x49: {  	_ =	shalt  }
0x4a: {  	_ =	shalt  }
0x4b: {  	_ =	shalt  }
0x4c: {  	_ =	shalt  }
0x4d: {  	_ =	shalt  }
0x4e: {  	_ =	shalt  }
0x4f: {  	_ =	shalt  }
0x50: {  	_ =	shalt  }
0x51: {  	_ =	shalt  }
0x52: {  	_ =	shalt  }
0x53: {  	_ =	shalt  }
0x54: {  	_ =	shalt  }
0x55: {  	_ =	shalt  }
0x56: {  	_ =	shalt  }
0x57: {  	_ =	shalt  }
0x58: {  	_ =	shalt  }
0x59: {  	_ =	shalt  }
0x5a: {  	_ =	shalt  }
0x5b: {  	_ =	shalt  }
0x5c: {  	_ =	shalt  }
0x5d: {  	_ =	shalt  }
0x5e: {  	_ =	shalt  }
0x5f: {  	_ =	shalt  }
0x60: {  	_ =	shalt  }
0x61: {  	_ =	shalt  }
0x62: {  	_ =	shalt  }
0x63: {  	_ =	shalt  }
0x64: {  	_ =	shalt  }
0x65: {  	_ =	shalt  }
0x66: {  	_ =	shalt  }
0x67: {  	_ =	shalt  }
0x68: {  	_ =	shalt  }
0x69: {  	_ =	shalt  }
0x6a: {  	_ =	shalt  }
0x6b: {  	_ =	shalt  }
0x6c: {  	_ =	shalt  }
0x6d: {  	_ =	shalt  }
0x6e: {  	_ =	shalt  }
0x6f: {  	_ =	shalt  }
0x70: {  	_ =	shalt  }
0x71: {  	_ =	shalt  }
0x72: {  	_ =	shalt  }
0x73: {  	_ =	shalt  }
0x74: {  	_ =	shalt  }
0x75: {  	_ =	shalt  }
0x76: {  	_ =	shalt  }
0x77: {  	_ =	shalt  }
0x78: {  	_ =	shalt  }
0x79: {  	_ =	shalt  }
0x7a: {  	_ =	shalt  }
0x7b: {  	_ =	shalt  }
0x7c: {  	_ =	shalt  }
0x7d: {  	_ =	shalt  }
0x7e: {  	_ =	shalt  }
0x7f: {  	_ =	shalt  }
0x80: {  	_ =	shalt  }
0x81: {  	_ =	shalt  }
0x82: {  	_ =	shalt  }
0x83: {  	_ =	shalt  }
0x84: {  	_ =	shalt  }
0x85: {  	_ =	shalt  }
0x86: {  	_ =	shalt  }
0x87: {  	_ =	shalt  }
.Lfunc_end0:
.L_simem_size_0:
called_computation_lowered:
.L_overlay_start_0:
0x88: {  	s2 =	sld [smem:$0x3FD9]  }
0x89: {  	s3 =	sld [smem:$0x3FFE];
	_ =	sdelay $0x1  }
0x8a: {  	s1 =	srdreg.scid  }
0x8b: {  	s0 =	sand.u32 $0x1, s1  }
0x8c: {  	s17 =	sshll.u32 s0, $0xA;
	s2 =	sadd.s32 s3, s2  }
0x8d: {  	s2 =	sadd.s32 s2, s17  }
0x8e: {  	[smem:$0x3FC3] =	sst s2  }
0x8f: {  	_ = 	snop  }
0x90: {  	s2 =	sld [smem:$0x3FC9]  }
0x91: {  	s18 =	sld [smem:$0x3FC8]  }
0x92: {  	s4 =	sld [smem:$0x3FC6];
	(tm) =	ssettm $0x1  }
0x93: {  	s5 =	sld [smem:$0x3FFB];
	_ =	sdelay $0x3  }
0x94: {  	_ =	strace s5  }
0x95: {  	s5 =	sld [smem:$0x3FFC];
	_ =	sdelay $0x3  }
0x96: {  	_ =	strace s5  }
0x97: {  	s5 =	sld [smem:$0x3FFD];
	_ =	sdelay $0x3  }
0x98: {  	_ =	strace s5  }
0x99: {  	_ =	strace $0x8FFFFFFF  }
0x9a: {  	s19 =	sld [smem:$0x3FDB];
	_ =	sdelay $0x1  }
0x9b: {  	s6 =	simm.s32 $_scs_section_size  }
0x9c: {  	s7 =	simm.s32 $_size__tile_overlayer_lowered;
	s8 =	simm.s32 $_tile_overlayer_lowered  }
0x9d: {  	s22 =	simm.s32 $0x1BFF;
	s21 =	sshll.u32 s8, $0x1;
	s5 =	sadd.s32 s6, s19  }
0x9e: {  	s9 =	simm.s32 $0x0;
	s20 =	sshll.u32 s7, $0x1;
	s7 =	sadd.s32 s21, s5  }
0x9f: {  	[timem:s9], [sflag:s22] =	dma.local [hbm:s7], s20  }
0xa0: {  	_ =	swait.ge [sflag:s22], s20  }
0xa1: {  	s6 =	ssub.s32 $0x0, s20;
	[sflag:s22] =	ssyncset.done $0x0  }
0xa2: {  	[sflag:s22] =	ssyncadd.s32 s6;
	_ =	sdelay $0x1  }
0xa3: {  	s23 =	simm.s32 $0x1B8B  }
0xa4: {  	_ =	swait.ge [sflag:s23], $0x1  }
0xa5: {  	[sflag:s23] =	ssyncset.done $0x0  }
0xa6: {  	s25 =	simm.s32 $0x1B8E;
	s24 =	sld [smem:$0x3FFE];
	[sflag:s23] =	ssyncadd.s32 $0xFFFFFFFF  }
0xa7: {  	s26 =	simm.s32 $execute0_lowered;
	[smem:$0x3FD2] =	sst s25  }
0xa8: {  	s7 =	sshll.u32 s26, $0x1;
	_ =	strace $0x80000046;
	[dreg:$0x1] =	wrdreg $0xFFFFFFFF  }
0xa9: {  	s28 =	simm.s32 $_size_execute0_lowered;
	s5 =	sadd.s32 s5, s7;
	[dreg:$0x0] =	wrdreg $0x0  }
0xaa: {  	s7 =	sshll.u32 s28, $0x1;
	[dreg:$0x2] =	wrdreg s5  }
0xab: {  	[dreg:$0x3] =	wrdreg s7  }
0xac: {  	[dreg:$0x4] =	wrdreg $0xC0  }
0xad: {  	_ =	task [dreg:s9], $0x5FFFF  }
0xae: {  	[dreg:$0x1] =	wrdreg $0xFFFFFFFF  }
0xaf: {  	[dreg:$0x0] =	wrdreg $0x60  }
0xb0: {  	[dreg:$0x2] =	wrdreg s2  }
0xb1: {  	[dreg:$0x3] =	wrdreg s18  }
0xb2: {  	[dreg:$0x4] =	wrdreg s4  }
0xb3: {  	[dreg:$0x5] =	wrdreg s24  }
0xb4: {  	[dreg:$0x6] =	wrdreg $0xC4800  }
0xb5: {  	[dreg:$0x7] =	wrdreg $0x144800  }
0xb6: {  	[dreg:$0x8] =	wrdreg $0x9  }
0xb7: {  	_ =	task.clear_ibuf [dreg:s9], $0x9FFFF;
	_ =	strace $0x90000046  }
0xb8: {  	s29 =	simm.s32 $0x9;
	_ =	strace $0x80000048  }
0xb9: {  	_ =	swait.ge [sflag:s29], $0x1  }
0xba: {  	[sflag:s29] =	ssyncadd.s32 $0xFFFFFFFF  }
0xbb: {  	_ =	strace $0x90000048  }
0xbc: {  	_ =	sfence  }
0xbd: {  	s30 =	sld [smem:$0x0];
	_ =	sdelay $0x2  }
0xbe: {  	s31 =	sshll.u32 s1, $0xD;
	s1 =	sshrl.u32 s1, $0x2  }
0xbf: {  	s3 =	sand.u32 $0x4000, s31;
	s1 =	sadd.s32 s1, s30  }
0xc0: {  	s0 =	sor.u32 s3, s0;
	s1 =	sshll.u32 s1, $0x11  }
0xc1: {  	s0 =	sor.u32 s1, s0  }
0xc2: {  	s0 =	sadd.s32 $0x8F2B, s0  }
0xc3: {  	[sflag:s0] =	ssyncadd.remote.s32 $0x1  }
0xc4: {  	_ =	sfence.sel $0xFFFF  }
0xc5: {  	[dreg:$0x0] =	wrdreg $0xFFFFFFFF;
	(pc) =	sbr.abs _section_cstart, $3  }
0xc6: {  	[dreg:$0x1] =	wrdreg $0xFFFFFFFF  }
0xc7: {  	_ =	task.clear_ibuf [dreg:s9], $0x2FFFF;
	_ =	strace $0x9FFFFFFF  }
0xc8: {  	(tm) =	ssettm $0x7FFFFFFF  }
0xc9: {  	_ =	shalt  }
tec
execute0_lowered:
.L_overlay_start_1:
0x0: {  	(tag) =	ssettag $0x1  }
0x1: {  	s16 =	rddreg [dreg:$0x0]  }
0x2: {  	s1 =	rddreg [dreg:$0x1]  }
0x3: {  	s0 =	rddreg [dreg:$0x2]  }
0x4: {  	s2 =	rddreg [dreg:$0x3]  }
0x5: {  	s6 =	rddreg [dreg:$0x4]  }
0x6: {  	s9 =	rddreg [dreg:$0x5];
	s3 =	srdreg.scid  }
0x7: {  	s8 =	stileid.u32;
	s31 =	simm.s32 $0x3;
	s4 =	sand.u32 $0x1, s3  }
0x8: {  	v0 =	vimm.s32 $0x4000;
	vm0 =	vcmask $0x300;
	s3 =	simm.s32 $0x0;
	s10 =	sshll.u32 s8, $0xE;
	s5 =	sshll.u32 s4, $0x4  }
0x9: {  	vm14 =	vcmask $0x704;
	v0 =	vsel vm0, $0x401, v0;
	[smem:$0x7FF] =	sst s3;
	s21 =	ssub.s32 $0x2, s4;
	s4 =	sshll.u32 s4, $0x14  }
0xa: {  	vm15 =	vcmask $0xB08;
	v0 =	vsel vm14, $0x802, v0;
	s25 =	sor.u32 $0x40000, s10;
	s5 =	sor.u32 s8, s5;
	_ =	strace $0x80000047  }
0xb: {  	vm4 =	vcmask $0xF0C;
	s22 =	sshrl.u32 s21, $0x1;
	v0 =	vsel vm15, $0xC03, v0;
	s23 =	sor.u32 s10, s4;
	s4 =	sadd.s32 s10, s6  }
0xc: {  	vm5 =	vcmask $0x1310;
	s7 =	sshll.u32 s5, $0xB;
	s19 =	sshll.u32 s5, $0x6;
	s21 =	ssub.s32 s21, s22;
	v0 =	vsel vm4, $0x1004, v0  }
0xd: {  	vm6 =	vcmask $0x1714;
	s14 =	sshrl.u32 s23, $0x3;
	s5 =	sshll.u32 s8, $0x6;
	s8 =	sadd.s32 s10, s9;
	v0 =	vsel vm5, $0x1405, v0  }
0xe: {  	vm7 =	vcmask $0x1B18;
	s10 =	sadd.s32 s25, s6;
	s22 =	simm.s32 $0x1;
	s23 =	simm.s32 $0x4080;
	v0 =	vsel vm6, $0x1806, v0  }
0xf: {  	vm8 =	vcmask $0x1F1C;
	s11 =	sadd.s32 s7, s2;
	s2 =	sadd.s32 s19, s2;
	s24 =	sadd.s32 s16, s14;
	v0 =	vsel vm7, $0x1C07, v0  }
0x10: {  	vm9 =	vcmask $0x2320;
	s7 =	sor.u32 $0x1C01, s5;
	s12 =	sadd.s32 s1, s14;
	s13 =	sor.u32 $0x8000, s14;
	v0 =	vsel vm8, $0x2008, v0  }
0x11: {  	vm10 =	vcmask $0x2724;
	s29 =	sor.u32 $0x10000, s14;
	s30 =	sor.u32 $0x18000, s14;
	[dreg:$0x7] =	wrdreg s24;
	v0 =	vsel vm9, $0x2409, v0  }
0x12: {  	vm11 =	vcmask $0x2B28;
	s19 =	sadd.s32 s0, s19;
	s21 =	smax.u32 s21, $0x1;
	[dreg:$0x8] =	wrdreg s12;
	v1 =	vsel vm10, $0x280A, v0  }
0x13: {  	vm12 =	vcmask $0x2F2C;
	s26 =	sadd.s32 s16, s13;
	s12 =	sadd.s32 s25, s9;
	s28 =	sadd.s32 s1, s13;
	v1 =	vsel vm11, $0x2C0B, v1  }
0x14: {  	v2 =	vlaneseq.u32;
	vm13 =	vcmask $0x3330;
	s14 =	sadd.s32 s16, s29;
	s15 =	sadd.s32 s1, s29;
	s16 =	sadd.s32 s16, s30;
	v3 =	vsel vm12, $0x300C, v1  }
0x15: {  	vm14 =	vcmask $0x3734;
	s17 =	sadd.s32 s1, s30;
	s18 =	sadd.s32 $0x1400, s11;
	s20 =	sadd.s32 $0x11400, s2;
	v1 =	vmul.u32 $0x401, v2;
	v3 =	vsel vm13, $0x340D, v3  }
0x16: {  	vm15 =	vcmask $0x3B38;
	s24 =	simm.s32 $0x4;
	s25 =	simm.s32 $0x8080;
	[dreg:$0x9] =	wrdreg s26;
	v0 =	vimm.f32 $-Inf;
	v4 =	vsel vm14, $0x380E, v3  }
0x17: {  	s1 =	simm.s32 $0x0;
	[dreg:$0xa] =	wrdreg s28;
	s26 =	simm.s32 $0x2;
	v2 =	vor.u32 $0x4000, v2;
	v3 =	vadd.s32 $0x3F0, v1;
	v4 =	vsel vm15, $0x3C0F, v4  }
.LBB2_1:
0x18: {  	s2 =	sshrl.u32 s4, $0x3;
	s0 =	rddreg [dreg:$0x7]  }
0x19: {  	[spmem:s2], [sflag:s7] =	dma.local [hbm:s0], $0x800  }
0x1a: {  	s9 =	sshrl.u32 s8, $0x3;
	s0 =	rddreg [dreg:$0x8]  }
0x1b: {  	[spmem:s9], [sflag:s7] =	dma.local [hbm:s0], $0x800  }
0x1c: {  	s29 =	sor.u32 $0x1C02, s5;
	s6 =	sshrl.u32 s10, $0x3;
	s0 =	rddreg [dreg:$0x9]  }
0x1d: {  	[spmem:s6], [sflag:s29] =	dma.local [hbm:s0], $0x800  }
0x1e: {  	s28 =	simm.s32 $0x40;
	s0 =	sshrl.u32 s12, $0x3;
	s11 =	rddreg [dreg:$0xa]  }
0x1f: {  	[spmem:s0], [sflag:s29] =	dma.local [hbm:s11], $0x800;
	[tilespmem:s28+$0xFFFFFFC0] =	vst v0  }
0x20: {  	[tilespmem:s28+$0x30] =	vst v0  }
0x21: {  	[tilespmem:s28+$0x20] =	vst v0  }
0x22: {  	[tilespmem:s28+$0x10] =	vst v0  }
0x23: {  	[tilespmem:s28+$0x0] =	vst v0  }
0x24: {  	[tilespmem:s28+$0xFFFFFFF0] =	vst v0  }
0x25: {  	s11 =	simm.s32 $0x0;
	[tilespmem:s28+$0xFFFFFFE0] =	vst v0  }
.LBB2_2:
0x26: {  	s11 =	sadd.s32 $0x8, s11;
	[tilespmem:s28+$0xFFFFFFD0] =	vst v0;
	s28 =	sadd.s32 $0x80, s28  }
0x27: {  	[tilespmem:s28+$0xFFFFFFC0] =	vst v0;
	p0 =	slt.u32 s11, $0x3F8  }
0x28: {  	[tilespmem:s28+$0x30] =	vst v0  }
.Ltmp0:
0x29: {  	[tilespmem:s28+$0x20] =	vst v0;
	(pc) =	sbr.rel @p0 .LBB2_2-.Ltmp0, $4  }
0x2a: {  	[tilespmem:s28+$0x10] =	vst v0  }
0x2b: {  	[tilespmem:s28+$0x0] =	vst v0  }
0x2c: {  	[tilespmem:s28+$0xFFFFFFF0] =	vst v0  }
0x2d: {  	[tilespmem:s28+$0xFFFFFFE0] =	vst v0  }
0x2e: {  	[tilespmem:s28+$0xFFFFFFD0] =	vst v0;
	v6 =	vimm.f32 $-Inf  }
0x2f: {  	[tilespmem:$0x4000] =	vst v6  }
0x30: {  	_ =	swait.ge [sflag:s22], $0x800  }
0x31: {  	[sflag:s22] =	ssyncset.done $0x0  }
0x32: {  	[sflag:s22] =	ssyncadd.s32 $0xFFFFF800  }
0x33: {  	_ =	swait.ge [sflag:s22], $0x800  }
0x34: {  	[sflag:s22] =	ssyncset.done $0x0  }
0x35: {  	[sflag:s22] =	ssyncadd.s32 $0xFFFFF800  }
0x36: {  	[tilespmem:s23], [sflag:$0x4] =	stream.linear.gather [spmem:s4], $0x4000, $0x38;
	[tilespmem:$0x1C480] =	vst v63  }
0x37: {  	_ =	swait.ge [sflag:s24], $0x4000  }
0x38: {  	[sflag:s24] =	ssyncset.done $0x0  }
0x39: {  	[sflag:s24] =	ssyncadd.s32 $0xFFFFC000  }
0x3a: {  	[tilespmem:s25], [sflag:$0x4] =	stream.linear.gather [spmem:s8], $0x4000, $0x38;
	[tilespmem:$0x1C480] =	vst v63  }
0x3b: {  	s11 =	simm.s32 $0x0;
	_ =	swait.ge [sflag:s24], $0x4000  }
0x3c: {  	v7 =	vadd.s32 s11, v1;
	[sflag:s24] =	ssyncset.done $0x0  }
0x3d: {  	s30 =	simm.s32 $0x1;
	s13 =	simm.s32 $0x2;
	[sflag:s24] =	ssyncadd.s32 $0xFFFFC000  }
0x3e: {  	v8 =	vadd.s32 s30, v1;
	[spmem:s2], [sflag:s7] =	dma.local [hbm:s14], $0x800  }
0x3f: {  	v9 =	vadd.s32 s13, v1;
	[spmem:s9], [sflag:s7] =	dma.local [hbm:s15], $0x800  }
0x40: {  	v5 =	vld.idx.msk [tilespmem:v1+s25+$0x0], $0xffff  }
0x41: {  	v10 =	vld.idx.msk [tilespmem:v7+s23+$0x0], $0xffff  }
0x42: {  	s30 =	simm.s32 $0x3;
	v11 =	vld.idx.msk [tilespmem:v7+s25+$0x0], $0xffff  }
0x43: {  	v7 =	vadd.s32 s30, v1;
	v12 =	vld.idx.msk [tilespmem:v8+s23+$0x0], $0xffff  }
0x44: {  	s13 =	simm.s32 $0x5;
	v14 =	vld.idx.msk [tilespmem:v9+s23+$0x0], $0xffff  }
0x45: {  	s11 =	simm.s32 $0x4;
	v15 =	vld.idx.msk [tilespmem:v9+s25+$0x0], $0xffff;
	v9 =	vadd.s32 s13, v1  }
0x46: {  	v13 =	vadd.s32 s11, v1;
	v8 =	vld.idx.msk [tilespmem:v8+s25+$0x0], $0xffff;
	_ =	sdelay $0x1  }
0x47: {  	s30 =	simm.s32 $0x6;
	v16 =	vld.idx.msk [tilespmem:v7+s23+$0x0], $0xffff  }
0x48: {  	v19 =	vadd.s32 s30, v1;
	vm0 =	vne.s32 v11, v5;
	v17 =	vmax.f32 v6, v10;
	v18 =	vld.idx.msk [tilespmem:v7+s25+$0x0], $0xffff  }
0x49: {  	s11 =	simm.s32 $0x7;
	v21 =	vld.idx.msk [tilespmem:v9+s25+$0x0], $0xffff;
	v27 =	vsel vm0, v10, v17  }
0x4a: {  	vm2 =	vne.s32 v8, v11;
	v10 =	vld.idx.msk [tilespmem:v13+s23+$0x0], $0xffff;
	v17 =	vadd.s32 s11, v1;
	v7 =	vmax.f32 v27, v12  }
0x4b: {  	s13 =	simm.s32 $0x8;
	v13 =	vld.idx.msk [tilespmem:v13+s25+$0x0], $0xffff;
	v7 =	vsel vm2, v12, v7  }
0x4c: {  	v22 =	vadd.s32 s13, v1;
	vm1 =	vne.s32 v15, v8;
	v12 =	vld.idx.msk [tilespmem:v9+s23+$0x0], $0xffff;
	v20 =	vmax.f32 v7, v14  }
0x4d: {  	s11 =	simm.s32 $0xA;
	v26 =	vsel vm1, v14, v20;
	v14 =	vld.idx.msk [tilespmem:v19+s23+$0x0], $0xffff  }
0x4e: {  	s30 =	simm.s32 $0x9;
	v23 =	vadd.s32 s11, v1;
	vm15 =	vne.s32 v18, v15;
	v19 =	vld.idx.msk [tilespmem:v19+s25+$0x0], $0xffff;
	v9 =	vmax.f32 v26, v16  }
0x4f: {  	s11 =	simm.s32 $0xD;
	v20 =	vadd.s32 s30, v1;
	v24 =	vsel vm15, v16, v9;
	v16 =	vld.idx.msk [tilespmem:v17+s23+$0x0], $0xffff  }
0x50: {  	v28 =	vsel vm0, v11, v2;
	v36 =	vadd.s32 s11, v1;
	v17 =	vld.idx.msk [tilespmem:v17+s25+$0x0], $0xffff  }
0x51: {  	s13 =	simm.s32 $0xB;
	vm3 =	vne.s32 v13, v18;
	v9 =	vsel vm2, v8, v28;
	v8 =	vld.idx.msk [tilespmem:v22+s23+$0x0], $0xffff;
	v11 =	vmax.f32 v24, v10  }
0x52: {  	v29 =	vsel vm1, v15, v9;
	v25 =	vsel vm3, v10, v11;
	v11 =	vld.idx.msk [tilespmem:v22+s25+$0x0], $0xffff;
	v22 =	vadd.s32 s13, v1  }
0x53: {  	vm4 =	vne.s32 v21, v13;
	v35 =	vld.idx.msk [tilespmem:v23+s23+$0x0], $0xffff;
	v18 =	vsel vm15, v18, v29;
	v10 =	vmax.f32 v25, v12  }
0x54: {  	s30 =	simm.s32 $0xC;
	v31 =	vld.idx.msk [tilespmem:v20+s23+$0x0], $0xffff;
	v32 =	vsel vm3, v13, v18;
	v30 =	vsel vm4, v12, v10  }
0x55: {  	vm6 =	vne.s32 v19, v21;
	v13 =	vld.idx.msk [tilespmem:v20+s25+$0x0], $0xffff;
	v20 =	vadd.s32 s30, v1;
	v10 =	vmax.f32 v30, v14  }
0x56: {  	vm5 =	vmmov vm2;
	[tilespmem:v2+s3+$0x0] =	vst.idx.msk vm0, v6;
	v15 =	vld.idx.msk [tilespmem:v23+s25+$0x0], $0xffff;
	v34 =	vsel vm6, v14, v10  }
0x57: {  	v33 =	vsel vm4, v21, v32;
	vm7 =	vne.s32 v17, v19;
	v10 =	vmax.f32 v34, v16;
	v23 =	vld.idx.msk [tilespmem:v22+s23+$0x0], $0xffff  }
0x58: {  	s13 =	simm.s32 $0xE;
	v19 =	vsel vm6, v19, v33;
	[tilespmem:v18+s3+$0x0] =	vst.idx.msk vm3, v24;
	v18 =	vld.idx.msk [tilespmem:v36+s25+$0x0], $0xffff;
	v12 =	vsel vm7, v16, v10  }
0x59: {  	vm2 =	vne.s32 v11, v17;
	v16 =	vld.idx.msk [tilespmem:v22+s25+$0x0], $0xffff;
	v22 =	vadd.s32 s13, v1;
	v6 =	vmax.f32 v12, v8  }
0x5a: {  	s30 =	simm.s32 $0xF;
	vm3 =	vmmov vm1;
	v21 =	vld.idx.msk [tilespmem:v20+s23+$0x0], $0xffff;
	v10 =	vsel vm2, v8, v6  }
0x5b: {  	vm0 =	vne.s32 v13, v11;
	[tilespmem:v32+s3+$0x0] =	vst.idx.msk vm4, v25;
	v25 =	vadd.s32 s30, v1;
	v6 =	vmax.f32 v10, v31  }
0x5c: {  	[tilespmem:v28+s3+$0x0] =	vst.idx.msk vm5, v27;
	v14 =	vsel vm7, v17, v19;
	v17 =	vld.idx.msk [tilespmem:v20+s25+$0x0], $0xffff;
	v8 =	vsel vm0, v31, v6  }
0x5d: {  	s9 =	simm.s32 $0x10;
	[tilespmem:v29+s3+$0x0] =	vst.idx.msk vm15, v26;
	v20 =	vld.idx.msk [tilespmem:v36+s23+$0x0], $0xffff;
	vm1 =	vne.s32 v15, v13;
	v6 =	vmax.f32 v8, v35  }
0x5e: {  	v24 =	vadd.s32 s9, v1;
	[tilespmem:v19+s3+$0x0] =	vst.idx.msk vm7, v34;
	v19 =	vld.idx.msk [tilespmem:v22+s23+$0x0], $0xffff;
	v6 =	vsel vm1, v35, v6  }
0x5f: {  	s28 =	simm.s32 $0x18;
	s11 =	simm.s32 $0x11;
	[tilespmem:v33+s3+$0x0] =	vst.idx.msk vm6, v30;
	vm15 =	vne.s32 v16, v15;
	v22 =	vld.idx.msk [tilespmem:v22+s25+$0x0], $0xffff;
	v26 =	vmax.f32 v6, v23  }
.LBB2_4:
0x60: {  	p0 =	slt.u32 s28, $0x3E8;
	v27 =	vadd.s32 s11, v1;
	v26 =	vsel vm15, v23, v26;
	v23 =	vld.idx.msk [tilespmem:v25+s23+$0x0], $0xffff;
	[tilespmem:v9+s3+$0x0] =	vst.idx.msk vm3, v7;
	v28 =	vmov v10  }
0x61: {  	s11 =	sadd.s32 $0x2, s9;
	v29 =	vsel vm2, v11, v14;
	vm3 =	vne.s32 v17, v16;
	v7 =	vmax.f32 v26, v21;
	v10 =	vld.idx.msk [tilespmem:v25+s25+$0x0], $0xffff  }
0x62: {  	v25 =	vadd.s32 s11, v1;
	v9 =	vsel vm0, v13, v29;
	[tilespmem:v14+s3+$0x0] =	vst.idx.msk vm2, v12;
	v30 =	vsel vm3, v21, v7  }
0x63: {  	s11 =	sadd.s32 $0x3, s9;
	v31 =	vsel vm1, v15, v9;
	vm4 =	vne.s32 v18, v17;
	v21 =	vld.idx.msk [tilespmem:v24+s23+$0x0], $0xffff;
	v12 =	vmax.f32 v30, v20  }
0x64: {  	v16 =	vsel vm15, v16, v31;
	v11 =	vld.idx.msk [tilespmem:v24+s25+$0x0], $0xffff;
	v24 =	vadd.s32 s11, v1;
	v20 =	vsel vm4, v20, v12;
	v7 =	vmovc v8  }
0x65: {  	s11 =	sadd.s32 $0x4, s9;
	v32 =	vsel vm3, v17, v16;
	vm6 =	vne.s32 v22, v18;
	v8 =	vld.idx.msk [tilespmem:v27+s23+$0x0], $0xffff;
	v12 =	vmax.f32 v20, v19  }
0x66: {  	v17 =	vadd.s32 s11, v1;
	v18 =	vsel vm4, v18, v32;
	v13 =	vld.idx.msk [tilespmem:v27+s25+$0x0], $0xffff;
	v19 =	vsel vm6, v19, v12  }
0x67: {  	s11 =	sadd.s32 $0x5, s9;
	v33 =	vsel vm6, v22, v18;
	vm7 =	vne.s32 v10, v22;
	v27 =	vld.idx.msk [tilespmem:v25+s23+$0x0], $0xffff;
	v12 =	vmax.f32 v19, v23  }
0x68: {  	v22 =	vadd.s32 s11, v1;
	v14 =	vsel vm7, v10, v33;
	v15 =	vld.idx.msk [tilespmem:v25+s25+$0x0], $0xffff;
	v12 =	vsel vm7, v23, v12  }
0x69: {  	vm5 =	vmmov vm0;
	s11 =	sadd.s32 $0x6, s9;
	v23 =	vld.idx.msk [tilespmem:v24+s23+$0x0], $0xffff;
	[tilespmem:v16+s3+$0x0] =	vst.idx.msk vm3, v26;
	vm3 =	vmmov vm1  }
0x6a: {  	v34 =	vadd.s32 s11, v1;
	vm2 =	vne.s32 v11, v10;
	v10 =	vmax.f32 v12, v21;
	v16 =	vld.idx.msk [tilespmem:v24+s25+$0x0], $0xffff  }
0x6b: {  	s11 =	sadd.s32 $0x7, s9;
	s9 =	smov.u32 s28;
	v10 =	vsel vm2, v21, v10;
	v21 =	vld.idx.msk [tilespmem:v17+s23+$0x0], $0xffff;
	[tilespmem:v18+s3+$0x0] =	vst.idx.msk vm6, v20  }
.Ltmp1:
0x6c: {  	v25 =	vadd.s32 s11, v1;
	vm0 =	vne.s32 v13, v11;
	v18 =	vmax.f32 v10, v8;
	v17 =	vld.idx.msk [tilespmem:v17+s25+$0x0], $0xffff;
	(pc) =	sbr.rel @p0 .LBB2_4-.Ltmp1, $4  }
0x6d: {  	v8 =	vsel vm0, v8, v18;
	v20 =	vld.idx.msk [tilespmem:v22+s23+$0x0], $0xffff;
	[tilespmem:v33+s3+$0x0] =	vst.idx.msk vm7, v19  }
0x6e: {  	vm1 =	vne.s32 v15, v13;
	v26 =	vmax.f32 v8, v27;
	v18 =	vld.idx.msk [tilespmem:v22+s25+$0x0], $0xffff;
	[tilespmem:v32+s3+$0x0] =	vst.idx.msk vm4, v30  }
0x6f: {  	v24 =	vadd.s32 s28, v1;
	v19 =	vld.idx.msk [tilespmem:v34+s23+$0x0], $0xffff;
	[tilespmem:v31+s3+$0x0] =	vst.idx.msk vm15, v6;
	v6 =	vsel vm1, v27, v26  }
0x70: {  	s11 =	sadd.s32 $0x1, s9;
	s28 =	sadd.s32 $0x8, s28;
	vm15 =	vne.s32 v16, v15;
	v26 =	vmax.f32 v6, v23;
	v22 =	vld.idx.msk [tilespmem:v34+s25+$0x0], $0xffff;
	[tilespmem:v29+s3+$0x0] =	vst.idx.msk vm5, v28  }
0x71: {  	_ =	sdelay $0x3  }
0x72: {  	v27 =	vadd.s32 s11, v1;
	v23 =	vsel vm15, v23, v26;
	v49 =	vld.idx.msk [tilespmem:v25+s23+$0x0], $0xffff  }
0x73: {  	s13 =	sadd.s32 $0x2, s9;
	[tilespmem:v9+s3+$0x0] =	vst.idx.msk vm3, v7;
	v7 =	vsel vm2, v11, v14;
	vm4 =	vne.s32 v17, v16;
	vm7 =	vmmov vm0  }
0x74: {  	v9 =	vld.idx.msk [tilespmem:v25+s25+$0x0], $0xffff;
	s28 =	sadd.s32 $0x3, s9;
	s30 =	sadd.s32 $0x4, s9;
	v11 =	vadd.s32 s13, v1;
	v50 =	vmax.f32 v23, v21;
	v13 =	vsel vm0, v13, v7  }
0x75: {  	v28 =	vld.idx.msk [tilespmem:v24+s23+$0x0], $0xffff;
	v52 =	vadd.s32 s28, v1;
	v53 =	vadd.s32 s30, v1;
	s13 =	sadd.s32 $0x5, s9;
	v21 =	vsel vm4, v21, v50  }
0x76: {  	v51 =	vld.idx.msk [tilespmem:v24+s25+$0x0], $0xffff;
	v15 =	vsel vm1, v15, v13;
	vm3 =	vne.s32 v18, v17;
	v54 =	vadd.s32 s13, v1  }
0x77: {  	s28 =	sadd.s32 $0x6, s9;
	s30 =	sadd.s32 $0x7, s9;
	vm1 =	vmmov vm1;
	v29 =	vmax.f32 v21, v20;
	v16 =	vsel vm15, v16, v15;
	v30 =	vld.idx.msk [tilespmem:v27+s23+$0x0], $0xffff  }
0x78: {  	[tilespmem:v14+s3+$0x0] =	vst.idx.msk vm2, v12;
	v35 =	vadd.s32 s28, v1;
	v55 =	vadd.s32 s30, v1;
	v20 =	vsel vm3, v20, v29;
	v27 =	vld.idx.msk [tilespmem:v27+s25+$0x0], $0xffff  }
0x79: {  	v17 =	vsel vm4, v17, v16;
	vm5 =	vne.s32 v22, v18;
	v31 =	vmax.f32 v20, v19;
	v32 =	vld.idx.msk [tilespmem:v11+s23+$0x0], $0xffff  }
0x7a: {  	v18 =	vsel vm3, v18, v17;
	vm6 =	vne.s32 v9, v22;
	v11 =	vld.idx.msk [tilespmem:v11+s25+$0x0], $0xffff;
	[tilespmem:v7+s3+$0x0] =	vst.idx.msk vm7, v10  }
0x7b: {  	v19 =	vsel vm5, v19, v31;
	v22 =	vsel vm5, v22, v18;
	v34 =	vld.idx.msk [tilespmem:v52+s23+$0x0], $0xffff;
	[tilespmem:v15+s3+$0x0] =	vst.idx.msk vm15, v6  }
0x7c: {  	vm2 =	vne.s32 v51, v9;
	v14 =	vld.idx.msk [tilespmem:v52+s25+$0x0], $0xffff;
	v33 =	vmax.f32 v19, v49;
	[tilespmem:v16+s3+$0x0] =	vst.idx.msk vm4, v23  }
0x7d: {  	v56 =	vld.idx.msk [tilespmem:v53+s25+$0x0], $0xffff;
	v9 =	vsel vm6, v9, v22;
	v12 =	vsel vm6, v49, v33;
	[tilespmem:v13+s3+$0x0] =	vst.idx.msk vm1, v8  }
0x7e: {  	v23 =	vld.idx.msk [tilespmem:v53+s23+$0x0], $0xffff;
	v16 =	vmax.f32 v12, v28;
	[tilespmem:v17+s3+$0x0] =	vst.idx.msk vm3, v21;
	v17 =	vsel vm2, v51, v9  }
0x7f: {  	v16 =	vsel vm2, v28, v16;
	[tilespmem:v18+s3+$0x0] =	vst.idx.msk vm5, v20;
	vm4 =	vne.s32 v27, v51;
	v20 =	vld.idx.msk [tilespmem:v54+s25+$0x0], $0xffff  }
0x80: {  	v18 =	vmax.f32 v16, v30;
	[tilespmem:v22+s3+$0x0] =	vst.idx.msk vm6, v19;
	vm5 =	vne.s32 v11, v27;
	v19 =	vld.idx.msk [tilespmem:v35+s25+$0x0], $0xffff  }
0x81: {  	v21 =	vld.idx.msk [tilespmem:v55+s25+$0x0], $0xffff;
	v6 =	vsel vm4, v27, v17;
	vm3 =	vne.s32 v14, v11;
	v18 =	vsel vm4, v30, v18  }
0x82: {  	vm6 =	vne.s32 v56, v14;
	v11 =	vsel vm5, v11, v6;
	v22 =	vmax.f32 v18, v32  }
0x83: {  	v15 =	vld.idx.msk [tilespmem:v54+s23+$0x0], $0xffff;
	[tilespmem:v9+s3+$0x0] =	vst.idx.msk vm2, v12;
	v14 =	vsel vm3, v14, v11;
	v22 =	vsel vm5, v32, v22  }
0x84: {  	v26 =	vsel vm6, v56, v14;
	v57 =	vmax.f32 v22, v34;
	vm15 =	vne.s32 v20, v56  }
0x85: {  	v58 =	vld.idx.msk [tilespmem:v35+s23+$0x0], $0xffff;
	v24 =	vsel vm3, v34, v57;
	vm8 =	vne.s32 v19, v20;
	v20 =	vsel vm15, v20, v26  }
0x86: {  	vm0 =	vne.s32 v21, v19;
	[tilespmem:v17+s3+$0x0] =	vst.idx.msk vm4, v16;
	v59 =	vmax.f32 v24, v23  }
0x87: {  	v10 =	vsel vm8, v19, v20;
	[tilespmem:v11+s3+$0x0] =	vst.idx.msk vm3, v22;
	v7 =	vsel vm6, v23, v59  }
0x88: {  	[tilespmem:v6+s3+$0x0] =	vst.idx.msk vm5, v18;
	v8 =	vmax.f32 v7, v15  }
0x89: {  	[tilespmem:v14+s3+$0x0] =	vst.idx.msk vm6, v24;
	v8 =	vsel vm15, v15, v8  }
0x8a: {  	v9 =	vmax.f32 v8, v58;
	[tilespmem:v26+s3+$0x0] =	vst.idx.msk vm15, v7  }
0x8b: {  	v9 =	vsel vm8, v58, v9;
	[tilespmem:v20+s3+$0x0] =	vst.idx.msk vm8, v8  }
0x8c: {  	v12 =	vld.idx.msk [tilespmem:v55+s23+$0x0], $0xffff;
	[tilespmem:v10+s3+$0x0] =	vst.idx.msk vm0, v9  }
0x8d: {  	v13 =	vld.idx.msk [tilespmem:v3+s25+$0x0], $0xffff;
	_ =	sdelay $0x3  }
0x8e: {  	s11 =	simm.s32 $0x3F1;
	vm1 =	vmmov vm4  }
0x8f: {  	vm2 =	vmmov vm5;
	v6 =	vadd.s32 s11, v1;
	vm1 =	vne.s32 v13, v21  }
0x90: {  	s13 =	simm.s32 $0x3F2;
	vm2 =	vlt.s32 v6, $0x3FFF;
	v7 =	vsel vm0, v21, v10  }
0x91: {  	v11 =	vnsel vm2, $0x3FFF, v6;
	v10 =	vadd.s32 s13, v1;
	v8 =	vld.idx.msk [tilespmem:v3+s23+$0x0], $0xffff  }
0x92: {  	s28 =	simm.s32 $0x3F3;
	vm2 =	vlt.s32 v10, $0x3FFF  }
0x93: {  	s30 =	simm.s32 $0x3F4;
	v14 =	vadd.s32 s28, v1;
	v9 =	vmax.f32 v9, v12;
	v15 =	vnsel vm2, $0x3FFF, v10  }
0x94: {  	v9 =	vsel vm0, v12, v9;
	vm0 =	vlt.s32 v14, $0x3FFF;
	v12 =	vadd.s32 s30, v1  }
0x95: {  	v17 =	vnsel vm0, $0x3FFF, v14;
	vm0 =	vlt.s32 v12, $0x3FFF;
	[tilespmem:v7+s3+$0x0] =	vst.idx.msk vm1, v9  }
0x96: {  	s28 =	simm.s32 $0x3F5;
	v18 =	vnsel vm0, $0x3FFF, v12;
	v23 =	vsel vm1, v13, v7;
	v7 =	vmax.f32 v9, v8;
	v9 =	vld.idx.msk [tilespmem:v11+s25+$0x0], $0xffff  }
0x97: {  	vm4 =	vlt.u32 v14, v4;
	v16 =	vadd.s32 s28, v1;
	s30 =	simm.s32 $0x3F8;
	vm3 =	vlt.u32 v12, v4;
	v19 =	vld.idx.msk [tilespmem:v11+s23+$0x0], $0xffff  }
0x98: {  	s11 =	simm.s32 $0x3F6;
	s13 =	simm.s32 $0x3F7;
	v61 =	vadd.s32 s30, v1;
	v60 =	vsel vm1, v8, v7;
	vm1 =	vlt.u32 v10, v4;
	v10 =	vld.idx.msk [tilespmem:v15+s25+$0x0], $0xffff  }
0x99: {  	vm0 =	vlt.u32 v6, v4;
	v6 =	vadd.s32 s13, v1;
	v8 =	vadd.s32 s11, v1;
	v21 =	vld.idx.msk [tilespmem:v15+s23+$0x0], $0xffff  }
0x9a: {  	vm15 =	vlt.u32 v61, v4;
	vm5 =	vlt.s32 v6, $0x3FFF;
	v12 =	vld.idx.msk [tilespmem:v17+s25+$0x0], $0xffff;
	vm2 =	vlt.s32 v8, $0x3FFF  }
0x9b: {  	v7 =	vnsel vm5, $0x3FFF, v6;
	v15 =	vld.idx.msk [tilespmem:v18+s25+$0x0], $0xffff;
	v11 =	vnsel vm2, $0x3FFF, v8;
	vm2 =	vlt.s32 v16, $0x3FFF  }
0x9c: {  	v62 =	vnsel vm2, $0x3FFF, v16;
	v9 =	vsel vm0, v9, v13;
	v14 =	vmax.f32 v60, v19  }
0x9d: {  	vm5 =	vlt.s32 v61, $0x3FFF;
	v20 =	vld.idx.msk [tilespmem:v17+s23+$0x0], $0xffff;
	vm6 =	vne.s32 v9, v13;
	v14 =	vsel vm0, v14, v60  }
0x9e: {  	v10 =	vsel vm1, v10, v9;
	v13 =	vsel vm6, v9, v23;
	v14 =	vsel vm6, v19, v14  }
0x9f: {  	vm2 =	vne.s32 v10, v9;
	v9 =	vsel vm4, v12, v10;
	v17 =	vmax.f32 v14, v21  }
0xa0: {  	v19 =	vld.idx.msk [tilespmem:v18+s23+$0x0], $0xffff;
	v12 =	vsel vm2, v10, v13;
	v15 =	vsel vm3, v15, v9;
	v17 =	vsel vm1, v17, v14  }
0xa1: {  	v22 =	vld.idx.msk [tilespmem:v62+s25+$0x0], $0xffff;
	vm1 =	vne.s32 v9, v10;
	vm0 =	vne.s32 v15, v9;
	v18 =	vsel vm2, v21, v17  }
0xa2: {  	v21 =	vsel vm1, v9, v12;
	v9 =	vnsel vm5, $0x3FFF, v61;
	v17 =	vld.idx.msk [tilespmem:v62+s23+$0x0], $0xffff;
	v63 =	vmax.f32 v18, v20  }
0xa3: {  	s11 =	simm.s32 $0x3F9;
	vm5 =	vmmov vm3;
	v10 =	vsel vm0, v15, v21;
	[tilespmem:v23+s3+$0x0] =	vst.idx.msk vm6, v60;
	v23 =	vsel vm4, v63, v18  }
.LBB2_6:
0xa4: {  	s28 =	sadd.s32 $0x1, s11  }
0xa5: {  	s30 =	sadd.s32 $0x2, s11;
	vm6 =	vlt.u32 v16, v4;
	vm4 =	vlt.u32 v8, v4;
	v24 =	vld.idx.msk [tilespmem:v11+s23+$0x0], $0xffff;
	vm3 =	vlt.u32 v6, v4;
	s13 =	smov.u32 s11;
	s9 =	sadd.s32 $0x4, s11  }
0xa6: {  	p0 =	slt.u32 s11, $0x3FD;
	v8 =	vadd.s32 s28, v1;
	v6 =	vadd.s32 s30, v1;
	s28 =	sadd.s32 $0x3, s13;
	v25 =	vld.idx.msk [tilespmem:v11+s25+$0x0], $0xffff;
	[tilespmem:v13+s3+$0x0] =	vst.idx.msk vm2, v14;
	v13 =	vsel vm1, v20, v23  }
0xa7: {  	vm2 =	vlt.s32 v8, $0x3FFF;
	vm7 =	vlt.s32 v6, $0x3FFF;
	v23 =	vld.idx.msk [tilespmem:v7+s25+$0x0], $0xffff;
	[tilespmem:v21+s3+$0x0] =	vst.idx.msk vm0, v13;
	v14 =	vmax.f32 v13, v19  }
0xa8: {  	v26 =	vadd.s32 s28, v1;
	v11 =	vnsel vm2, $0x3FFF, v8;
	v21 =	vnsel vm7, $0x3FFF, v6;
	v27 =	vld.idx.msk [tilespmem:v9+s25+$0x0], $0xffff;
	[tilespmem:v12+s3+$0x0] =	vst.idx.msk vm1, v18  }
0xa9: {  	v16 =	vadd.s32 s13, v1;
	vm7 =	vlt.s32 v26, $0x3FFF;
	v12 =	vsel vm5, v14, v13  }
0xaa: {  	vm1 =	vlt.s32 v16, $0x3FFF;
	v18 =	vsel vm6, v22, v15;
	v28 =	vsel vm0, v19, v12  }
0xab: {  	v29 =	vnsel vm1, $0x3FFF, v16;
	vm5 =	vne.s32 v18, v15;
	v12 =	vmax.f32 v28, v17;
	v20 =	vld.idx.msk [tilespmem:v7+s23+$0x0], $0xffff;
	v7 =	vmovc v21  }
0xac: {  	v13 =	vsel vm5, v18, v10;
	v12 =	vsel vm6, v12, v28;
	v19 =	vsel vm4, v25, v18  }
0xad: {  	v14 =	vsel vm5, v17, v12;
	vm2 =	vne.s32 v19, v18;
	v17 =	vsel vm3, v23, v19  }
.Ltmp2:
0xae: {  	v12 =	vsel vm2, v19, v13;
	v18 =	vmax.f32 v14, v24;
	v15 =	vsel vm15, v27, v17;
	(pc) =	sbr.rel @p0 .LBB2_6-.Ltmp2, $4  }
0xaf: {  	vm1 =	vne.s32 v17, v19;
	v18 =	vsel vm4, v18, v14;
	vm0 =	vne.s32 v15, v17;
	v19 =	vld.idx.msk [tilespmem:v9+s23+$0x0], $0xffff  }
0xb0: {  	v21 =	vsel vm1, v17, v12;
	v9 =	vnsel vm7, $0x3FFF, v26;
	v18 =	vsel vm2, v24, v18;
	v22 =	vld.idx.msk [tilespmem:v29+s25+$0x0], $0xffff  }
0xb1: {  	v23 =	vmax.f32 v18, v20;
	v17 =	vld.idx.msk [tilespmem:v29+s23+$0x0], $0xffff;
	[tilespmem:v10+s3+$0x0] =	vst.idx.msk vm5, v28;
	v10 =	vsel vm0, v15, v21  }
0xb2: {  	s11 =	smov.u32 s9;
	v23 =	vsel vm3, v23, v18;
	vm5 =	vmmov vm15;
	vm15 =	vlt.u32 v26, v4  }
0xb3: {  	_ =	sdelay $0x3  }
0xb4: {  	v24 =	vld.idx.msk [tilespmem:v11+s25+$0x0], $0xffff  }
0xb5: {  	v20 =	vsel vm1, v20, v23;
	v23 =	vld.idx.msk [tilespmem:v7+s25+$0x0], $0xffff  }
0xb6: {  	vm3 =	vlt.u32 v16, v4;
	v25 =	vld.idx.msk [tilespmem:v9+s25+$0x0], $0xffff;
	vm4 =	vlt.u32 v8, v4;
	v16 =	vmax.f32 v20, v19  }
0xb7: {  	v8 =	vld.idx.msk [tilespmem:v11+s23+$0x0], $0xffff;
	[tilespmem:v13+s3+$0x0] =	vst.idx.msk vm2, v14;
	v11 =	vsel vm5, v16, v20;
	v16 =	vsel vm3, v22, v15  }
0xb8: {  	vm5 =	vlt.u32 v6, v4;
	v6 =	vsel vm0, v19, v11;
	vm6 =	vne.s32 v16, v15  }
0xb9: {  	v11 =	vmax.f32 v6, v17;
	v15 =	vsel vm6, v16, v10;
	v19 =	vsel vm4, v24, v16  }
0xba: {  	v7 =	vld.idx.msk [tilespmem:v7+s23+$0x0], $0xffff;
	v11 =	vsel vm3, v11, v6;
	vm7 =	vne.s32 v19, v16;
	v16 =	vsel vm5, v23, v19  }
0xbb: {  	v11 =	vsel vm6, v17, v11;
	v22 =	vsel vm15, v25, v16;
	vm8 =	vne.s32 v16, v19  }
0xbc: {  	v17 =	vsel vm7, v19, v15;
	v23 =	vmax.f32 v11, v8;
	vm3 =	vne.s32 v22, v16  }
0xbd: {  	[tilespmem:v12+s3+$0x0] =	vst.idx.msk vm1, v18;
	v13 =	vsel vm4, v23, v11;
	v14 =	vsel vm8, v16, v17  }
0xbe: {  	[tilespmem:v21+s3+$0x0] =	vst.idx.msk vm0, v20;
	v8 =	vsel vm7, v8, v13  }
0xbf: {  	[tilespmem:v10+s3+$0x0] =	vst.idx.msk vm6, v6;
	v12 =	vmax.f32 v8, v7  }
0xc0: {  	v6 =	vsel vm5, v12, v8;
	[tilespmem:v15+s3+$0x0] =	vst.idx.msk vm7, v11  }
0xc1: {  	v6 =	vsel vm8, v7, v6;
	[tilespmem:v17+s3+$0x0] =	vst.idx.msk vm8, v8  }
0xc2: {  	v9 =	vld.idx.msk [tilespmem:v9+s23+$0x0], $0xffff;
	s9 =	simm.s32 $0x0;
	[tilespmem:v14+s3+$0x0] =	vst.idx.msk vm3, v6  }
0xc3: {  	v7 =	vld.idx.msk [tilespmem:v2+s9+$0x0], $0xffff  }
0xc4: {  	v8 =	vld.idx.msk [tilespmem:v5+s9+$0x0], $0xffff;
	_ =	sdelay $0x4  }
0xc5: {  	v8 =	vmax.f32 v8, v7  }
0xc6: {  	[tilespmem:v5+s9+$0x0] =	vst.idx.msk $0x1, v8  }
0xc7: {  	vm1 =	vcmask $0x704;
	v8 =	vld.idx.msk [tilespmem:v5+s9+$0x0], $0xffff;
	_ =	sdelay $0x4  }
0xc8: {  	v8 =	vmax.f32 v8, v7  }
0xc9: {  	[tilespmem:v5+s9+$0x0] =	vst.idx.msk vm1, v8  }
0xca: {  	vm2 =	vcmask $0xB08;
	v8 =	vld.idx.msk [tilespmem:v5+s9+$0x0], $0xffff;
	_ =	sdelay $0x4  }
0xcb: {  	v8 =	vmax.f32 v8, v7  }
0xcc: {  	[tilespmem:v5+s9+$0x0] =	vst.idx.msk vm2, v8  }
0xcd: {  	vm4 =	vcmask $0xF0C;
	v8 =	vld.idx.msk [tilespmem:v5+s9+$0x0], $0xffff;
	_ =	sdelay $0x4  }
0xce: {  	v8 =	vmax.f32 v8, v7  }
0xcf: {  	[tilespmem:v5+s9+$0x0] =	vst.idx.msk vm4, v8  }
0xd0: {  	vm5 =	vcmask $0x1310;
	v8 =	vld.idx.msk [tilespmem:v5+s9+$0x0], $0xffff;
	_ =	sdelay $0x4  }
0xd1: {  	v8 =	vmax.f32 v8, v7  }
0xd2: {  	[tilespmem:v5+s9+$0x0] =	vst.idx.msk vm5, v8  }
0xd3: {  	vm6 =	vcmask $0x1714;
	v8 =	vld.idx.msk [tilespmem:v5+s9+$0x0], $0xffff;
	_ =	sdelay $0x4  }
0xd4: {  	v8 =	vmax.f32 v8, v7  }
0xd5: {  	[tilespmem:v5+s9+$0x0] =	vst.idx.msk vm6, v8  }
0xd6: {  	vm7 =	vcmask $0x1B18;
	v8 =	vld.idx.msk [tilespmem:v5+s9+$0x0], $0xffff;
	_ =	sdelay $0x4  }
0xd7: {  	v8 =	vmax.f32 v8, v7  }
0xd8: {  	[tilespmem:v5+s9+$0x0] =	vst.idx.msk vm7, v8  }
0xd9: {  	vm8 =	vcmask $0x1F1C;
	v8 =	vld.idx.msk [tilespmem:v5+s9+$0x0], $0xffff;
	_ =	sdelay $0x4  }
0xda: {  	v8 =	vmax.f32 v8, v7  }
0xdb: {  	[tilespmem:v5+s9+$0x0] =	vst.idx.msk vm8, v8  }
0xdc: {  	vm9 =	vcmask $0x2320;
	v8 =	vld.idx.msk [tilespmem:v5+s9+$0x0], $0xffff;
	_ =	sdelay $0x4  }
0xdd: {  	v8 =	vmax.f32 v8, v7  }
0xde: {  	[tilespmem:v5+s9+$0x0] =	vst.idx.msk vm9, v8  }
0xdf: {  	vm10 =	vcmask $0x2724;
	v8 =	vld.idx.msk [tilespmem:v5+s9+$0x0], $0xffff;
	_ =	sdelay $0x4  }
0xe0: {  	v8 =	vmax.f32 v8, v7  }
0xe1: {  	[tilespmem:v5+s9+$0x0] =	vst.idx.msk vm10, v8  }
0xe2: {  	vm11 =	vcmask $0x2B28;
	v8 =	vld.idx.msk [tilespmem:v5+s9+$0x0], $0xffff;
	_ =	sdelay $0x4  }
0xe3: {  	v8 =	vmax.f32 v8, v7  }
0xe4: {  	[tilespmem:v5+s9+$0x0] =	vst.idx.msk vm11, v8  }
0xe5: {  	vm14 =	vcmask $0x2F2C;
	v8 =	vld.idx.msk [tilespmem:v5+s9+$0x0], $0xffff;
	_ =	sdelay $0x4  }
0xe6: {  	v8 =	vmax.f32 v8, v7  }
0xe7: {  	[tilespmem:v5+s9+$0x0] =	vst.idx.msk vm14, v8  }
0xe8: {  	vm12 =	vcmask $0x3330;
	v8 =	vld.idx.msk [tilespmem:v5+s9+$0x0], $0xffff;
	_ =	sdelay $0x4  }
0xe9: {  	v8 =	vmax.f32 v8, v7  }
0xea: {  	[tilespmem:v5+s9+$0x0] =	vst.idx.msk vm12, v8  }
0xeb: {  	vm13 =	vcmask $0x3734;
	v8 =	vld.idx.msk [tilespmem:v5+s9+$0x0], $0xffff;
	_ =	sdelay $0x4  }
0xec: {  	v8 =	vmax.f32 v8, v7  }
0xed: {  	[tilespmem:v5+s9+$0x0] =	vst.idx.msk vm13, v8  }
0xee: {  	vm0 =	vcmask $0x3B38;
	v8 =	vld.idx.msk [tilespmem:v5+s9+$0x0], $0xffff;
	_ =	sdelay $0x4  }
0xef: {  	v8 =	vmax.f32 v8, v7  }
0xf0: {  	[tilespmem:v5+s9+$0x0] =	vst.idx.msk vm0, v8  }
0xf1: {  	vm0 =	vcmask $0x3F3C;
	v8 =	vld.idx.msk [tilespmem:v5+s9+$0x0], $0xffff;
	_ =	sdelay $0x4  }
0xf2: {  	v7 =	vmax.f32 v8, v7  }
0xf3: {  	[tilespmem:v5+s9+$0x0] =	vst.idx.msk vm0, v7  }
0xf4: {  	v5 =	vld.idx.msk [tilespmem:v22+s9+$0x0], $0xffff;
	_ =	sdelay $0x1  }
0xf5: {  	vm0 =	vmmov vm15;
	v7 =	vmax.f32 v6, v9  }
0xf6: {  	v6 =	vsel vm0, v7, v6  }
0xf7: {  	v6 =	vsel vm3, v9, v6  }
0xf8: {  	v5 =	vmax.f32 v5, v6  }
0xf9: {  	[tilespmem:v22+s9+$0x0] =	vst.idx.msk $0x1, v5  }
0xfa: {  	v5 =	vld.idx.msk [tilespmem:v22+s9+$0x0], $0xffff;
	_ =	sdelay $0x4  }
0xfb: {  	v5 =	vmax.f32 v5, v6  }
0xfc: {  	[tilespmem:v22+s9+$0x0] =	vst.idx.msk vm1, v5  }
0xfd: {  	v5 =	vld.idx.msk [tilespmem:v22+s9+$0x0], $0xffff;
	_ =	sdelay $0x4  }
0xfe: {  	v5 =	vmax.f32 v5, v6  }
0xff: {  	[tilespmem:v22+s9+$0x0] =	vst.idx.msk vm2, v5  }
0x100: {  	v5 =	vld.idx.msk [tilespmem:v22+s9+$0x0], $0xffff;
	_ =	sdelay $0x4  }
0x101: {  	v5 =	vmax.f32 v5, v6  }
0x102: {  	[tilespmem:v22+s9+$0x0] =	vst.idx.msk vm4, v5  }
0x103: {  	v5 =	vld.idx.msk [tilespmem:v22+s9+$0x0], $0xffff;
	_ =	sdelay $0x4  }
0x104: {  	v5 =	vmax.f32 v5, v6  }
0x105: {  	[tilespmem:v22+s9+$0x0] =	vst.idx.msk vm5, v5  }
0x106: {  	v5 =	vld.idx.msk [tilespmem:v22+s9+$0x0], $0xffff;
	_ =	sdelay $0x4  }
0x107: {  	v5 =	vmax.f32 v5, v6  }
0x108: {  	[tilespmem:v22+s9+$0x0] =	vst.idx.msk vm6, v5  }
0x109: {  	v5 =	vld.idx.msk [tilespmem:v22+s9+$0x0], $0xffff;
	_ =	sdelay $0x4  }
0x10a: {  	v5 =	vmax.f32 v5, v6  }
0x10b: {  	[tilespmem:v22+s9+$0x0] =	vst.idx.msk vm7, v5  }
0x10c: {  	v5 =	vld.idx.msk [tilespmem:v22+s9+$0x0], $0xffff;
	_ =	sdelay $0x4  }
0x10d: {  	v5 =	vmax.f32 v5, v6  }
0x10e: {  	[tilespmem:v22+s9+$0x0] =	vst.idx.msk vm8, v5  }
0x10f: {  	v5 =	vld.idx.msk [tilespmem:v22+s9+$0x0], $0xffff;
	_ =	sdelay $0x4  }
0x110: {  	v5 =	vmax.f32 v5, v6  }
0x111: {  	[tilespmem:v22+s9+$0x0] =	vst.idx.msk vm9, v5  }
0x112: {  	v5 =	vld.idx.msk [tilespmem:v22+s9+$0x0], $0xffff;
	_ =	sdelay $0x4  }
0x113: {  	v5 =	vmax.f32 v5, v6  }
0x114: {  	[tilespmem:v22+s9+$0x0] =	vst.idx.msk vm10, v5  }
0x115: {  	v5 =	vld.idx.msk [tilespmem:v22+s9+$0x0], $0xffff;
	_ =	sdelay $0x4  }
0x116: {  	v5 =	vmax.f32 v5, v6  }
0x117: {  	[tilespmem:v22+s9+$0x0] =	vst.idx.msk vm11, v5  }
0x118: {  	v5 =	vld.idx.msk [tilespmem:v22+s9+$0x0], $0xffff;
	_ =	sdelay $0x4  }
0x119: {  	v5 =	vmax.f32 v5, v6  }
0x11a: {  	[tilespmem:v22+s9+$0x0] =	vst.idx.msk vm14, v5  }
0x11b: {  	v5 =	vld.idx.msk [tilespmem:v22+s9+$0x0], $0xffff;
	_ =	sdelay $0x4  }
0x11c: {  	v5 =	vmax.f32 v5, v6  }
0x11d: {  	[tilespmem:v22+s9+$0x0] =	vst.idx.msk vm12, v5  }
0x11e: {  	v5 =	vld.idx.msk [tilespmem:v22+s9+$0x0], $0xffff;
	_ =	sdelay $0x4  }
0x11f: {  	v5 =	vmax.f32 v5, v6  }
0x120: {  	[tilespmem:v22+s9+$0x0] =	vst.idx.msk vm13, v5  }
0x121: {  	vm0 =	vcmask $0x3B38;
	v5 =	vld.idx.msk [tilespmem:v22+s9+$0x0], $0xffff;
	_ =	sdelay $0x4  }
0x122: {  	v5 =	vmax.f32 v5, v6  }
0x123: {  	[tilespmem:v22+s9+$0x0] =	vst.idx.msk vm0, v5  }
0x124: {  	vm0 =	vcmask $0x3F3C;
	v5 =	vld.idx.msk [tilespmem:v22+s9+$0x0], $0xffff;
	_ =	sdelay $0x4  }
0x125: {  	v5 =	vmax.f32 v5, v6  }
0x126: {  	v6 =	vimm.f32 $-Inf;
	[tilespmem:v22+s9+$0x0] =	vst.idx.msk vm0, v5  }
0x127: {  	[tilespmem:$0x4000] =	vst v6  }
0x128: {  	_ =	swait.ge [sflag:s26], $0x800  }
0x129: {  	[sflag:s26] =	ssyncset.done $0x0  }
0x12a: {  	[sflag:s26] =	ssyncadd.s32 $0xFFFFF800  }
0x12b: {  	_ =	swait.ge [sflag:s26], $0x800  }
0x12c: {  	[sflag:s26] =	ssyncset.done $0x0  }
0x12d: {  	[sflag:s26] =	ssyncadd.s32 $0xFFFFF800  }
0x12e: {  	[tilespmem:s23], [sflag:$0x4] =	stream.linear.gather [spmem:s10], $0x4000, $0x38;
	[tilespmem:$0x1C480] =	vst v63  }
0x12f: {  	_ =	swait.ge [sflag:s24], $0x4000  }
0x130: {  	[sflag:s24] =	ssyncset.done $0x0  }
0x131: {  	[sflag:s24] =	ssyncadd.s32 $0xFFFFC000  }
0x132: {  	[tilespmem:s25], [sflag:$0x4] =	stream.linear.gather [spmem:s12], $0x4000, $0x38;
	[tilespmem:$0x1C480] =	vst v63  }
0x133: {  	_ =	swait.ge [sflag:s24], $0x4000  }
0x134: {  	[sflag:s24] =	ssyncset.done $0x0  }
0x135: {  	s30 =	simm.s32 $0x1;
	v7 =	vadd.s32 s9, v1;
	[sflag:s24] =	ssyncadd.s32 $0xFFFFC000  }
0x136: {  	[spmem:s6], [sflag:s29] =	dma.local [hbm:s16], $0x800  }
0x137: {  	v8 =	vadd.s32 s30, v1;
	s6 =	simm.s32 $0x2  }
0x138: {  	[spmem:s0], [sflag:s29] =	dma.local [hbm:s17], $0x800  }
0x139: {  	v9 =	vadd.s32 s6, v1;
	v5 =	vld.idx.msk [tilespmem:v1+s25+$0x0], $0xffff  }
0x13a: {  	s9 =	simm.s32 $0x3;
	v10 =	vld.idx.msk [tilespmem:v7+s23+$0x0], $0xffff  }
0x13b: {  	v11 =	vld.idx.msk [tilespmem:v7+s25+$0x0], $0xffff;
	v7 =	vadd.s32 s9, v1  }
0x13c: {  	s11 =	simm.s32 $0x4;
	v12 =	vld.idx.msk [tilespmem:v8+s23+$0x0], $0xffff  }
0x13d: {  	v13 =	vadd.s32 s11, v1;
	v8 =	vld.idx.msk [tilespmem:v8+s25+$0x0], $0xffff  }
0x13e: {  	s9 =	simm.s32 $0xA;
	v14 =	vld.idx.msk [tilespmem:v9+s23+$0x0], $0xffff  }
0x13f: {  	s13 =	simm.s32 $0x5;
	v27 =	vadd.s32 s9, v1;
	v15 =	vld.idx.msk [tilespmem:v9+s25+$0x0], $0xffff  }
0x140: {  	v9 =	vadd.s32 s13, v1;
	v16 =	vld.idx.msk [tilespmem:v7+s23+$0x0], $0xffff  }
0x141: {  	s28 =	simm.s32 $0x6;
	vm0 =	vne.s32 v11, v5;
	v17 =	vmax.f32 v6, v10;
	v18 =	vld.idx.msk [tilespmem:v7+s25+$0x0], $0xffff  }
0x142: {  	v19 =	vadd.s32 s28, v1;
	v22 =	vsel vm0, v10, v17;
	v10 =	vld.idx.msk [tilespmem:v13+s23+$0x0], $0xffff  }
0x143: {  	s29 =	simm.s32 $0x7;
	vm2 =	vne.s32 v8, v11;
	v13 =	vld.idx.msk [tilespmem:v13+s25+$0x0], $0xffff;
	v7 =	vmax.f32 v22, v12  }
0x144: {  	v17 =	vadd.s32 s29, v1;
	v36 =	vld.idx.msk [tilespmem:v27+s23+$0x0], $0xffff;
	v7 =	vsel vm2, v12, v7  }
0x145: {  	s30 =	simm.s32 $0x8;
	v12 =	vld.idx.msk [tilespmem:v9+s23+$0x0], $0xffff;
	vm1 =	vne.s32 v15, v8;
	v20 =	vmax.f32 v7, v14  }
0x146: {  	v23 =	vadd.s32 s30, v1;
	v21 =	vld.idx.msk [tilespmem:v9+s25+$0x0], $0xffff;
	v24 =	vsel vm1, v14, v20  }
0x147: {  	s6 =	simm.s32 $0x9;
	v14 =	vld.idx.msk [tilespmem:v19+s23+$0x0], $0xffff;
	vm15 =	vne.s32 v18, v15;
	v9 =	vmax.f32 v24, v16  }
0x148: {  	v26 =	vsel vm0, v11, v2;
	v19 =	vld.idx.msk [tilespmem:v19+s25+$0x0], $0xffff;
	v20 =	vadd.s32 s6, v1;
	v16 =	vsel vm15, v16, v9  }
0x149: {  	s11 =	simm.s32 $0xB;
	s29 =	simm.s32 $0xE;
	vm11 =	vmmov vm2;
	v25 =	vld.idx.msk [tilespmem:v17+s23+$0x0], $0xffff;
	vm3 =	vne.s32 v13, v18;
	v11 =	vmax.f32 v16, v10  }
0x14a: {  	v30 =	vadd.s32 s11, v1;
	v63 =	vadd.s32 s29, v1;
	v17 =	vld.idx.msk [tilespmem:v17+s25+$0x0], $0xffff;
	v28 =	vsel vm3, v10, v11  }
0x14b: {  	v9 =	vsel vm2, v8, v26;
	v8 =	vld.idx.msk [tilespmem:v23+s23+$0x0], $0xffff;
	vm4 =	vne.s32 v21, v13;
	v10 =	vmax.f32 v28, v12  }
0x14c: {  	[tilespmem:v2+s3+$0x0] =	vst.idx.msk vm0, v6;
	v29 =	vsel vm1, v15, v9;
	v11 =	vld.idx.msk [tilespmem:v23+s25+$0x0], $0xffff;
	v31 =	vsel vm4, v12, v10  }
0x14d: {  	s13 =	simm.s32 $0xC;
	v18 =	vsel vm15, v18, v29;
	v32 =	vld.idx.msk [tilespmem:v20+s23+$0x0], $0xffff;
	vm5 =	vne.s32 v19, v21;
	v10 =	vmax.f32 v31, v14  }
0x14e: {  	v33 =	vsel vm3, v13, v18;
	v13 =	vld.idx.msk [tilespmem:v20+s25+$0x0], $0xffff;
	v20 =	vadd.s32 s13, v1;
	v35 =	vsel vm5, v14, v10  }
0x14f: {  	s28 =	simm.s32 $0xD;
	[tilespmem:v26+s3+$0x0] =	vst.idx.msk vm11, v22;
	v22 =	vld.idx.msk [tilespmem:v63+s25+$0x0], $0xffff;
	vm10 =	vne.s32 v17, v19;
	v10 =	vmax.f32 v35, v25  }
0x150: {  	v15 =	vld.idx.msk [tilespmem:v27+s25+$0x0], $0xffff;
	v27 =	vadd.s32 s28, v1;
	v34 =	vsel vm4, v21, v33;
	v12 =	vsel vm10, v25, v10  }
0x151: {  	v23 =	vld.idx.msk [tilespmem:v30+s23+$0x0], $0xffff;
	v19 =	vsel vm5, v19, v34;
	vm2 =	vne.s32 v11, v17;
	v10 =	vmax.f32 v12, v8  }
0x152: {  	s30 =	simm.s32 $0xF;
	[tilespmem:v18+s3+$0x0] =	vst.idx.msk vm3, v16;
	v16 =	vld.idx.msk [tilespmem:v30+s25+$0x0], $0xffff;
	vm3 =	vmmov vm1;
	v10 =	vsel vm2, v8, v10  }
0x153: {  	v21 =	vld.idx.msk [tilespmem:v20+s23+$0x0], $0xffff;
	vm0 =	vne.s32 v13, v11;
	v25 =	vadd.s32 s30, v1;
	v6 =	vmax.f32 v10, v32  }
0x154: {  	v14 =	vsel vm10, v17, v19;
	[tilespmem:v29+s3+$0x0] =	vst.idx.msk vm15, v24;
	v17 =	vld.idx.msk [tilespmem:v20+s25+$0x0], $0xffff;
	v8 =	vsel vm0, v32, v6  }
0x155: {  	s0 =	simm.s32 $0x10;
	v18 =	vld.idx.msk [tilespmem:v27+s25+$0x0], $0xffff;
	[tilespmem:v33+s3+$0x0] =	vst.idx.msk vm4, v28;
	vm1 =	vne.s32 v15, v13;
	v6 =	vmax.f32 v8, v36  }
0x156: {  	v24 =	vadd.s32 s0, v1;
	v20 =	vld.idx.msk [tilespmem:v27+s23+$0x0], $0xffff;
	[tilespmem:v34+s3+$0x0] =	vst.idx.msk vm5, v31;
	v6 =	vsel vm1, v36, v6  }
0x157: {  	s9 =	simm.s32 $0x11;
	s6 =	simm.s32 $0x18;
	[tilespmem:v19+s3+$0x0] =	vst.idx.msk vm10, v35;
	v19 =	vld.idx.msk [tilespmem:v63+s23+$0x0], $0xffff;
	vm15 =	vne.s32 v16, v15;
	v26 =	vmax.f32 v6, v23  }
.LBB2_8:
0x158: {  	p0 =	slt.u32 s6, $0x3E8;
	v27 =	vadd.s32 s9, v1;
	v26 =	vsel vm15, v23, v26;
	v23 =	vld.idx.msk [tilespmem:v25+s23+$0x0], $0xffff;
	[tilespmem:v9+s3+$0x0] =	vst.idx.msk vm3, v7;
	v28 =	vmov v10  }
0x159: {  	s9 =	sadd.s32 $0x2, s0;
	v29 =	vsel vm2, v11, v14;
	vm3 =	vne.s32 v17, v16;
	v7 =	vmax.f32 v26, v21;
	v10 =	vld.idx.msk [tilespmem:v25+s25+$0x0], $0xffff  }
0x15a: {  	v25 =	vadd.s32 s9, v1;
	v9 =	vsel vm0, v13, v29;
	[tilespmem:v14+s3+$0x0] =	vst.idx.msk vm2, v12;
	v30 =	vsel vm3, v21, v7  }
0x15b: {  	s9 =	sadd.s32 $0x3, s0;
	v31 =	vsel vm1, v15, v9;
	vm4 =	vne.s32 v18, v17;
	v21 =	vld.idx.msk [tilespmem:v24+s23+$0x0], $0xffff;
	v12 =	vmax.f32 v30, v20  }
0x15c: {  	v16 =	vsel vm15, v16, v31;
	v11 =	vld.idx.msk [tilespmem:v24+s25+$0x0], $0xffff;
	v24 =	vadd.s32 s9, v1;
	v20 =	vsel vm4, v20, v12;
	v7 =	vmovc v8  }
0x15d: {  	s9 =	sadd.s32 $0x4, s0;
	v32 =	vsel vm3, v17, v16;
	vm6 =	vne.s32 v22, v18;
	v8 =	vld.idx.msk [tilespmem:v27+s23+$0x0], $0xffff;
	v12 =	vmax.f32 v20, v19  }
0x15e: {  	v17 =	vadd.s32 s9, v1;
	v18 =	vsel vm4, v18, v32;
	v13 =	vld.idx.msk [tilespmem:v27+s25+$0x0], $0xffff;
	v19 =	vsel vm6, v19, v12  }
0x15f: {  	s9 =	sadd.s32 $0x5, s0;
	v33 =	vsel vm6, v22, v18;
	vm7 =	vne.s32 v10, v22;
	v27 =	vld.idx.msk [tilespmem:v25+s23+$0x0], $0xffff;
	v12 =	vmax.f32 v19, v23  }
0x160: {  	v22 =	vadd.s32 s9, v1;
	v14 =	vsel vm7, v10, v33;
	v15 =	vld.idx.msk [tilespmem:v25+s25+$0x0], $0xffff;
	v12 =	vsel vm7, v23, v12  }
0x161: {  	vm5 =	vmmov vm0;
	s9 =	sadd.s32 $0x6, s0;
	v23 =	vld.idx.msk [tilespmem:v24+s23+$0x0], $0xffff;
	[tilespmem:v16+s3+$0x0] =	vst.idx.msk vm3, v26;
	vm3 =	vmmov vm1  }
0x162: {  	v34 =	vadd.s32 s9, v1;
	vm2 =	vne.s32 v11, v10;
	v10 =	vmax.f32 v12, v21;
	v16 =	vld.idx.msk [tilespmem:v24+s25+$0x0], $0xffff  }
0x163: {  	s9 =	sadd.s32 $0x7, s0;
	s0 =	smov.u32 s6;
	v10 =	vsel vm2, v21, v10;
	v21 =	vld.idx.msk [tilespmem:v17+s23+$0x0], $0xffff;
	[tilespmem:v18+s3+$0x0] =	vst.idx.msk vm6, v20  }
.Ltmp3:
0x164: {  	v25 =	vadd.s32 s9, v1;
	vm0 =	vne.s32 v13, v11;
	v18 =	vmax.f32 v10, v8;
	v17 =	vld.idx.msk [tilespmem:v17+s25+$0x0], $0xffff;
	(pc) =	sbr.rel @p0 .LBB2_8-.Ltmp3, $4  }
0x165: {  	v8 =	vsel vm0, v8, v18;
	v20 =	vld.idx.msk [tilespmem:v22+s23+$0x0], $0xffff;
	[tilespmem:v33+s3+$0x0] =	vst.idx.msk vm7, v19  }
0x166: {  	vm1 =	vne.s32 v15, v13;
	v26 =	vmax.f32 v8, v27;
	v18 =	vld.idx.msk [tilespmem:v22+s25+$0x0], $0xffff;
	[tilespmem:v32+s3+$0x0] =	vst.idx.msk vm4, v30  }
0x167: {  	v24 =	vadd.s32 s6, v1;
	v19 =	vld.idx.msk [tilespmem:v34+s23+$0x0], $0xffff;
	[tilespmem:v31+s3+$0x0] =	vst.idx.msk vm15, v6;
	v6 =	vsel vm1, v27, v26  }
0x168: {  	s9 =	sadd.s32 $0x1, s0;
	s6 =	sadd.s32 $0x8, s6;
	vm15 =	vne.s32 v16, v15;
	v26 =	vmax.f32 v6, v23;
	v22 =	vld.idx.msk [tilespmem:v34+s25+$0x0], $0xffff;
	[tilespmem:v29+s3+$0x0] =	vst.idx.msk vm5, v28  }
0x169: {  	_ =	sdelay $0x3  }
0x16a: {  	v27 =	vadd.s32 s9, v1;
	v23 =	vsel vm15, v23, v26;
	v49 =	vld.idx.msk [tilespmem:v25+s23+$0x0], $0xffff  }
0x16b: {  	s6 =	sadd.s32 $0x2, s0;
	[tilespmem:v9+s3+$0x0] =	vst.idx.msk vm3, v7;
	v7 =	vsel vm2, v11, v14;
	vm4 =	vne.s32 v17, v16;
	vm7 =	vmmov vm0  }
0x16c: {  	v9 =	vld.idx.msk [tilespmem:v25+s25+$0x0], $0xffff;
	s9 =	sadd.s32 $0x3, s0;
	s11 =	sadd.s32 $0x4, s0;
	s13 =	sadd.s32 $0x5, s0;
	v11 =	vadd.s32 s6, v1;
	v50 =	vmax.f32 v23, v21;
	v13 =	vsel vm0, v13, v7  }
0x16d: {  	v28 =	vld.idx.msk [tilespmem:v24+s23+$0x0], $0xffff;
	v52 =	vadd.s32 s9, v1;
	v53 =	vadd.s32 s11, v1;
	v54 =	vadd.s32 s13, v1  }
0x16e: {  	v51 =	vld.idx.msk [tilespmem:v24+s25+$0x0], $0xffff;
	v21 =	vsel vm4, v21, v50;
	v15 =	vsel vm1, v15, v13;
	vm3 =	vne.s32 v18, v17  }
0x16f: {  	s28 =	sadd.s32 $0x6, s0;
	s29 =	sadd.s32 $0x7, s0;
	vm1 =	vmmov vm1;
	v29 =	vmax.f32 v21, v20;
	v16 =	vsel vm15, v16, v15;
	v30 =	vld.idx.msk [tilespmem:v27+s23+$0x0], $0xffff  }
0x170: {  	[tilespmem:v14+s3+$0x0] =	vst.idx.msk vm2, v12;
	v35 =	vadd.s32 s28, v1;
	v55 =	vadd.s32 s29, v1;
	v20 =	vsel vm3, v20, v29;
	v27 =	vld.idx.msk [tilespmem:v27+s25+$0x0], $0xffff  }
0x171: {  	v17 =	vsel vm4, v17, v16;
	vm5 =	vne.s32 v22, v18;
	v31 =	vmax.f32 v20, v19;
	v32 =	vld.idx.msk [tilespmem:v11+s23+$0x0], $0xffff  }
0x172: {  	v18 =	vsel vm3, v18, v17;
	vm6 =	vne.s32 v9, v22;
	v11 =	vld.idx.msk [tilespmem:v11+s25+$0x0], $0xffff;
	[tilespmem:v7+s3+$0x0] =	vst.idx.msk vm7, v10  }
0x173: {  	v19 =	vsel vm5, v19, v31;
	v22 =	vsel vm5, v22, v18;
	v34 =	vld.idx.msk [tilespmem:v52+s23+$0x0], $0xffff;
	[tilespmem:v15+s3+$0x0] =	vst.idx.msk vm15, v6  }
0x174: {  	vm2 =	vne.s32 v51, v9;
	v14 =	vld.idx.msk [tilespmem:v52+s25+$0x0], $0xffff;
	v33 =	vmax.f32 v19, v49;
	[tilespmem:v16+s3+$0x0] =	vst.idx.msk vm4, v23  }
0x175: {  	v56 =	vld.idx.msk [tilespmem:v53+s25+$0x0], $0xffff;
	v9 =	vsel vm6, v9, v22;
	v12 =	vsel vm6, v49, v33;
	[tilespmem:v13+s3+$0x0] =	vst.idx.msk vm1, v8  }
0x176: {  	v23 =	vld.idx.msk [tilespmem:v53+s23+$0x0], $0xffff;
	v16 =	vmax.f32 v12, v28;
	[tilespmem:v17+s3+$0x0] =	vst.idx.msk vm3, v21;
	v17 =	vsel vm2, v51, v9  }
0x177: {  	v16 =	vsel vm2, v28, v16;
	[tilespmem:v18+s3+$0x0] =	vst.idx.msk vm5, v20;
	vm4 =	vne.s32 v27, v51;
	v20 =	vld.idx.msk [tilespmem:v54+s25+$0x0], $0xffff  }
0x178: {  	v18 =	vmax.f32 v16, v30;
	[tilespmem:v22+s3+$0x0] =	vst.idx.msk vm6, v19;
	vm5 =	vne.s32 v11, v27;
	v19 =	vld.idx.msk [tilespmem:v35+s25+$0x0], $0xffff  }
0x179: {  	v21 =	vld.idx.msk [tilespmem:v55+s25+$0x0], $0xffff;
	v6 =	vsel vm4, v27, v17;
	vm3 =	vne.s32 v14, v11;
	v18 =	vsel vm4, v30, v18  }
0x17a: {  	vm6 =	vne.s32 v56, v14;
	v11 =	vsel vm5, v11, v6;
	v22 =	vmax.f32 v18, v32  }
0x17b: {  	v15 =	vld.idx.msk [tilespmem:v54+s23+$0x0], $0xffff;
	[tilespmem:v9+s3+$0x0] =	vst.idx.msk vm2, v12;
	v14 =	vsel vm3, v14, v11;
	v22 =	vsel vm5, v32, v22  }
0x17c: {  	v26 =	vsel vm6, v56, v14;
	v57 =	vmax.f32 v22, v34;
	vm8 =	vne.s32 v20, v56  }
0x17d: {  	v58 =	vld.idx.msk [tilespmem:v35+s23+$0x0], $0xffff;
	v24 =	vsel vm3, v34, v57;
	vm15 =	vne.s32 v19, v20;
	v20 =	vsel vm8, v20, v26  }
0x17e: {  	vm0 =	vne.s32 v21, v19;
	[tilespmem:v17+s3+$0x0] =	vst.idx.msk vm4, v16;
	v59 =	vmax.f32 v24, v23  }
0x17f: {  	v10 =	vsel vm15, v19, v20;
	[tilespmem:v11+s3+$0x0] =	vst.idx.msk vm3, v22;
	v7 =	vsel vm6, v23, v59  }
0x180: {  	[tilespmem:v6+s3+$0x0] =	vst.idx.msk vm5, v18;
	v8 =	vmax.f32 v7, v15  }
0x181: {  	[tilespmem:v14+s3+$0x0] =	vst.idx.msk vm6, v24;
	v8 =	vsel vm8, v15, v8  }
0x182: {  	v9 =	vmax.f32 v8, v58;
	[tilespmem:v26+s3+$0x0] =	vst.idx.msk vm8, v7  }
0x183: {  	v9 =	vsel vm15, v58, v9;
	[tilespmem:v20+s3+$0x0] =	vst.idx.msk vm15, v8  }
0x184: {  	v12 =	vld.idx.msk [tilespmem:v55+s23+$0x0], $0xffff;
	[tilespmem:v10+s3+$0x0] =	vst.idx.msk vm0, v9  }
0x185: {  	v13 =	vld.idx.msk [tilespmem:v3+s25+$0x0], $0xffff;
	_ =	sdelay $0x3  }
0x186: {  	s30 =	simm.s32 $0x3F1;
	vm1 =	vmmov vm4  }
0x187: {  	vm2 =	vmmov vm5;
	v6 =	vadd.s32 s30, v1;
	vm1 =	vne.s32 v13, v21  }
0x188: {  	s6 =	simm.s32 $0x3F2;
	vm2 =	vlt.s32 v6, $0x3FFF;
	v7 =	vsel vm0, v21, v10  }
0x189: {  	v11 =	vnsel vm2, $0x3FFF, v6;
	v10 =	vadd.s32 s6, v1;
	v8 =	vld.idx.msk [tilespmem:v3+s23+$0x0], $0xffff  }
0x18a: {  	s9 =	simm.s32 $0x3F3;
	vm2 =	vlt.s32 v10, $0x3FFF  }
0x18b: {  	s11 =	simm.s32 $0x3F4;
	v14 =	vadd.s32 s9, v1;
	v9 =	vmax.f32 v9, v12;
	v15 =	vnsel vm2, $0x3FFF, v10  }
0x18c: {  	v9 =	vsel vm0, v12, v9;
	vm0 =	vlt.s32 v14, $0x3FFF;
	v12 =	vadd.s32 s11, v1  }
0x18d: {  	v17 =	vnsel vm0, $0x3FFF, v14;
	vm0 =	vlt.s32 v12, $0x3FFF;
	[tilespmem:v7+s3+$0x0] =	vst.idx.msk vm1, v9  }
0x18e: {  	s29 =	simm.s32 $0x3F5;
	s30 =	simm.s32 $0x3F8;
	v18 =	vnsel vm0, $0x3FFF, v12;
	v23 =	vsel vm1, v13, v7;
	v7 =	vmax.f32 v9, v8;
	v9 =	vld.idx.msk [tilespmem:v11+s25+$0x0], $0xffff  }
0x18f: {  	v16 =	vadd.s32 s29, v1;
	v61 =	vadd.s32 s30, v1;
	vm4 =	vlt.u32 v14, v4;
	v19 =	vld.idx.msk [tilespmem:v11+s23+$0x0], $0xffff  }
0x190: {  	s13 =	simm.s32 $0x3F6;
	s28 =	simm.s32 $0x3F7;
	vm15 =	vlt.u32 v61, v4;
	v60 =	vsel vm1, v8, v7;
	vm1 =	vlt.u32 v10, v4;
	v10 =	vld.idx.msk [tilespmem:v15+s25+$0x0], $0xffff  }
0x191: {  	vm0 =	vlt.u32 v6, v4;
	v6 =	vadd.s32 s28, v1;
	v8 =	vadd.s32 s13, v1;
	v21 =	vld.idx.msk [tilespmem:v15+s23+$0x0], $0xffff  }
0x192: {  	vm3 =	vlt.u32 v12, v4;
	vm5 =	vlt.s32 v6, $0x3FFF;
	v12 =	vld.idx.msk [tilespmem:v17+s25+$0x0], $0xffff;
	vm2 =	vlt.s32 v8, $0x3FFF  }
0x193: {  	v7 =	vnsel vm5, $0x3FFF, v6;
	v15 =	vld.idx.msk [tilespmem:v18+s25+$0x0], $0xffff;
	v11 =	vnsel vm2, $0x3FFF, v8;
	vm2 =	vlt.s32 v16, $0x3FFF  }
0x194: {  	v62 =	vnsel vm2, $0x3FFF, v16;
	v9 =	vsel vm0, v9, v13;
	v14 =	vmax.f32 v60, v19  }
0x195: {  	vm5 =	vlt.s32 v61, $0x3FFF;
	v20 =	vld.idx.msk [tilespmem:v17+s23+$0x0], $0xffff;
	vm6 =	vne.s32 v9, v13;
	v14 =	vsel vm0, v14, v60  }
0x196: {  	v10 =	vsel vm1, v10, v9;
	v13 =	vsel vm6, v9, v23;
	v14 =	vsel vm6, v19, v14  }
0x197: {  	vm2 =	vne.s32 v10, v9;
	v9 =	vsel vm4, v12, v10;
	v17 =	vmax.f32 v14, v21  }
0x198: {  	v19 =	vld.idx.msk [tilespmem:v18+s23+$0x0], $0xffff;
	v12 =	vsel vm2, v10, v13;
	v15 =	vsel vm3, v15, v9;
	v17 =	vsel vm1, v17, v14  }
0x199: {  	v22 =	vld.idx.msk [tilespmem:v62+s25+$0x0], $0xffff;
	vm1 =	vne.s32 v9, v10;
	vm0 =	vne.s32 v15, v9;
	v18 =	vsel vm2, v21, v17  }
0x19a: {  	v21 =	vsel vm1, v9, v12;
	v9 =	vnsel vm5, $0x3FFF, v61;
	v17 =	vld.idx.msk [tilespmem:v62+s23+$0x0], $0xffff;
	v63 =	vmax.f32 v18, v20  }
0x19b: {  	s6 =	simm.s32 $0x3F9;
	vm5 =	vmmov vm3;
	v10 =	vsel vm0, v15, v21;
	[tilespmem:v23+s3+$0x0] =	vst.idx.msk vm6, v60;
	v23 =	vsel vm4, v63, v18  }
.LBB2_10:
0x19c: {  	s9 =	sadd.s32 $0x1, s6  }
0x19d: {  	s11 =	sadd.s32 $0x2, s6;
	vm6 =	vlt.u32 v16, v4;
	vm4 =	vlt.u32 v8, v4;
	v24 =	vld.idx.msk [tilespmem:v11+s23+$0x0], $0xffff;
	vm3 =	vlt.u32 v6, v4;
	s13 =	smov.u32 s6;
	s0 =	sadd.s32 $0x4, s6  }
0x19e: {  	p0 =	slt.u32 s6, $0x3FD;
	v8 =	vadd.s32 s9, v1;
	v6 =	vadd.s32 s11, v1;
	s9 =	sadd.s32 $0x3, s13;
	v25 =	vld.idx.msk [tilespmem:v11+s25+$0x0], $0xffff;
	[tilespmem:v13+s3+$0x0] =	vst.idx.msk vm2, v14;
	v13 =	vsel vm1, v20, v23  }
0x19f: {  	vm2 =	vlt.s32 v8, $0x3FFF;
	vm7 =	vlt.s32 v6, $0x3FFF;
	v23 =	vld.idx.msk [tilespmem:v7+s25+$0x0], $0xffff;
	[tilespmem:v21+s3+$0x0] =	vst.idx.msk vm0, v13;
	v14 =	vmax.f32 v13, v19  }
0x1a0: {  	v26 =	vadd.s32 s9, v1;
	v11 =	vnsel vm2, $0x3FFF, v8;
	v21 =	vnsel vm7, $0x3FFF, v6;
	v27 =	vld.idx.msk [tilespmem:v9+s25+$0x0], $0xffff;
	[tilespmem:v12+s3+$0x0] =	vst.idx.msk vm1, v18  }
0x1a1: {  	v16 =	vadd.s32 s13, v1;
	vm7 =	vlt.s32 v26, $0x3FFF;
	v12 =	vsel vm5, v14, v13  }
0x1a2: {  	vm1 =	vlt.s32 v16, $0x3FFF;
	v18 =	vsel vm6, v22, v15;
	v28 =	vsel vm0, v19, v12  }
0x1a3: {  	v29 =	vnsel vm1, $0x3FFF, v16;
	vm5 =	vne.s32 v18, v15;
	v12 =	vmax.f32 v28, v17;
	v20 =	vld.idx.msk [tilespmem:v7+s23+$0x0], $0xffff;
	v7 =	vmovc v21  }
0x1a4: {  	v13 =	vsel vm5, v18, v10;
	v12 =	vsel vm6, v12, v28;
	v19 =	vsel vm4, v25, v18  }
0x1a5: {  	v14 =	vsel vm5, v17, v12;
	vm2 =	vne.s32 v19, v18;
	v17 =	vsel vm3, v23, v19  }
.Ltmp4:
0x1a6: {  	v12 =	vsel vm2, v19, v13;
	v18 =	vmax.f32 v14, v24;
	v15 =	vsel vm15, v27, v17;
	(pc) =	sbr.rel @p0 .LBB2_10-.Ltmp4, $4  }
0x1a7: {  	vm1 =	vne.s32 v17, v19;
	v18 =	vsel vm4, v18, v14;
	vm0 =	vne.s32 v15, v17;
	v19 =	vld.idx.msk [tilespmem:v9+s23+$0x0], $0xffff  }
0x1a8: {  	v21 =	vsel vm1, v17, v12;
	v9 =	vnsel vm7, $0x3FFF, v26;
	v18 =	vsel vm2, v24, v18;
	v22 =	vld.idx.msk [tilespmem:v29+s25+$0x0], $0xffff  }
0x1a9: {  	v23 =	vmax.f32 v18, v20;
	v17 =	vld.idx.msk [tilespmem:v29+s23+$0x0], $0xffff;
	[tilespmem:v10+s3+$0x0] =	vst.idx.msk vm5, v28;
	v10 =	vsel vm0, v15, v21  }
0x1aa: {  	s6 =	smov.u32 s0;
	v23 =	vsel vm3, v23, v18;
	vm5 =	vmmov vm15;
	vm15 =	vlt.u32 v26, v4  }
0x1ab: {  	_ =	sdelay $0x3  }
0x1ac: {  	v24 =	vld.idx.msk [tilespmem:v11+s25+$0x0], $0xffff  }
0x1ad: {  	v20 =	vsel vm1, v20, v23;
	v23 =	vld.idx.msk [tilespmem:v7+s25+$0x0], $0xffff  }
0x1ae: {  	vm3 =	vlt.u32 v16, v4;
	v25 =	vld.idx.msk [tilespmem:v9+s25+$0x0], $0xffff;
	vm4 =	vlt.u32 v8, v4;
	v16 =	vmax.f32 v20, v19  }
0x1af: {  	v8 =	vld.idx.msk [tilespmem:v11+s23+$0x0], $0xffff;
	[tilespmem:v13+s3+$0x0] =	vst.idx.msk vm2, v14;
	v11 =	vsel vm5, v16, v20;
	v16 =	vsel vm3, v22, v15  }
0x1b0: {  	vm5 =	vlt.u32 v6, v4;
	v6 =	vsel vm0, v19, v11;
	vm6 =	vne.s32 v16, v15  }
0x1b1: {  	v11 =	vmax.f32 v6, v17;
	v15 =	vsel vm6, v16, v10;
	v19 =	vsel vm4, v24, v16  }
0x1b2: {  	v7 =	vld.idx.msk [tilespmem:v7+s23+$0x0], $0xffff;
	v11 =	vsel vm3, v11, v6;
	vm7 =	vne.s32 v19, v16;
	v16 =	vsel vm5, v23, v19  }
0x1b3: {  	v11 =	vsel vm6, v17, v11;
	v22 =	vsel vm15, v25, v16;
	vm8 =	vne.s32 v16, v19  }
0x1b4: {  	v17 =	vsel vm7, v19, v15;
	v23 =	vmax.f32 v11, v8;
	vm3 =	vne.s32 v22, v16  }
0x1b5: {  	[tilespmem:v12+s3+$0x0] =	vst.idx.msk vm1, v18;
	v13 =	vsel vm4, v23, v11;
	v14 =	vsel vm8, v16, v17  }
0x1b6: {  	[tilespmem:v21+s3+$0x0] =	vst.idx.msk vm0, v20;
	v8 =	vsel vm7, v8, v13  }
0x1b7: {  	[tilespmem:v10+s3+$0x0] =	vst.idx.msk vm6, v6;
	v12 =	vmax.f32 v8, v7  }
0x1b8: {  	v6 =	vsel vm5, v12, v8;
	[tilespmem:v15+s3+$0x0] =	vst.idx.msk vm7, v11  }
0x1b9: {  	v6 =	vsel vm8, v7, v6;
	[tilespmem:v17+s3+$0x0] =	vst.idx.msk vm8, v8  }
0x1ba: {  	v9 =	vld.idx.msk [tilespmem:v9+s23+$0x0], $0xffff;
	s0 =	simm.s32 $0x0;
	[tilespmem:v14+s3+$0x0] =	vst.idx.msk vm3, v6  }
0x1bb: {  	v7 =	vld.idx.msk [tilespmem:v2+s0+$0x0], $0xffff  }
0x1bc: {  	v8 =	vld.idx.msk [tilespmem:v5+s0+$0x0], $0xffff;
	_ =	sdelay $0x4  }
0x1bd: {  	v8 =	vmax.f32 v8, v7  }
0x1be: {  	[tilespmem:v5+s0+$0x0] =	vst.idx.msk $0x1, v8  }
0x1bf: {  	vm1 =	vcmask $0x704;
	v8 =	vld.idx.msk [tilespmem:v5+s0+$0x0], $0xffff;
	_ =	sdelay $0x4  }
0x1c0: {  	v8 =	vmax.f32 v8, v7  }
0x1c1: {  	[tilespmem:v5+s0+$0x0] =	vst.idx.msk vm1, v8  }
0x1c2: {  	vm2 =	vcmask $0xB08;
	v8 =	vld.idx.msk [tilespmem:v5+s0+$0x0], $0xffff;
	_ =	sdelay $0x4  }
0x1c3: {  	v8 =	vmax.f32 v8, v7  }
0x1c4: {  	[tilespmem:v5+s0+$0x0] =	vst.idx.msk vm2, v8  }
0x1c5: {  	vm4 =	vcmask $0xF0C;
	v8 =	vld.idx.msk [tilespmem:v5+s0+$0x0], $0xffff;
	_ =	sdelay $0x4  }
0x1c6: {  	v8 =	vmax.f32 v8, v7  }
0x1c7: {  	[tilespmem:v5+s0+$0x0] =	vst.idx.msk vm4, v8  }
0x1c8: {  	vm5 =	vcmask $0x1310;
	v8 =	vld.idx.msk [tilespmem:v5+s0+$0x0], $0xffff;
	_ =	sdelay $0x4  }
0x1c9: {  	v8 =	vmax.f32 v8, v7  }
0x1ca: {  	[tilespmem:v5+s0+$0x0] =	vst.idx.msk vm5, v8  }
0x1cb: {  	vm6 =	vcmask $0x1714;
	v8 =	vld.idx.msk [tilespmem:v5+s0+$0x0], $0xffff;
	_ =	sdelay $0x4  }
0x1cc: {  	v8 =	vmax.f32 v8, v7  }
0x1cd: {  	[tilespmem:v5+s0+$0x0] =	vst.idx.msk vm6, v8  }
0x1ce: {  	vm7 =	vcmask $0x1B18;
	v8 =	vld.idx.msk [tilespmem:v5+s0+$0x0], $0xffff;
	_ =	sdelay $0x4  }
0x1cf: {  	v8 =	vmax.f32 v8, v7  }
0x1d0: {  	[tilespmem:v5+s0+$0x0] =	vst.idx.msk vm7, v8  }
0x1d1: {  	vm8 =	vcmask $0x1F1C;
	v8 =	vld.idx.msk [tilespmem:v5+s0+$0x0], $0xffff;
	_ =	sdelay $0x4  }
0x1d2: {  	v8 =	vmax.f32 v8, v7  }
0x1d3: {  	[tilespmem:v5+s0+$0x0] =	vst.idx.msk vm8, v8  }
0x1d4: {  	vm9 =	vcmask $0x2320;
	v8 =	vld.idx.msk [tilespmem:v5+s0+$0x0], $0xffff;
	_ =	sdelay $0x4  }
0x1d5: {  	v8 =	vmax.f32 v8, v7  }
0x1d6: {  	[tilespmem:v5+s0+$0x0] =	vst.idx.msk vm9, v8  }
0x1d7: {  	vm10 =	vcmask $0x2724;
	v8 =	vld.idx.msk [tilespmem:v5+s0+$0x0], $0xffff;
	_ =	sdelay $0x4  }
0x1d8: {  	v8 =	vmax.f32 v8, v7  }
0x1d9: {  	[tilespmem:v5+s0+$0x0] =	vst.idx.msk vm10, v8  }
0x1da: {  	vm11 =	vcmask $0x2B28;
	v8 =	vld.idx.msk [tilespmem:v5+s0+$0x0], $0xffff;
	_ =	sdelay $0x4  }
0x1db: {  	v8 =	vmax.f32 v8, v7  }
0x1dc: {  	[tilespmem:v5+s0+$0x0] =	vst.idx.msk vm11, v8  }
0x1dd: {  	vm14 =	vcmask $0x2F2C;
	v8 =	vld.idx.msk [tilespmem:v5+s0+$0x0], $0xffff;
	_ =	sdelay $0x4  }
0x1de: {  	v8 =	vmax.f32 v8, v7  }
0x1df: {  	[tilespmem:v5+s0+$0x0] =	vst.idx.msk vm14, v8  }
0x1e0: {  	vm12 =	vcmask $0x3330;
	v8 =	vld.idx.msk [tilespmem:v5+s0+$0x0], $0xffff;
	_ =	sdelay $0x4  }
0x1e1: {  	v8 =	vmax.f32 v8, v7  }
0x1e2: {  	[tilespmem:v5+s0+$0x0] =	vst.idx.msk vm12, v8  }
0x1e3: {  	vm13 =	vcmask $0x3734;
	v8 =	vld.idx.msk [tilespmem:v5+s0+$0x0], $0xffff;
	_ =	sdelay $0x4  }
0x1e4: {  	v8 =	vmax.f32 v8, v7  }
0x1e5: {  	[tilespmem:v5+s0+$0x0] =	vst.idx.msk vm13, v8  }
0x1e6: {  	vm0 =	vcmask $0x3B38;
	v8 =	vld.idx.msk [tilespmem:v5+s0+$0x0], $0xffff;
	_ =	sdelay $0x4  }
0x1e7: {  	v8 =	vmax.f32 v8, v7  }
0x1e8: {  	[tilespmem:v5+s0+$0x0] =	vst.idx.msk vm0, v8  }
0x1e9: {  	vm0 =	vcmask $0x3F3C;
	v8 =	vld.idx.msk [tilespmem:v5+s0+$0x0], $0xffff;
	_ =	sdelay $0x4  }
0x1ea: {  	v7 =	vmax.f32 v8, v7  }
0x1eb: {  	[tilespmem:v5+s0+$0x0] =	vst.idx.msk vm0, v7  }
0x1ec: {  	v5 =	vld.idx.msk [tilespmem:v22+s0+$0x0], $0xffff;
	_ =	sdelay $0x1  }
0x1ed: {  	vm0 =	vmmov vm15;
	v7 =	vmax.f32 v6, v9  }
0x1ee: {  	v6 =	vsel vm0, v7, v6  }
0x1ef: {  	v6 =	vsel vm3, v9, v6  }
0x1f0: {  	v5 =	vmax.f32 v5, v6  }
0x1f1: {  	[tilespmem:v22+s0+$0x0] =	vst.idx.msk $0x1, v5  }
0x1f2: {  	v5 =	vld.idx.msk [tilespmem:v22+s0+$0x0], $0xffff;
	_ =	sdelay $0x4  }
0x1f3: {  	v5 =	vmax.f32 v5, v6  }
0x1f4: {  	[tilespmem:v22+s0+$0x0] =	vst.idx.msk vm1, v5  }
0x1f5: {  	v5 =	vld.idx.msk [tilespmem:v22+s0+$0x0], $0xffff;
	_ =	sdelay $0x4  }
0x1f6: {  	v5 =	vmax.f32 v5, v6  }
0x1f7: {  	[tilespmem:v22+s0+$0x0] =	vst.idx.msk vm2, v5  }
0x1f8: {  	v5 =	vld.idx.msk [tilespmem:v22+s0+$0x0], $0xffff;
	_ =	sdelay $0x4  }
0x1f9: {  	v5 =	vmax.f32 v5, v6  }
0x1fa: {  	[tilespmem:v22+s0+$0x0] =	vst.idx.msk vm4, v5  }
0x1fb: {  	v5 =	vld.idx.msk [tilespmem:v22+s0+$0x0], $0xffff;
	_ =	sdelay $0x4  }
0x1fc: {  	v5 =	vmax.f32 v5, v6  }
0x1fd: {  	[tilespmem:v22+s0+$0x0] =	vst.idx.msk vm5, v5  }
0x1fe: {  	v5 =	vld.idx.msk [tilespmem:v22+s0+$0x0], $0xffff;
	_ =	sdelay $0x4  }
0x1ff: {  	v5 =	vmax.f32 v5, v6  }
0x200: {  	[tilespmem:v22+s0+$0x0] =	vst.idx.msk vm6, v5  }
0x201: {  	v5 =	vld.idx.msk [tilespmem:v22+s0+$0x0], $0xffff;
	_ =	sdelay $0x4  }
0x202: {  	v5 =	vmax.f32 v5, v6  }
0x203: {  	[tilespmem:v22+s0+$0x0] =	vst.idx.msk vm7, v5  }
0x204: {  	v5 =	vld.idx.msk [tilespmem:v22+s0+$0x0], $0xffff;
	_ =	sdelay $0x4  }
0x205: {  	v5 =	vmax.f32 v5, v6  }
0x206: {  	[tilespmem:v22+s0+$0x0] =	vst.idx.msk vm8, v5  }
0x207: {  	v5 =	vld.idx.msk [tilespmem:v22+s0+$0x0], $0xffff;
	_ =	sdelay $0x4  }
0x208: {  	v5 =	vmax.f32 v5, v6  }
0x209: {  	[tilespmem:v22+s0+$0x0] =	vst.idx.msk vm9, v5  }
0x20a: {  	v5 =	vld.idx.msk [tilespmem:v22+s0+$0x0], $0xffff;
	_ =	sdelay $0x4  }
0x20b: {  	v5 =	vmax.f32 v5, v6  }
0x20c: {  	[tilespmem:v22+s0+$0x0] =	vst.idx.msk vm10, v5  }
0x20d: {  	v5 =	vld.idx.msk [tilespmem:v22+s0+$0x0], $0xffff;
	_ =	sdelay $0x4  }
0x20e: {  	v5 =	vmax.f32 v5, v6  }
0x20f: {  	[tilespmem:v22+s0+$0x0] =	vst.idx.msk vm11, v5  }
0x210: {  	v5 =	vld.idx.msk [tilespmem:v22+s0+$0x0], $0xffff;
	_ =	sdelay $0x4  }
0x211: {  	v5 =	vmax.f32 v5, v6  }
0x212: {  	[tilespmem:v22+s0+$0x0] =	vst.idx.msk vm14, v5  }
0x213: {  	v5 =	vld.idx.msk [tilespmem:v22+s0+$0x0], $0xffff;
	_ =	sdelay $0x4  }
0x214: {  	v5 =	vmax.f32 v5, v6  }
0x215: {  	[tilespmem:v22+s0+$0x0] =	vst.idx.msk vm12, v5  }
0x216: {  	v5 =	vld.idx.msk [tilespmem:v22+s0+$0x0], $0xffff;
	_ =	sdelay $0x4  }
0x217: {  	v5 =	vmax.f32 v5, v6  }
0x218: {  	[tilespmem:v22+s0+$0x0] =	vst.idx.msk vm13, v5  }
0x219: {  	vm0 =	vcmask $0x3B38;
	v5 =	vld.idx.msk [tilespmem:v22+s0+$0x0], $0xffff;
	_ =	sdelay $0x4  }
0x21a: {  	v5 =	vmax.f32 v5, v6  }
0x21b: {  	[tilespmem:v22+s0+$0x0] =	vst.idx.msk vm0, v5  }
0x21c: {  	vm0 =	vcmask $0x3F3C;
	v5 =	vld.idx.msk [tilespmem:v22+s0+$0x0], $0xffff;
	_ =	sdelay $0x4  }
0x21d: {  	v5 =	vmax.f32 v5, v6  }
0x21e: {  	v6 =	vimm.f32 $-Inf;
	[tilespmem:v22+s0+$0x0] =	vst.idx.msk vm0, v5  }
0x21f: {  	[tilespmem:$0x4000] =	vst v6  }
0x220: {  	_ =	swait.ge [sflag:s22], $0x800  }
0x221: {  	[sflag:s22] =	ssyncset.done $0x0  }
0x222: {  	[sflag:s22] =	ssyncadd.s32 $0xFFFFF800  }
0x223: {  	_ =	swait.ge [sflag:s22], $0x800  }
0x224: {  	[sflag:s22] =	ssyncset.done $0x0  }
0x225: {  	[sflag:s22] =	ssyncadd.s32 $0xFFFFF800  }
0x226: {  	[tilespmem:s23], [sflag:$0x4] =	stream.linear.gather [spmem:s4], $0x4000, $0x38;
	[tilespmem:$0x1C480] =	vst v63  }
0x227: {  	_ =	swait.ge [sflag:s24], $0x4000  }
0x228: {  	[sflag:s24] =	ssyncset.done $0x0  }
0x229: {  	[sflag:s24] =	ssyncadd.s32 $0xFFFFC000  }
0x22a: {  	v7 =	vadd.s32 s0, v1;
	[tilespmem:s25], [sflag:$0x4] =	stream.linear.gather [spmem:s8], $0x4000, $0x38;
	[tilespmem:$0x1C480] =	vst v63  }
0x22b: {  	s6 =	simm.s32 $0x1;
	_ =	swait.ge [sflag:s24], $0x4000  }
0x22c: {  	s9 =	simm.s32 $0x2;
	v8 =	vadd.s32 s6, v1;
	[sflag:s24] =	ssyncset.done $0x0  }
0x22d: {  	v9 =	vadd.s32 s9, v1;
	[sflag:s24] =	ssyncadd.s32 $0xFFFFC000  }
0x22e: {  	v5 =	vld.idx.msk [tilespmem:v1+s25+$0x0], $0xffff  }
0x22f: {  	v10 =	vld.idx.msk [tilespmem:v7+s23+$0x0], $0xffff  }
0x230: {  	s11 =	simm.s32 $0x3;
	v11 =	vld.idx.msk [tilespmem:v7+s25+$0x0], $0xffff  }
0x231: {  	v7 =	vadd.s32 s11, v1;
	v12 =	vld.idx.msk [tilespmem:v8+s23+$0x0], $0xffff  }
0x232: {  	s28 =	simm.s32 $0x5;
	v14 =	vld.idx.msk [tilespmem:v9+s23+$0x0], $0xffff  }
0x233: {  	s13 =	simm.s32 $0x4;
	v15 =	vld.idx.msk [tilespmem:v9+s25+$0x0], $0xffff;
	v9 =	vadd.s32 s28, v1  }
0x234: {  	v13 =	vadd.s32 s13, v1;
	v8 =	vld.idx.msk [tilespmem:v8+s25+$0x0], $0xffff  }
0x235: {  	s11 =	simm.s32 $0xA  }
0x236: {  	v27 =	vadd.s32 s11, v1;
	v16 =	vld.idx.msk [tilespmem:v7+s23+$0x0], $0xffff  }
0x237: {  	s29 =	simm.s32 $0x6;
	vm0 =	vne.s32 v11, v5;
	v17 =	vmax.f32 v6, v10;
	v18 =	vld.idx.msk [tilespmem:v7+s25+$0x0], $0xffff  }
0x238: {  	v19 =	vadd.s32 s29, v1;
	v21 =	vld.idx.msk [tilespmem:v9+s25+$0x0], $0xffff;
	v22 =	vsel vm0, v10, v17  }
0x239: {  	s30 =	simm.s32 $0x7;
	vm2 =	vne.s32 v8, v11;
	v10 =	vld.idx.msk [tilespmem:v13+s23+$0x0], $0xffff;
	v7 =	vmax.f32 v22, v12  }
0x23a: {  	v13 =	vld.idx.msk [tilespmem:v13+s25+$0x0], $0xffff;
	v17 =	vadd.s32 s30, v1;
	v7 =	vsel vm2, v12, v7  }
0x23b: {  	s6 =	simm.s32 $0x8;
	vm1 =	vne.s32 v15, v8;
	v36 =	vld.idx.msk [tilespmem:v27+s23+$0x0], $0xffff;
	v20 =	vmax.f32 v7, v14  }
0x23c: {  	v23 =	vadd.s32 s6, v1;
	v12 =	vld.idx.msk [tilespmem:v9+s23+$0x0], $0xffff;
	v24 =	vsel vm1, v14, v20  }
0x23d: {  	s9 =	simm.s32 $0x9;
	v14 =	vld.idx.msk [tilespmem:v19+s23+$0x0], $0xffff;
	vm15 =	vne.s32 v18, v15;
	v9 =	vmax.f32 v24, v16  }
0x23e: {  	v26 =	vsel vm0, v11, v2;
	v19 =	vld.idx.msk [tilespmem:v19+s25+$0x0], $0xffff;
	v20 =	vadd.s32 s9, v1;
	v16 =	vsel vm15, v16, v9  }
0x23f: {  	s13 =	simm.s32 $0xB;
	s30 =	simm.s32 $0xE;
	vm11 =	vmmov vm2;
	v25 =	vld.idx.msk [tilespmem:v17+s23+$0x0], $0xffff;
	vm3 =	vne.s32 v13, v18;
	v11 =	vmax.f32 v16, v10  }
0x240: {  	v30 =	vadd.s32 s13, v1;
	v63 =	vadd.s32 s30, v1;
	v17 =	vld.idx.msk [tilespmem:v17+s25+$0x0], $0xffff;
	v28 =	vsel vm3, v10, v11  }
0x241: {  	vm4 =	vne.s32 v21, v13;
	v9 =	vsel vm2, v8, v26;
	v8 =	vld.idx.msk [tilespmem:v23+s23+$0x0], $0xffff;
	v10 =	vmax.f32 v28, v12  }
0x242: {  	[tilespmem:v2+s3+$0x0] =	vst.idx.msk vm0, v6;
	v29 =	vsel vm1, v15, v9;
	v11 =	vld.idx.msk [tilespmem:v23+s25+$0x0], $0xffff;
	v31 =	vsel vm4, v12, v10  }
0x243: {  	s28 =	simm.s32 $0xC;
	v18 =	vsel vm15, v18, v29;
	v32 =	vld.idx.msk [tilespmem:v20+s23+$0x0], $0xffff;
	vm5 =	vne.s32 v19, v21;
	v10 =	vmax.f32 v31, v14  }
0x244: {  	v33 =	vsel vm3, v13, v18;
	v13 =	vld.idx.msk [tilespmem:v20+s25+$0x0], $0xffff;
	v20 =	vadd.s32 s28, v1;
	v35 =	vsel vm5, v14, v10  }
0x245: {  	s29 =	simm.s32 $0xD;
	[tilespmem:v26+s3+$0x0] =	vst.idx.msk vm11, v22;
	v22 =	vld.idx.msk [tilespmem:v63+s25+$0x0], $0xffff;
	vm10 =	vne.s32 v17, v19;
	v10 =	vmax.f32 v35, v25  }
0x246: {  	v15 =	vld.idx.msk [tilespmem:v27+s25+$0x0], $0xffff;
	v27 =	vadd.s32 s29, v1;
	v34 =	vsel vm4, v21, v33;
	v12 =	vsel vm10, v25, v10  }
0x247: {  	v23 =	vld.idx.msk [tilespmem:v30+s23+$0x0], $0xffff;
	v19 =	vsel vm5, v19, v34;
	vm2 =	vne.s32 v11, v17;
	v10 =	vmax.f32 v12, v8  }
0x248: {  	s6 =	simm.s32 $0xF;
	[tilespmem:v18+s3+$0x0] =	vst.idx.msk vm3, v16;
	v16 =	vld.idx.msk [tilespmem:v30+s25+$0x0], $0xffff;
	vm3 =	vmmov vm1;
	v10 =	vsel vm2, v8, v10  }
0x249: {  	v21 =	vld.idx.msk [tilespmem:v20+s23+$0x0], $0xffff;
	vm0 =	vne.s32 v13, v11;
	v25 =	vadd.s32 s6, v1;
	v6 =	vmax.f32 v10, v32  }
0x24a: {  	v14 =	vsel vm10, v17, v19;
	[tilespmem:v29+s3+$0x0] =	vst.idx.msk vm15, v24;
	v17 =	vld.idx.msk [tilespmem:v20+s25+$0x0], $0xffff;
	v8 =	vsel vm0, v32, v6  }
0x24b: {  	s0 =	simm.s32 $0x10;
	v18 =	vld.idx.msk [tilespmem:v27+s25+$0x0], $0xffff;
	[tilespmem:v33+s3+$0x0] =	vst.idx.msk vm4, v28;
	vm1 =	vne.s32 v15, v13;
	v6 =	vmax.f32 v8, v36  }
0x24c: {  	v24 =	vadd.s32 s0, v1;
	v20 =	vld.idx.msk [tilespmem:v27+s23+$0x0], $0xffff;
	[tilespmem:v34+s3+$0x0] =	vst.idx.msk vm5, v31;
	v6 =	vsel vm1, v36, v6  }
0x24d: {  	s9 =	simm.s32 $0x11;
	s6 =	simm.s32 $0x18;
	[tilespmem:v19+s3+$0x0] =	vst.idx.msk vm10, v35;
	v19 =	vld.idx.msk [tilespmem:v63+s23+$0x0], $0xffff;
	vm15 =	vne.s32 v16, v15;
	v26 =	vmax.f32 v6, v23  }
.LBB2_12:
0x24e: {  	p0 =	slt.u32 s6, $0x3E8;
	v27 =	vadd.s32 s9, v1;
	v26 =	vsel vm15, v23, v26;
	v23 =	vld.idx.msk [tilespmem:v25+s23+$0x0], $0xffff;
	[tilespmem:v9+s3+$0x0] =	vst.idx.msk vm3, v7;
	v28 =	vmov v10  }
0x24f: {  	s9 =	sadd.s32 $0x2, s0;
	v29 =	vsel vm2, v11, v14;
	vm3 =	vne.s32 v17, v16;
	v7 =	vmax.f32 v26, v21;
	v10 =	vld.idx.msk [tilespmem:v25+s25+$0x0], $0xffff  }
0x250: {  	v25 =	vadd.s32 s9, v1;
	v9 =	vsel vm0, v13, v29;
	[tilespmem:v14+s3+$0x0] =	vst.idx.msk vm2, v12;
	v30 =	vsel vm3, v21, v7  }
0x251: {  	s9 =	sadd.s32 $0x3, s0;
	v31 =	vsel vm1, v15, v9;
	vm4 =	vne.s32 v18, v17;
	v21 =	vld.idx.msk [tilespmem:v24+s23+$0x0], $0xffff;
	v12 =	vmax.f32 v30, v20  }
0x252: {  	v16 =	vsel vm15, v16, v31;
	v11 =	vld.idx.msk [tilespmem:v24+s25+$0x0], $0xffff;
	v24 =	vadd.s32 s9, v1;
	v20 =	vsel vm4, v20, v12;
	v7 =	vmovc v8  }
0x253: {  	s9 =	sadd.s32 $0x4, s0;
	v32 =	vsel vm3, v17, v16;
	vm6 =	vne.s32 v22, v18;
	v8 =	vld.idx.msk [tilespmem:v27+s23+$0x0], $0xffff;
	v12 =	vmax.f32 v20, v19  }
0x254: {  	v17 =	vadd.s32 s9, v1;
	v18 =	vsel vm4, v18, v32;
	v13 =	vld.idx.msk [tilespmem:v27+s25+$0x0], $0xffff;
	v19 =	vsel vm6, v19, v12  }
0x255: {  	s9 =	sadd.s32 $0x5, s0;
	v33 =	vsel vm6, v22, v18;
	vm7 =	vne.s32 v10, v22;
	v27 =	vld.idx.msk [tilespmem:v25+s23+$0x0], $0xffff;
	v12 =	vmax.f32 v19, v23  }
0x256: {  	v22 =	vadd.s32 s9, v1;
	v14 =	vsel vm7, v10, v33;
	v15 =	vld.idx.msk [tilespmem:v25+s25+$0x0], $0xffff;
	v12 =	vsel vm7, v23, v12  }
0x257: {  	vm5 =	vmmov vm0;
	s9 =	sadd.s32 $0x6, s0;
	v23 =	vld.idx.msk [tilespmem:v24+s23+$0x0], $0xffff;
	[tilespmem:v16+s3+$0x0] =	vst.idx.msk vm3, v26;
	vm3 =	vmmov vm1  }
0x258: {  	v34 =	vadd.s32 s9, v1;
	vm2 =	vne.s32 v11, v10;
	v10 =	vmax.f32 v12, v21;
	v16 =	vld.idx.msk [tilespmem:v24+s25+$0x0], $0xffff  }
0x259: {  	s9 =	sadd.s32 $0x7, s0;
	s0 =	smov.u32 s6;
	v10 =	vsel vm2, v21, v10;
	v21 =	vld.idx.msk [tilespmem:v17+s23+$0x0], $0xffff;
	[tilespmem:v18+s3+$0x0] =	vst.idx.msk vm6, v20  }
.Ltmp5:
0x25a: {  	v25 =	vadd.s32 s9, v1;
	vm0 =	vne.s32 v13, v11;
	v18 =	vmax.f32 v10, v8;
	v17 =	vld.idx.msk [tilespmem:v17+s25+$0x0], $0xffff;
	(pc) =	sbr.rel @p0 .LBB2_12-.Ltmp5, $4  }
0x25b: {  	v8 =	vsel vm0, v8, v18;
	v20 =	vld.idx.msk [tilespmem:v22+s23+$0x0], $0xffff;
	[tilespmem:v33+s3+$0x0] =	vst.idx.msk vm7, v19  }
0x25c: {  	vm1 =	vne.s32 v15, v13;
	v26 =	vmax.f32 v8, v27;
	v18 =	vld.idx.msk [tilespmem:v22+s25+$0x0], $0xffff;
	[tilespmem:v32+s3+$0x0] =	vst.idx.msk vm4, v30  }
0x25d: {  	v24 =	vadd.s32 s6, v1;
	v19 =	vld.idx.msk [tilespmem:v34+s23+$0x0], $0xffff;
	[tilespmem:v31+s3+$0x0] =	vst.idx.msk vm15, v6;
	v6 =	vsel vm1, v27, v26  }
0x25e: {  	s9 =	sadd.s32 $0x1, s0;
	s6 =	sadd.s32 $0x8, s6;
	vm15 =	vne.s32 v16, v15;
	v26 =	vmax.f32 v6, v23;
	v22 =	vld.idx.msk [tilespmem:v34+s25+$0x0], $0xffff;
	[tilespmem:v29+s3+$0x0] =	vst.idx.msk vm5, v28  }
0x25f: {  	_ =	sdelay $0x3  }
0x260: {  	v27 =	vadd.s32 s9, v1;
	v23 =	vsel vm15, v23, v26;
	v49 =	vld.idx.msk [tilespmem:v25+s23+$0x0], $0xffff  }
0x261: {  	s6 =	sadd.s32 $0x2, s0;
	[tilespmem:v9+s3+$0x0] =	vst.idx.msk vm3, v7;
	v7 =	vsel vm2, v11, v14;
	vm4 =	vne.s32 v17, v16;
	vm7 =	vmmov vm0  }
0x262: {  	v9 =	vld.idx.msk [tilespmem:v25+s25+$0x0], $0xffff;
	s9 =	sadd.s32 $0x3, s0;
	s11 =	sadd.s32 $0x4, s0;
	s13 =	sadd.s32 $0x5, s0;
	v11 =	vadd.s32 s6, v1;
	v50 =	vmax.f32 v23, v21;
	v13 =	vsel vm0, v13, v7  }
0x263: {  	v28 =	vld.idx.msk [tilespmem:v24+s23+$0x0], $0xffff;
	v52 =	vadd.s32 s9, v1;
	v53 =	vadd.s32 s11, v1;
	v54 =	vadd.s32 s13, v1  }
0x264: {  	v51 =	vld.idx.msk [tilespmem:v24+s25+$0x0], $0xffff;
	v21 =	vsel vm4, v21, v50;
	v15 =	vsel vm1, v15, v13;
	vm3 =	vne.s32 v18, v17  }
0x265: {  	s28 =	sadd.s32 $0x6, s0;
	s29 =	sadd.s32 $0x7, s0;
	vm1 =	vmmov vm1;
	v29 =	vmax.f32 v21, v20;
	v16 =	vsel vm15, v16, v15;
	v30 =	vld.idx.msk [tilespmem:v27+s23+$0x0], $0xffff  }
0x266: {  	[tilespmem:v14+s3+$0x0] =	vst.idx.msk vm2, v12;
	v35 =	vadd.s32 s28, v1;
	v55 =	vadd.s32 s29, v1;
	v20 =	vsel vm3, v20, v29;
	v27 =	vld.idx.msk [tilespmem:v27+s25+$0x0], $0xffff  }
0x267: {  	v17 =	vsel vm4, v17, v16;
	vm5 =	vne.s32 v22, v18;
	v31 =	vmax.f32 v20, v19;
	v32 =	vld.idx.msk [tilespmem:v11+s23+$0x0], $0xffff  }
0x268: {  	v18 =	vsel vm3, v18, v17;
	vm6 =	vne.s32 v9, v22;
	v11 =	vld.idx.msk [tilespmem:v11+s25+$0x0], $0xffff;
	[tilespmem:v7+s3+$0x0] =	vst.idx.msk vm7, v10  }
0x269: {  	v19 =	vsel vm5, v19, v31;
	v22 =	vsel vm5, v22, v18;
	v34 =	vld.idx.msk [tilespmem:v52+s23+$0x0], $0xffff;
	[tilespmem:v15+s3+$0x0] =	vst.idx.msk vm15, v6  }
0x26a: {  	vm2 =	vne.s32 v51, v9;
	v14 =	vld.idx.msk [tilespmem:v52+s25+$0x0], $0xffff;
	v33 =	vmax.f32 v19, v49;
	[tilespmem:v16+s3+$0x0] =	vst.idx.msk vm4, v23  }
0x26b: {  	v56 =	vld.idx.msk [tilespmem:v53+s25+$0x0], $0xffff;
	v9 =	vsel vm6, v9, v22;
	v12 =	vsel vm6, v49, v33;
	[tilespmem:v13+s3+$0x0] =	vst.idx.msk vm1, v8  }
0x26c: {  	v23 =	vld.idx.msk [tilespmem:v53+s23+$0x0], $0xffff;
	v16 =	vmax.f32 v12, v28;
	[tilespmem:v17+s3+$0x0] =	vst.idx.msk vm3, v21;
	v17 =	vsel vm2, v51, v9  }
0x26d: {  	v16 =	vsel vm2, v28, v16;
	[tilespmem:v18+s3+$0x0] =	vst.idx.msk vm5, v20;
	vm4 =	vne.s32 v27, v51;
	v20 =	vld.idx.msk [tilespmem:v54+s25+$0x0], $0xffff  }
0x26e: {  	v18 =	vmax.f32 v16, v30;
	[tilespmem:v22+s3+$0x0] =	vst.idx.msk vm6, v19;
	vm5 =	vne.s32 v11, v27;
	v19 =	vld.idx.msk [tilespmem:v35+s25+$0x0], $0xffff  }
0x26f: {  	v21 =	vld.idx.msk [tilespmem:v55+s25+$0x0], $0xffff;
	v6 =	vsel vm4, v27, v17;
	vm3 =	vne.s32 v14, v11;
	v18 =	vsel vm4, v30, v18  }
0x270: {  	vm6 =	vne.s32 v56, v14;
	v11 =	vsel vm5, v11, v6;
	v22 =	vmax.f32 v18, v32  }
0x271: {  	v15 =	vld.idx.msk [tilespmem:v54+s23+$0x0], $0xffff;
	[tilespmem:v9+s3+$0x0] =	vst.idx.msk vm2, v12;
	v14 =	vsel vm3, v14, v11;
	v22 =	vsel vm5, v32, v22  }
0x272: {  	v26 =	vsel vm6, v56, v14;
	v57 =	vmax.f32 v22, v34;
	vm8 =	vne.s32 v20, v56  }
0x273: {  	v58 =	vld.idx.msk [tilespmem:v35+s23+$0x0], $0xffff;
	v24 =	vsel vm3, v34, v57;
	vm15 =	vne.s32 v19, v20;
	v20 =	vsel vm8, v20, v26  }
0x274: {  	vm0 =	vne.s32 v21, v19;
	[tilespmem:v17+s3+$0x0] =	vst.idx.msk vm4, v16;
	v59 =	vmax.f32 v24, v23  }
0x275: {  	v10 =	vsel vm15, v19, v20;
	[tilespmem:v11+s3+$0x0] =	vst.idx.msk vm3, v22;
	v7 =	vsel vm6, v23, v59  }
0x276: {  	[tilespmem:v6+s3+$0x0] =	vst.idx.msk vm5, v18;
	v8 =	vmax.f32 v7, v15  }
0x277: {  	[tilespmem:v14+s3+$0x0] =	vst.idx.msk vm6, v24;
	v8 =	vsel vm8, v15, v8  }
0x278: {  	v9 =	vmax.f32 v8, v58;
	[tilespmem:v26+s3+$0x0] =	vst.idx.msk vm8, v7  }
0x279: {  	v9 =	vsel vm15, v58, v9;
	[tilespmem:v20+s3+$0x0] =	vst.idx.msk vm15, v8  }
0x27a: {  	v12 =	vld.idx.msk [tilespmem:v55+s23+$0x0], $0xffff;
	[tilespmem:v10+s3+$0x0] =	vst.idx.msk vm0, v9  }
0x27b: {  	v13 =	vld.idx.msk [tilespmem:v3+s25+$0x0], $0xffff;
	_ =	sdelay $0x3  }
0x27c: {  	s30 =	simm.s32 $0x3F1;
	vm1 =	vmmov vm4  }
0x27d: {  	vm2 =	vmmov vm5;
	v6 =	vadd.s32 s30, v1;
	vm1 =	vne.s32 v13, v21  }
0x27e: {  	s6 =	simm.s32 $0x3F2;
	vm2 =	vlt.s32 v6, $0x3FFF;
	v7 =	vsel vm0, v21, v10  }
0x27f: {  	v11 =	vnsel vm2, $0x3FFF, v6;
	v10 =	vadd.s32 s6, v1;
	v8 =	vld.idx.msk [tilespmem:v3+s23+$0x0], $0xffff  }
0x280: {  	s9 =	simm.s32 $0x3F3;
	vm2 =	vlt.s32 v10, $0x3FFF  }
0x281: {  	s11 =	simm.s32 $0x3F4;
	v14 =	vadd.s32 s9, v1;
	v9 =	vmax.f32 v9, v12;
	v15 =	vnsel vm2, $0x3FFF, v10  }
0x282: {  	v9 =	vsel vm0, v12, v9;
	vm0 =	vlt.s32 v14, $0x3FFF;
	v12 =	vadd.s32 s11, v1  }
0x283: {  	v17 =	vnsel vm0, $0x3FFF, v14;
	vm0 =	vlt.s32 v12, $0x3FFF;
	[tilespmem:v7+s3+$0x0] =	vst.idx.msk vm1, v9  }
0x284: {  	s29 =	simm.s32 $0x3F5;
	s30 =	simm.s32 $0x3F8;
	v18 =	vnsel vm0, $0x3FFF, v12;
	v23 =	vsel vm1, v13, v7;
	v7 =	vmax.f32 v9, v8;
	v9 =	vld.idx.msk [tilespmem:v11+s25+$0x0], $0xffff  }
0x285: {  	v16 =	vadd.s32 s29, v1;
	v61 =	vadd.s32 s30, v1;
	vm4 =	vlt.u32 v14, v4;
	v19 =	vld.idx.msk [tilespmem:v11+s23+$0x0], $0xffff  }
0x286: {  	s13 =	simm.s32 $0x3F6;
	s28 =	simm.s32 $0x3F7;
	vm15 =	vlt.u32 v61, v4;
	v60 =	vsel vm1, v8, v7;
	vm1 =	vlt.u32 v10, v4;
	v10 =	vld.idx.msk [tilespmem:v15+s25+$0x0], $0xffff  }
0x287: {  	vm0 =	vlt.u32 v6, v4;
	v6 =	vadd.s32 s28, v1;
	v8 =	vadd.s32 s13, v1;
	v21 =	vld.idx.msk [tilespmem:v15+s23+$0x0], $0xffff  }
0x288: {  	vm3 =	vlt.u32 v12, v4;
	vm5 =	vlt.s32 v6, $0x3FFF;
	v12 =	vld.idx.msk [tilespmem:v17+s25+$0x0], $0xffff;
	vm2 =	vlt.s32 v8, $0x3FFF  }
0x289: {  	v7 =	vnsel vm5, $0x3FFF, v6;
	v15 =	vld.idx.msk [tilespmem:v18+s25+$0x0], $0xffff;
	v11 =	vnsel vm2, $0x3FFF, v8;
	vm2 =	vlt.s32 v16, $0x3FFF  }
0x28a: {  	v62 =	vnsel vm2, $0x3FFF, v16;
	v9 =	vsel vm0, v9, v13;
	v14 =	vmax.f32 v60, v19  }
0x28b: {  	vm5 =	vlt.s32 v61, $0x3FFF;
	v20 =	vld.idx.msk [tilespmem:v17+s23+$0x0], $0xffff;
	vm6 =	vne.s32 v9, v13;
	v14 =	vsel vm0, v14, v60  }
0x28c: {  	v10 =	vsel vm1, v10, v9;
	v13 =	vsel vm6, v9, v23;
	v14 =	vsel vm6, v19, v14  }
0x28d: {  	vm2 =	vne.s32 v10, v9;
	v9 =	vsel vm4, v12, v10;
	v17 =	vmax.f32 v14, v21  }
0x28e: {  	v19 =	vld.idx.msk [tilespmem:v18+s23+$0x0], $0xffff;
	v12 =	vsel vm2, v10, v13;
	v15 =	vsel vm3, v15, v9;
	v17 =	vsel vm1, v17, v14  }
0x28f: {  	v22 =	vld.idx.msk [tilespmem:v62+s25+$0x0], $0xffff;
	vm1 =	vne.s32 v9, v10;
	vm0 =	vne.s32 v15, v9;
	v18 =	vsel vm2, v21, v17  }
0x290: {  	v21 =	vsel vm1, v9, v12;
	v9 =	vnsel vm5, $0x3FFF, v61;
	v17 =	vld.idx.msk [tilespmem:v62+s23+$0x0], $0xffff;
	v63 =	vmax.f32 v18, v20  }
0x291: {  	s6 =	simm.s32 $0x3F9;
	vm5 =	vmmov vm3;
	v10 =	vsel vm0, v15, v21;
	[tilespmem:v23+s3+$0x0] =	vst.idx.msk vm6, v60;
	v23 =	vsel vm4, v63, v18  }
.LBB2_14:
0x292: {  	s9 =	sadd.s32 $0x1, s6  }
0x293: {  	s11 =	sadd.s32 $0x2, s6;
	vm6 =	vlt.u32 v16, v4;
	vm4 =	vlt.u32 v8, v4;
	v24 =	vld.idx.msk [tilespmem:v11+s23+$0x0], $0xffff;
	vm3 =	vlt.u32 v6, v4;
	s13 =	smov.u32 s6;
	s0 =	sadd.s32 $0x4, s6  }
0x294: {  	p0 =	slt.u32 s6, $0x3FD;
	v8 =	vadd.s32 s9, v1;
	v6 =	vadd.s32 s11, v1;
	s9 =	sadd.s32 $0x3, s13;
	v25 =	vld.idx.msk [tilespmem:v11+s25+$0x0], $0xffff;
	[tilespmem:v13+s3+$0x0] =	vst.idx.msk vm2, v14;
	v13 =	vsel vm1, v20, v23  }
0x295: {  	vm2 =	vlt.s32 v8, $0x3FFF;
	vm7 =	vlt.s32 v6, $0x3FFF;
	v23 =	vld.idx.msk [tilespmem:v7+s25+$0x0], $0xffff;
	[tilespmem:v21+s3+$0x0] =	vst.idx.msk vm0, v13;
	v14 =	vmax.f32 v13, v19  }
0x296: {  	v26 =	vadd.s32 s9, v1;
	v11 =	vnsel vm2, $0x3FFF, v8;
	v21 =	vnsel vm7, $0x3FFF, v6;
	v27 =	vld.idx.msk [tilespmem:v9+s25+$0x0], $0xffff;
	[tilespmem:v12+s3+$0x0] =	vst.idx.msk vm1, v18  }
0x297: {  	v16 =	vadd.s32 s13, v1;
	vm7 =	vlt.s32 v26, $0x3FFF;
	v12 =	vsel vm5, v14, v13  }
0x298: {  	vm1 =	vlt.s32 v16, $0x3FFF;
	v18 =	vsel vm6, v22, v15;
	v28 =	vsel vm0, v19, v12  }
0x299: {  	v29 =	vnsel vm1, $0x3FFF, v16;
	vm5 =	vne.s32 v18, v15;
	v12 =	vmax.f32 v28, v17;
	v20 =	vld.idx.msk [tilespmem:v7+s23+$0x0], $0xffff;
	v7 =	vmovc v21  }
0x29a: {  	v13 =	vsel vm5, v18, v10;
	v12 =	vsel vm6, v12, v28;
	v19 =	vsel vm4, v25, v18  }
0x29b: {  	v14 =	vsel vm5, v17, v12;
	vm2 =	vne.s32 v19, v18;
	v17 =	vsel vm3, v23, v19  }
.Ltmp6:
0x29c: {  	v12 =	vsel vm2, v19, v13;
	v18 =	vmax.f32 v14, v24;
	v15 =	vsel vm15, v27, v17;
	(pc) =	sbr.rel @p0 .LBB2_14-.Ltmp6, $4  }
0x29d: {  	vm1 =	vne.s32 v17, v19;
	v18 =	vsel vm4, v18, v14;
	vm0 =	vne.s32 v15, v17;
	v19 =	vld.idx.msk [tilespmem:v9+s23+$0x0], $0xffff  }
0x29e: {  	v21 =	vsel vm1, v17, v12;
	v9 =	vnsel vm7, $0x3FFF, v26;
	v18 =	vsel vm2, v24, v18;
	v22 =	vld.idx.msk [tilespmem:v29+s25+$0x0], $0xffff  }
0x29f: {  	v23 =	vmax.f32 v18, v20;
	v17 =	vld.idx.msk [tilespmem:v29+s23+$0x0], $0xffff;
	[tilespmem:v10+s3+$0x0] =	vst.idx.msk vm5, v28;
	v10 =	vsel vm0, v15, v21  }
0x2a0: {  	s6 =	smov.u32 s0;
	v23 =	vsel vm3, v23, v18;
	vm5 =	vmmov vm15;
	vm15 =	vlt.u32 v26, v4  }
0x2a1: {  	_ =	sdelay $0x3  }
0x2a2: {  	v24 =	vld.idx.msk [tilespmem:v11+s25+$0x0], $0xffff  }
0x2a3: {  	v20 =	vsel vm1, v20, v23;
	v23 =	vld.idx.msk [tilespmem:v7+s25+$0x0], $0xffff  }
0x2a4: {  	vm3 =	vlt.u32 v16, v4;
	v25 =	vld.idx.msk [tilespmem:v9+s25+$0x0], $0xffff;
	vm4 =	vlt.u32 v8, v4;
	v16 =	vmax.f32 v20, v19  }
0x2a5: {  	v8 =	vld.idx.msk [tilespmem:v11+s23+$0x0], $0xffff;
	[tilespmem:v13+s3+$0x0] =	vst.idx.msk vm2, v14;
	v11 =	vsel vm5, v16, v20;
	v16 =	vsel vm3, v22, v15  }
0x2a6: {  	vm5 =	vlt.u32 v6, v4;
	v6 =	vsel vm0, v19, v11;
	vm6 =	vne.s32 v16, v15  }
0x2a7: {  	v11 =	vmax.f32 v6, v17;
	v15 =	vsel vm6, v16, v10;
	v19 =	vsel vm4, v24, v16  }
0x2a8: {  	v7 =	vld.idx.msk [tilespmem:v7+s23+$0x0], $0xffff;
	v11 =	vsel vm3, v11, v6;
	vm7 =	vne.s32 v19, v16;
	v16 =	vsel vm5, v23, v19  }
0x2a9: {  	v11 =	vsel vm6, v17, v11;
	v22 =	vsel vm15, v25, v16;
	vm8 =	vne.s32 v16, v19  }
0x2aa: {  	v17 =	vsel vm7, v19, v15;
	v23 =	vmax.f32 v11, v8;
	vm3 =	vne.s32 v22, v16  }
0x2ab: {  	[tilespmem:v12+s3+$0x0] =	vst.idx.msk vm1, v18;
	v13 =	vsel vm4, v23, v11;
	v14 =	vsel vm8, v16, v17  }
0x2ac: {  	[tilespmem:v21+s3+$0x0] =	vst.idx.msk vm0, v20;
	v8 =	vsel vm7, v8, v13  }
0x2ad: {  	[tilespmem:v10+s3+$0x0] =	vst.idx.msk vm6, v6;
	v12 =	vmax.f32 v8, v7  }
0x2ae: {  	v6 =	vsel vm5, v12, v8;
	[tilespmem:v15+s3+$0x0] =	vst.idx.msk vm7, v11  }
0x2af: {  	v6 =	vsel vm8, v7, v6;
	[tilespmem:v17+s3+$0x0] =	vst.idx.msk vm8, v8  }
0x2b0: {  	v9 =	vld.idx.msk [tilespmem:v9+s23+$0x0], $0xffff;
	s0 =	simm.s32 $0x0;
	[tilespmem:v14+s3+$0x0] =	vst.idx.msk vm3, v6  }
0x2b1: {  	v7 =	vld.idx.msk [tilespmem:v2+s0+$0x0], $0xffff  }
0x2b2: {  	v8 =	vld.idx.msk [tilespmem:v5+s0+$0x0], $0xffff;
	_ =	sdelay $0x4  }
0x2b3: {  	v8 =	vmax.f32 v8, v7  }
0x2b4: {  	[tilespmem:v5+s0+$0x0] =	vst.idx.msk $0x1, v8  }
0x2b5: {  	vm1 =	vcmask $0x704;
	v8 =	vld.idx.msk [tilespmem:v5+s0+$0x0], $0xffff;
	_ =	sdelay $0x4  }
0x2b6: {  	v8 =	vmax.f32 v8, v7  }
0x2b7: {  	[tilespmem:v5+s0+$0x0] =	vst.idx.msk vm1, v8  }
0x2b8: {  	vm2 =	vcmask $0xB08;
	v8 =	vld.idx.msk [tilespmem:v5+s0+$0x0], $0xffff;
	_ =	sdelay $0x4  }
0x2b9: {  	v8 =	vmax.f32 v8, v7  }
0x2ba: {  	[tilespmem:v5+s0+$0x0] =	vst.idx.msk vm2, v8  }
0x2bb: {  	vm4 =	vcmask $0xF0C;
	v8 =	vld.idx.msk [tilespmem:v5+s0+$0x0], $0xffff;
	_ =	sdelay $0x4  }
0x2bc: {  	v8 =	vmax.f32 v8, v7  }
0x2bd: {  	[tilespmem:v5+s0+$0x0] =	vst.idx.msk vm4, v8  }
0x2be: {  	vm5 =	vcmask $0x1310;
	v8 =	vld.idx.msk [tilespmem:v5+s0+$0x0], $0xffff;
	_ =	sdelay $0x4  }
0x2bf: {  	v8 =	vmax.f32 v8, v7  }
0x2c0: {  	[tilespmem:v5+s0+$0x0] =	vst.idx.msk vm5, v8  }
0x2c1: {  	vm6 =	vcmask $0x1714;
	v8 =	vld.idx.msk [tilespmem:v5+s0+$0x0], $0xffff;
	_ =	sdelay $0x4  }
0x2c2: {  	v8 =	vmax.f32 v8, v7  }
0x2c3: {  	[tilespmem:v5+s0+$0x0] =	vst.idx.msk vm6, v8  }
0x2c4: {  	vm7 =	vcmask $0x1B18;
	v8 =	vld.idx.msk [tilespmem:v5+s0+$0x0], $0xffff;
	_ =	sdelay $0x4  }
0x2c5: {  	v8 =	vmax.f32 v8, v7  }
0x2c6: {  	[tilespmem:v5+s0+$0x0] =	vst.idx.msk vm7, v8  }
0x2c7: {  	vm8 =	vcmask $0x1F1C;
	v8 =	vld.idx.msk [tilespmem:v5+s0+$0x0], $0xffff;
	_ =	sdelay $0x4  }
0x2c8: {  	v8 =	vmax.f32 v8, v7  }
0x2c9: {  	[tilespmem:v5+s0+$0x0] =	vst.idx.msk vm8, v8  }
0x2ca: {  	vm9 =	vcmask $0x2320;
	v8 =	vld.idx.msk [tilespmem:v5+s0+$0x0], $0xffff;
	_ =	sdelay $0x4  }
0x2cb: {  	v8 =	vmax.f32 v8, v7  }
0x2cc: {  	[tilespmem:v5+s0+$0x0] =	vst.idx.msk vm9, v8  }
0x2cd: {  	vm10 =	vcmask $0x2724;
	v8 =	vld.idx.msk [tilespmem:v5+s0+$0x0], $0xffff;
	_ =	sdelay $0x4  }
0x2ce: {  	v8 =	vmax.f32 v8, v7  }
0x2cf: {  	[tilespmem:v5+s0+$0x0] =	vst.idx.msk vm10, v8  }
0x2d0: {  	vm11 =	vcmask $0x2B28;
	v8 =	vld.idx.msk [tilespmem:v5+s0+$0x0], $0xffff;
	_ =	sdelay $0x4  }
0x2d1: {  	v8 =	vmax.f32 v8, v7  }
0x2d2: {  	[tilespmem:v5+s0+$0x0] =	vst.idx.msk vm11, v8  }
0x2d3: {  	vm14 =	vcmask $0x2F2C;
	v8 =	vld.idx.msk [tilespmem:v5+s0+$0x0], $0xffff;
	_ =	sdelay $0x4  }
0x2d4: {  	v8 =	vmax.f32 v8, v7  }
0x2d5: {  	[tilespmem:v5+s0+$0x0] =	vst.idx.msk vm14, v8  }
0x2d6: {  	vm12 =	vcmask $0x3330;
	v8 =	vld.idx.msk [tilespmem:v5+s0+$0x0], $0xffff;
	_ =	sdelay $0x4  }
0x2d7: {  	v8 =	vmax.f32 v8, v7  }
0x2d8: {  	[tilespmem:v5+s0+$0x0] =	vst.idx.msk vm12, v8  }
0x2d9: {  	vm13 =	vcmask $0x3734;
	v8 =	vld.idx.msk [tilespmem:v5+s0+$0x0], $0xffff;
	_ =	sdelay $0x4  }
0x2da: {  	v8 =	vmax.f32 v8, v7  }
0x2db: {  	[tilespmem:v5+s0+$0x0] =	vst.idx.msk vm13, v8  }
0x2dc: {  	vm0 =	vcmask $0x3B38;
	v8 =	vld.idx.msk [tilespmem:v5+s0+$0x0], $0xffff;
	_ =	sdelay $0x4  }
0x2dd: {  	v8 =	vmax.f32 v8, v7  }
0x2de: {  	[tilespmem:v5+s0+$0x0] =	vst.idx.msk vm0, v8  }
0x2df: {  	vm0 =	vcmask $0x3F3C;
	v8 =	vld.idx.msk [tilespmem:v5+s0+$0x0], $0xffff;
	_ =	sdelay $0x4  }
0x2e0: {  	v7 =	vmax.f32 v8, v7  }
0x2e1: {  	[tilespmem:v5+s0+$0x0] =	vst.idx.msk vm0, v7  }
0x2e2: {  	v5 =	vld.idx.msk [tilespmem:v22+s0+$0x0], $0xffff;
	_ =	sdelay $0x1  }
0x2e3: {  	vm0 =	vmmov vm15;
	v7 =	vmax.f32 v6, v9  }
0x2e4: {  	v6 =	vsel vm0, v7, v6  }
0x2e5: {  	v6 =	vsel vm3, v9, v6  }
0x2e6: {  	v5 =	vmax.f32 v5, v6  }
0x2e7: {  	[tilespmem:v22+s0+$0x0] =	vst.idx.msk $0x1, v5  }
0x2e8: {  	v5 =	vld.idx.msk [tilespmem:v22+s0+$0x0], $0xffff;
	_ =	sdelay $0x4  }
0x2e9: {  	v5 =	vmax.f32 v5, v6  }
0x2ea: {  	[tilespmem:v22+s0+$0x0] =	vst.idx.msk vm1, v5  }
0x2eb: {  	v5 =	vld.idx.msk [tilespmem:v22+s0+$0x0], $0xffff;
	_ =	sdelay $0x4  }
0x2ec: {  	v5 =	vmax.f32 v5, v6  }
0x2ed: {  	[tilespmem:v22+s0+$0x0] =	vst.idx.msk vm2, v5  }
0x2ee: {  	v5 =	vld.idx.msk [tilespmem:v22+s0+$0x0], $0xffff;
	_ =	sdelay $0x4  }
0x2ef: {  	v5 =	vmax.f32 v5, v6  }
0x2f0: {  	[tilespmem:v22+s0+$0x0] =	vst.idx.msk vm4, v5  }
0x2f1: {  	v5 =	vld.idx.msk [tilespmem:v22+s0+$0x0], $0xffff;
	_ =	sdelay $0x4  }
0x2f2: {  	v5 =	vmax.f32 v5, v6  }
0x2f3: {  	[tilespmem:v22+s0+$0x0] =	vst.idx.msk vm5, v5  }
0x2f4: {  	v5 =	vld.idx.msk [tilespmem:v22+s0+$0x0], $0xffff;
	_ =	sdelay $0x4  }
0x2f5: {  	v5 =	vmax.f32 v5, v6  }
0x2f6: {  	[tilespmem:v22+s0+$0x0] =	vst.idx.msk vm6, v5  }
0x2f7: {  	v5 =	vld.idx.msk [tilespmem:v22+s0+$0x0], $0xffff;
	_ =	sdelay $0x4  }
0x2f8: {  	v5 =	vmax.f32 v5, v6  }
0x2f9: {  	[tilespmem:v22+s0+$0x0] =	vst.idx.msk vm7, v5  }
0x2fa: {  	v5 =	vld.idx.msk [tilespmem:v22+s0+$0x0], $0xffff;
	_ =	sdelay $0x4  }
0x2fb: {  	v5 =	vmax.f32 v5, v6  }
0x2fc: {  	[tilespmem:v22+s0+$0x0] =	vst.idx.msk vm8, v5  }
0x2fd: {  	v5 =	vld.idx.msk [tilespmem:v22+s0+$0x0], $0xffff;
	_ =	sdelay $0x4  }
0x2fe: {  	v5 =	vmax.f32 v5, v6  }
0x2ff: {  	[tilespmem:v22+s0+$0x0] =	vst.idx.msk vm9, v5  }
0x300: {  	v5 =	vld.idx.msk [tilespmem:v22+s0+$0x0], $0xffff;
	_ =	sdelay $0x4  }
0x301: {  	v5 =	vmax.f32 v5, v6  }
0x302: {  	[tilespmem:v22+s0+$0x0] =	vst.idx.msk vm10, v5  }
0x303: {  	v5 =	vld.idx.msk [tilespmem:v22+s0+$0x0], $0xffff;
	_ =	sdelay $0x4  }
0x304: {  	v5 =	vmax.f32 v5, v6  }
0x305: {  	[tilespmem:v22+s0+$0x0] =	vst.idx.msk vm11, v5  }
0x306: {  	v5 =	vld.idx.msk [tilespmem:v22+s0+$0x0], $0xffff;
	_ =	sdelay $0x4  }
0x307: {  	v5 =	vmax.f32 v5, v6  }
0x308: {  	[tilespmem:v22+s0+$0x0] =	vst.idx.msk vm14, v5  }
0x309: {  	v5 =	vld.idx.msk [tilespmem:v22+s0+$0x0], $0xffff;
	_ =	sdelay $0x4  }
0x30a: {  	v5 =	vmax.f32 v5, v6  }
0x30b: {  	[tilespmem:v22+s0+$0x0] =	vst.idx.msk vm12, v5  }
0x30c: {  	v5 =	vld.idx.msk [tilespmem:v22+s0+$0x0], $0xffff;
	_ =	sdelay $0x4  }
0x30d: {  	v5 =	vmax.f32 v5, v6  }
0x30e: {  	[tilespmem:v22+s0+$0x0] =	vst.idx.msk vm13, v5  }
0x30f: {  	vm0 =	vcmask $0x3B38;
	v5 =	vld.idx.msk [tilespmem:v22+s0+$0x0], $0xffff;
	_ =	sdelay $0x4  }
0x310: {  	v5 =	vmax.f32 v5, v6  }
0x311: {  	[tilespmem:v22+s0+$0x0] =	vst.idx.msk vm0, v5  }
0x312: {  	vm0 =	vcmask $0x3F3C;
	v5 =	vld.idx.msk [tilespmem:v22+s0+$0x0], $0xffff;
	_ =	sdelay $0x4  }
0x313: {  	v5 =	vmax.f32 v5, v6  }
0x314: {  	v6 =	vimm.f32 $-Inf;
	[tilespmem:v22+s0+$0x0] =	vst.idx.msk vm0, v5  }
0x315: {  	[tilespmem:$0x4000] =	vst v6  }
0x316: {  	_ =	swait.ge [sflag:s26], $0x800  }
0x317: {  	[sflag:s26] =	ssyncset.done $0x0  }
0x318: {  	[sflag:s26] =	ssyncadd.s32 $0xFFFFF800  }
0x319: {  	_ =	swait.ge [sflag:s26], $0x800  }
0x31a: {  	[sflag:s26] =	ssyncset.done $0x0  }
0x31b: {  	[sflag:s26] =	ssyncadd.s32 $0xFFFFF800  }
0x31c: {  	[tilespmem:s23], [sflag:$0x4] =	stream.linear.gather [spmem:s10], $0x4000, $0x38;
	[tilespmem:$0x1C480] =	vst v63  }
0x31d: {  	_ =	swait.ge [sflag:s24], $0x4000  }
0x31e: {  	[sflag:s24] =	ssyncset.done $0x0  }
0x31f: {  	[sflag:s24] =	ssyncadd.s32 $0xFFFFC000  }
0x320: {  	v7 =	vadd.s32 s0, v1;
	[tilespmem:s25], [sflag:$0x4] =	stream.linear.gather [spmem:s12], $0x4000, $0x38;
	[tilespmem:$0x1C480] =	vst v63  }
0x321: {  	s6 =	simm.s32 $0x1;
	_ =	swait.ge [sflag:s24], $0x4000  }
0x322: {  	s9 =	simm.s32 $0x2;
	v8 =	vadd.s32 s6, v1;
	[sflag:s24] =	ssyncset.done $0x0  }
0x323: {  	v9 =	vadd.s32 s9, v1;
	[sflag:s24] =	ssyncadd.s32 $0xFFFFC000  }
0x324: {  	v5 =	vld.idx.msk [tilespmem:v1+s25+$0x0], $0xffff  }
0x325: {  	v10 =	vld.idx.msk [tilespmem:v7+s23+$0x0], $0xffff  }
0x326: {  	s11 =	simm.s32 $0x3;
	v11 =	vld.idx.msk [tilespmem:v7+s25+$0x0], $0xffff  }
0x327: {  	v7 =	vadd.s32 s11, v1;
	v12 =	vld.idx.msk [tilespmem:v8+s23+$0x0], $0xffff  }
0x328: {  	s28 =	simm.s32 $0x5;
	v14 =	vld.idx.msk [tilespmem:v9+s23+$0x0], $0xffff  }
0x329: {  	s13 =	simm.s32 $0x4;
	v15 =	vld.idx.msk [tilespmem:v9+s25+$0x0], $0xffff;
	v9 =	vadd.s32 s28, v1  }
0x32a: {  	v13 =	vadd.s32 s13, v1;
	v8 =	vld.idx.msk [tilespmem:v8+s25+$0x0], $0xffff  }
0x32b: {  	s11 =	simm.s32 $0xA  }
0x32c: {  	v27 =	vadd.s32 s11, v1;
	v16 =	vld.idx.msk [tilespmem:v7+s23+$0x0], $0xffff  }
0x32d: {  	s29 =	simm.s32 $0x6;
	vm0 =	vne.s32 v11, v5;
	v17 =	vmax.f32 v6, v10;
	v18 =	vld.idx.msk [tilespmem:v7+s25+$0x0], $0xffff  }
0x32e: {  	v19 =	vadd.s32 s29, v1;
	v21 =	vld.idx.msk [tilespmem:v9+s25+$0x0], $0xffff;
	v22 =	vsel vm0, v10, v17  }
0x32f: {  	s30 =	simm.s32 $0x7;
	vm2 =	vne.s32 v8, v11;
	v10 =	vld.idx.msk [tilespmem:v13+s23+$0x0], $0xffff;
	v7 =	vmax.f32 v22, v12  }
0x330: {  	v13 =	vld.idx.msk [tilespmem:v13+s25+$0x0], $0xffff;
	v17 =	vadd.s32 s30, v1;
	v7 =	vsel vm2, v12, v7  }
0x331: {  	s6 =	simm.s32 $0x8;
	vm1 =	vne.s32 v15, v8;
	v36 =	vld.idx.msk [tilespmem:v27+s23+$0x0], $0xffff;
	v20 =	vmax.f32 v7, v14  }
0x332: {  	v23 =	vadd.s32 s6, v1;
	v12 =	vld.idx.msk [tilespmem:v9+s23+$0x0], $0xffff;
	v24 =	vsel vm1, v14, v20  }
0x333: {  	s9 =	simm.s32 $0x9;
	v14 =	vld.idx.msk [tilespmem:v19+s23+$0x0], $0xffff;
	vm15 =	vne.s32 v18, v15;
	v9 =	vmax.f32 v24, v16  }
0x334: {  	v26 =	vsel vm0, v11, v2;
	v19 =	vld.idx.msk [tilespmem:v19+s25+$0x0], $0xffff;
	v20 =	vadd.s32 s9, v1;
	v16 =	vsel vm15, v16, v9  }
0x335: {  	s13 =	simm.s32 $0xB;
	s30 =	simm.s32 $0xE;
	vm11 =	vmmov vm2;
	v25 =	vld.idx.msk [tilespmem:v17+s23+$0x0], $0xffff;
	vm3 =	vne.s32 v13, v18;
	v11 =	vmax.f32 v16, v10  }
0x336: {  	v30 =	vadd.s32 s13, v1;
	v63 =	vadd.s32 s30, v1;
	v17 =	vld.idx.msk [tilespmem:v17+s25+$0x0], $0xffff;
	v28 =	vsel vm3, v10, v11  }
0x337: {  	vm4 =	vne.s32 v21, v13;
	v9 =	vsel vm2, v8, v26;
	v8 =	vld.idx.msk [tilespmem:v23+s23+$0x0], $0xffff;
	v10 =	vmax.f32 v28, v12  }
0x338: {  	[tilespmem:v2+s3+$0x0] =	vst.idx.msk vm0, v6;
	v29 =	vsel vm1, v15, v9;
	v11 =	vld.idx.msk [tilespmem:v23+s25+$0x0], $0xffff;
	v31 =	vsel vm4, v12, v10  }
0x339: {  	s28 =	simm.s32 $0xC;
	v18 =	vsel vm15, v18, v29;
	v32 =	vld.idx.msk [tilespmem:v20+s23+$0x0], $0xffff;
	vm5 =	vne.s32 v19, v21;
	v10 =	vmax.f32 v31, v14  }
0x33a: {  	v33 =	vsel vm3, v13, v18;
	v13 =	vld.idx.msk [tilespmem:v20+s25+$0x0], $0xffff;
	v20 =	vadd.s32 s28, v1;
	v35 =	vsel vm5, v14, v10  }
0x33b: {  	s29 =	simm.s32 $0xD;
	[tilespmem:v26+s3+$0x0] =	vst.idx.msk vm11, v22;
	v22 =	vld.idx.msk [tilespmem:v63+s25+$0x0], $0xffff;
	vm10 =	vne.s32 v17, v19;
	v10 =	vmax.f32 v35, v25  }
0x33c: {  	v15 =	vld.idx.msk [tilespmem:v27+s25+$0x0], $0xffff;
	v27 =	vadd.s32 s29, v1;
	v34 =	vsel vm4, v21, v33;
	v12 =	vsel vm10, v25, v10  }
0x33d: {  	v23 =	vld.idx.msk [tilespmem:v30+s23+$0x0], $0xffff;
	v19 =	vsel vm5, v19, v34;
	vm2 =	vne.s32 v11, v17;
	v10 =	vmax.f32 v12, v8  }
0x33e: {  	s6 =	simm.s32 $0xF;
	[tilespmem:v18+s3+$0x0] =	vst.idx.msk vm3, v16;
	v16 =	vld.idx.msk [tilespmem:v30+s25+$0x0], $0xffff;
	vm3 =	vmmov vm1;
	v10 =	vsel vm2, v8, v10  }
0x33f: {  	v21 =	vld.idx.msk [tilespmem:v20+s23+$0x0], $0xffff;
	vm0 =	vne.s32 v13, v11;
	v25 =	vadd.s32 s6, v1;
	v6 =	vmax.f32 v10, v32  }
0x340: {  	v14 =	vsel vm10, v17, v19;
	[tilespmem:v29+s3+$0x0] =	vst.idx.msk vm15, v24;
	v17 =	vld.idx.msk [tilespmem:v20+s25+$0x0], $0xffff;
	v8 =	vsel vm0, v32, v6  }
0x341: {  	s0 =	simm.s32 $0x10;
	v18 =	vld.idx.msk [tilespmem:v27+s25+$0x0], $0xffff;
	[tilespmem:v33+s3+$0x0] =	vst.idx.msk vm4, v28;
	vm1 =	vne.s32 v15, v13;
	v6 =	vmax.f32 v8, v36  }
0x342: {  	v24 =	vadd.s32 s0, v1;
	v20 =	vld.idx.msk [tilespmem:v27+s23+$0x0], $0xffff;
	[tilespmem:v34+s3+$0x0] =	vst.idx.msk vm5, v31;
	v6 =	vsel vm1, v36, v6  }
0x343: {  	s9 =	simm.s32 $0x11;
	s6 =	simm.s32 $0x18;
	[tilespmem:v19+s3+$0x0] =	vst.idx.msk vm10, v35;
	v19 =	vld.idx.msk [tilespmem:v63+s23+$0x0], $0xffff;
	vm15 =	vne.s32 v16, v15;
	v26 =	vmax.f32 v6, v23  }
.LBB2_16:
0x344: {  	p0 =	slt.u32 s6, $0x3E8;
	v27 =	vadd.s32 s9, v1;
	v26 =	vsel vm15, v23, v26;
	v23 =	vld.idx.msk [tilespmem:v25+s23+$0x0], $0xffff;
	[tilespmem:v9+s3+$0x0] =	vst.idx.msk vm3, v7;
	v28 =	vmov v10  }
0x345: {  	s9 =	sadd.s32 $0x2, s0;
	v29 =	vsel vm2, v11, v14;
	vm3 =	vne.s32 v17, v16;
	v7 =	vmax.f32 v26, v21;
	v10 =	vld.idx.msk [tilespmem:v25+s25+$0x0], $0xffff  }
0x346: {  	v25 =	vadd.s32 s9, v1;
	v9 =	vsel vm0, v13, v29;
	[tilespmem:v14+s3+$0x0] =	vst.idx.msk vm2, v12;
	v30 =	vsel vm3, v21, v7  }
0x347: {  	s9 =	sadd.s32 $0x3, s0;
	v31 =	vsel vm1, v15, v9;
	vm4 =	vne.s32 v18, v17;
	v21 =	vld.idx.msk [tilespmem:v24+s23+$0x0], $0xffff;
	v12 =	vmax.f32 v30, v20  }
0x348: {  	v16 =	vsel vm15, v16, v31;
	v11 =	vld.idx.msk [tilespmem:v24+s25+$0x0], $0xffff;
	v24 =	vadd.s32 s9, v1;
	v20 =	vsel vm4, v20, v12;
	v7 =	vmovc v8  }
0x349: {  	s9 =	sadd.s32 $0x4, s0;
	v32 =	vsel vm3, v17, v16;
	vm6 =	vne.s32 v22, v18;
	v8 =	vld.idx.msk [tilespmem:v27+s23+$0x0], $0xffff;
	v12 =	vmax.f32 v20, v19  }
0x34a: {  	v17 =	vadd.s32 s9, v1;
	v18 =	vsel vm4, v18, v32;
	v13 =	vld.idx.msk [tilespmem:v27+s25+$0x0], $0xffff;
	v19 =	vsel vm6, v19, v12  }
0x34b: {  	s9 =	sadd.s32 $0x5, s0;
	v33 =	vsel vm6, v22, v18;
	vm7 =	vne.s32 v10, v22;
	v27 =	vld.idx.msk [tilespmem:v25+s23+$0x0], $0xffff;
	v12 =	vmax.f32 v19, v23  }
0x34c: {  	v22 =	vadd.s32 s9, v1;
	v14 =	vsel vm7, v10, v33;
	v15 =	vld.idx.msk [tilespmem:v25+s25+$0x0], $0xffff;
	v12 =	vsel vm7, v23, v12  }
0x34d: {  	vm5 =	vmmov vm0;
	s9 =	sadd.s32 $0x6, s0;
	v23 =	vld.idx.msk [tilespmem:v24+s23+$0x0], $0xffff;
	[tilespmem:v16+s3+$0x0] =	vst.idx.msk vm3, v26;
	vm3 =	vmmov vm1  }
0x34e: {  	v34 =	vadd.s32 s9, v1;
	vm2 =	vne.s32 v11, v10;
	v10 =	vmax.f32 v12, v21;
	v16 =	vld.idx.msk [tilespmem:v24+s25+$0x0], $0xffff  }
0x34f: {  	s9 =	sadd.s32 $0x7, s0;
	s0 =	smov.u32 s6;
	v10 =	vsel vm2, v21, v10;
	v21 =	vld.idx.msk [tilespmem:v17+s23+$0x0], $0xffff;
	[tilespmem:v18+s3+$0x0] =	vst.idx.msk vm6, v20  }
.Ltmp7:
0x350: {  	v25 =	vadd.s32 s9, v1;
	vm0 =	vne.s32 v13, v11;
	v18 =	vmax.f32 v10, v8;
	v17 =	vld.idx.msk [tilespmem:v17+s25+$0x0], $0xffff;
	(pc) =	sbr.rel @p0 .LBB2_16-.Ltmp7, $4  }
0x351: {  	v8 =	vsel vm0, v8, v18;
	v20 =	vld.idx.msk [tilespmem:v22+s23+$0x0], $0xffff;
	[tilespmem:v33+s3+$0x0] =	vst.idx.msk vm7, v19  }
0x352: {  	vm1 =	vne.s32 v15, v13;
	v26 =	vmax.f32 v8, v27;
	v18 =	vld.idx.msk [tilespmem:v22+s25+$0x0], $0xffff;
	[tilespmem:v32+s3+$0x0] =	vst.idx.msk vm4, v30  }
0x353: {  	v24 =	vadd.s32 s6, v1;
	v19 =	vld.idx.msk [tilespmem:v34+s23+$0x0], $0xffff;
	[tilespmem:v31+s3+$0x0] =	vst.idx.msk vm15, v6;
	v6 =	vsel vm1, v27, v26  }
0x354: {  	s9 =	sadd.s32 $0x1, s0;
	s6 =	sadd.s32 $0x8, s6;
	vm15 =	vne.s32 v16, v15;
	v26 =	vmax.f32 v6, v23;
	v22 =	vld.idx.msk [tilespmem:v34+s25+$0x0], $0xffff;
	[tilespmem:v29+s3+$0x0] =	vst.idx.msk vm5, v28  }
0x355: {  	_ =	sdelay $0x3  }
0x356: {  	v27 =	vadd.s32 s9, v1;
	v23 =	vsel vm15, v23, v26;
	v49 =	vld.idx.msk [tilespmem:v25+s23+$0x0], $0xffff  }
0x357: {  	s6 =	sadd.s32 $0x2, s0;
	[tilespmem:v9+s3+$0x0] =	vst.idx.msk vm3, v7;
	v7 =	vsel vm2, v11, v14;
	vm4 =	vne.s32 v17, v16;
	vm7 =	vmmov vm0  }
0x358: {  	v9 =	vld.idx.msk [tilespmem:v25+s25+$0x0], $0xffff;
	s9 =	sadd.s32 $0x3, s0;
	s11 =	sadd.s32 $0x4, s0;
	s13 =	sadd.s32 $0x5, s0;
	v11 =	vadd.s32 s6, v1;
	v50 =	vmax.f32 v23, v21;
	v13 =	vsel vm0, v13, v7  }
0x359: {  	v28 =	vld.idx.msk [tilespmem:v24+s23+$0x0], $0xffff;
	v52 =	vadd.s32 s9, v1;
	v53 =	vadd.s32 s11, v1;
	v54 =	vadd.s32 s13, v1  }
0x35a: {  	v51 =	vld.idx.msk [tilespmem:v24+s25+$0x0], $0xffff;
	v21 =	vsel vm4, v21, v50;
	v15 =	vsel vm1, v15, v13;
	vm3 =	vne.s32 v18, v17  }
0x35b: {  	s28 =	sadd.s32 $0x6, s0;
	s29 =	sadd.s32 $0x7, s0;
	vm1 =	vmmov vm1;
	v29 =	vmax.f32 v21, v20;
	v16 =	vsel vm15, v16, v15;
	v30 =	vld.idx.msk [tilespmem:v27+s23+$0x0], $0xffff  }
0x35c: {  	[tilespmem:v14+s3+$0x0] =	vst.idx.msk vm2, v12;
	v35 =	vadd.s32 s28, v1;
	v55 =	vadd.s32 s29, v1;
	v20 =	vsel vm3, v20, v29;
	v27 =	vld.idx.msk [tilespmem:v27+s25+$0x0], $0xffff  }
0x35d: {  	v17 =	vsel vm4, v17, v16;
	vm5 =	vne.s32 v22, v18;
	v31 =	vmax.f32 v20, v19;
	v32 =	vld.idx.msk [tilespmem:v11+s23+$0x0], $0xffff  }
0x35e: {  	v18 =	vsel vm3, v18, v17;
	vm6 =	vne.s32 v9, v22;
	v11 =	vld.idx.msk [tilespmem:v11+s25+$0x0], $0xffff;
	[tilespmem:v7+s3+$0x0] =	vst.idx.msk vm7, v10  }
0x35f: {  	v19 =	vsel vm5, v19, v31;
	v22 =	vsel vm5, v22, v18;
	v34 =	vld.idx.msk [tilespmem:v52+s23+$0x0], $0xffff;
	[tilespmem:v15+s3+$0x0] =	vst.idx.msk vm15, v6  }
0x360: {  	vm2 =	vne.s32 v51, v9;
	v14 =	vld.idx.msk [tilespmem:v52+s25+$0x0], $0xffff;
	v33 =	vmax.f32 v19, v49;
	[tilespmem:v16+s3+$0x0] =	vst.idx.msk vm4, v23  }
0x361: {  	v56 =	vld.idx.msk [tilespmem:v53+s25+$0x0], $0xffff;
	v9 =	vsel vm6, v9, v22;
	v12 =	vsel vm6, v49, v33;
	[tilespmem:v13+s3+$0x0] =	vst.idx.msk vm1, v8  }
0x362: {  	v23 =	vld.idx.msk [tilespmem:v53+s23+$0x0], $0xffff;
	v16 =	vmax.f32 v12, v28;
	[tilespmem:v17+s3+$0x0] =	vst.idx.msk vm3, v21;
	v17 =	vsel vm2, v51, v9  }
0x363: {  	v16 =	vsel vm2, v28, v16;
	[tilespmem:v18+s3+$0x0] =	vst.idx.msk vm5, v20;
	vm4 =	vne.s32 v27, v51;
	v20 =	vld.idx.msk [tilespmem:v54+s25+$0x0], $0xffff  }
0x364: {  	v18 =	vmax.f32 v16, v30;
	[tilespmem:v22+s3+$0x0] =	vst.idx.msk vm6, v19;
	vm5 =	vne.s32 v11, v27;
	v19 =	vld.idx.msk [tilespmem:v35+s25+$0x0], $0xffff  }
0x365: {  	v21 =	vld.idx.msk [tilespmem:v55+s25+$0x0], $0xffff;
	v6 =	vsel vm4, v27, v17;
	vm3 =	vne.s32 v14, v11;
	v18 =	vsel vm4, v30, v18  }
0x366: {  	vm6 =	vne.s32 v56, v14;
	v11 =	vsel vm5, v11, v6;
	v22 =	vmax.f32 v18, v32  }
0x367: {  	v15 =	vld.idx.msk [tilespmem:v54+s23+$0x0], $0xffff;
	[tilespmem:v9+s3+$0x0] =	vst.idx.msk vm2, v12;
	v14 =	vsel vm3, v14, v11;
	v22 =	vsel vm5, v32, v22  }
0x368: {  	v26 =	vsel vm6, v56, v14;
	v57 =	vmax.f32 v22, v34;
	vm8 =	vne.s32 v20, v56  }
0x369: {  	v58 =	vld.idx.msk [tilespmem:v35+s23+$0x0], $0xffff;
	v24 =	vsel vm3, v34, v57;
	vm15 =	vne.s32 v19, v20;
	v20 =	vsel vm8, v20, v26  }
0x36a: {  	vm0 =	vne.s32 v21, v19;
	[tilespmem:v17+s3+$0x0] =	vst.idx.msk vm4, v16;
	v59 =	vmax.f32 v24, v23  }
0x36b: {  	v10 =	vsel vm15, v19, v20;
	[tilespmem:v11+s3+$0x0] =	vst.idx.msk vm3, v22;
	v7 =	vsel vm6, v23, v59  }
0x36c: {  	[tilespmem:v6+s3+$0x0] =	vst.idx.msk vm5, v18;
	v8 =	vmax.f32 v7, v15  }
0x36d: {  	[tilespmem:v14+s3+$0x0] =	vst.idx.msk vm6, v24;
	v8 =	vsel vm8, v15, v8  }
0x36e: {  	v9 =	vmax.f32 v8, v58;
	[tilespmem:v26+s3+$0x0] =	vst.idx.msk vm8, v7  }
0x36f: {  	v9 =	vsel vm15, v58, v9;
	[tilespmem:v20+s3+$0x0] =	vst.idx.msk vm15, v8  }
0x370: {  	v12 =	vld.idx.msk [tilespmem:v55+s23+$0x0], $0xffff;
	[tilespmem:v10+s3+$0x0] =	vst.idx.msk vm0, v9  }
0x371: {  	v13 =	vld.idx.msk [tilespmem:v3+s25+$0x0], $0xffff;
	_ =	sdelay $0x3  }
0x372: {  	s30 =	simm.s32 $0x3F1;
	vm1 =	vmmov vm4  }
0x373: {  	vm2 =	vmmov vm5;
	v6 =	vadd.s32 s30, v1;
	vm1 =	vne.s32 v13, v21  }
0x374: {  	s6 =	simm.s32 $0x3F2;
	vm2 =	vlt.s32 v6, $0x3FFF;
	v7 =	vsel vm0, v21, v10  }
0x375: {  	v11 =	vnsel vm2, $0x3FFF, v6;
	v10 =	vadd.s32 s6, v1;
	v8 =	vld.idx.msk [tilespmem:v3+s23+$0x0], $0xffff  }
0x376: {  	s9 =	simm.s32 $0x3F3;
	vm2 =	vlt.s32 v10, $0x3FFF  }
0x377: {  	s11 =	simm.s32 $0x3F4;
	v14 =	vadd.s32 s9, v1;
	v9 =	vmax.f32 v9, v12;
	v15 =	vnsel vm2, $0x3FFF, v10  }
0x378: {  	s30 =	simm.s32 $0x3F8;
	v9 =	vsel vm0, v12, v9;
	vm0 =	vlt.s32 v14, $0x3FFF;
	v12 =	vadd.s32 s11, v1  }
0x379: {  	v61 =	vadd.s32 s30, v1;
	v16 =	vnsel vm0, $0x3FFF, v14;
	vm0 =	vlt.s32 v12, $0x3FFF;
	[tilespmem:v7+s3+$0x0] =	vst.idx.msk vm1, v9  }
0x37a: {  	v17 =	vnsel vm0, $0x3FFF, v12;
	v23 =	vsel vm1, v13, v7;
	v7 =	vmax.f32 v9, v8;
	v9 =	vld.idx.msk [tilespmem:v11+s25+$0x0], $0xffff  }
0x37b: {  	vm4 =	vlt.u32 v14, v4;
	vm15 =	vlt.u32 v61, v4;
	v20 =	vld.idx.msk [tilespmem:v11+s23+$0x0], $0xffff  }
0x37c: {  	s13 =	simm.s32 $0x3F6;
	s28 =	simm.s32 $0x3F7;
	vm3 =	vlt.u32 v12, v4;
	v60 =	vsel vm1, v8, v7;
	vm1 =	vlt.u32 v10, v4;
	v10 =	vld.idx.msk [tilespmem:v15+s25+$0x0], $0xffff  }
0x37d: {  	s29 =	simm.s32 $0x3F5;
	vm0 =	vlt.u32 v6, v4;
	v6 =	vadd.s32 s28, v1;
	v8 =	vadd.s32 s13, v1;
	v15 =	vld.idx.msk [tilespmem:v15+s23+$0x0], $0xffff  }
0x37e: {  	v14 =	vadd.s32 s29, v1;
	vm5 =	vlt.s32 v6, $0x3FFF;
	v12 =	vld.idx.msk [tilespmem:v16+s25+$0x0], $0xffff;
	vm2 =	vlt.s32 v8, $0x3FFF  }
0x37f: {  	v7 =	vnsel vm5, $0x3FFF, v6;
	v21 =	vld.idx.msk [tilespmem:v17+s25+$0x0], $0xffff;
	v11 =	vnsel vm2, $0x3FFF, v8;
	vm2 =	vlt.s32 v14, $0x3FFF  }
0x380: {  	v62 =	vnsel vm2, $0x3FFF, v14;
	v9 =	vsel vm0, v9, v13;
	v19 =	vmax.f32 v60, v20  }
0x381: {  	vm5 =	vlt.s32 v61, $0x3FFF;
	v18 =	vld.idx.msk [tilespmem:v16+s23+$0x0], $0xffff;
	vm6 =	vne.s32 v9, v13;
	v13 =	vsel vm0, v19, v60  }
0x382: {  	v10 =	vsel vm1, v10, v9;
	v19 =	vsel vm6, v9, v23;
	v22 =	vsel vm6, v20, v13  }
0x383: {  	vm2 =	vne.s32 v10, v9;
	v9 =	vsel vm4, v12, v10;
	v16 =	vmax.f32 v22, v15  }
0x384: {  	v17 =	vld.idx.msk [tilespmem:v17+s23+$0x0], $0xffff;
	v12 =	vsel vm2, v10, v19;
	v13 =	vsel vm3, v21, v9;
	v16 =	vsel vm1, v16, v22  }
0x385: {  	v20 =	vld.idx.msk [tilespmem:v62+s25+$0x0], $0xffff;
	vm1 =	vne.s32 v9, v10;
	vm0 =	vne.s32 v13, v9;
	v16 =	vsel vm2, v15, v16  }
0x386: {  	v21 =	vsel vm1, v9, v12;
	v9 =	vnsel vm5, $0x3FFF, v61;
	v15 =	vld.idx.msk [tilespmem:v62+s23+$0x0], $0xffff;
	v63 =	vmax.f32 v16, v18  }
0x387: {  	s6 =	simm.s32 $0x3F9;
	vm5 =	vmmov vm3;
	v10 =	vsel vm0, v13, v21;
	[tilespmem:v23+s3+$0x0] =	vst.idx.msk vm6, v60;
	v23 =	vsel vm4, v63, v16  }
.LBB2_18:
0x388: {  	s9 =	sadd.s32 $0x1, s6  }
0x389: {  	s11 =	sadd.s32 $0x2, s6;
	vm6 =	vlt.u32 v14, v4;
	vm4 =	vlt.u32 v8, v4;
	v24 =	vld.idx.msk [tilespmem:v11+s23+$0x0], $0xffff;
	vm3 =	vlt.u32 v6, v4;
	s13 =	smov.u32 s6;
	s0 =	sadd.s32 $0x4, s6  }
0x38a: {  	p0 =	slt.u32 s6, $0x3FD;
	v18 =	vsel vm1, v18, v23;
	v8 =	vadd.s32 s9, v1;
	v6 =	vadd.s32 s11, v1;
	s9 =	sadd.s32 $0x3, s13;
	v25 =	vld.idx.msk [tilespmem:v11+s25+$0x0], $0xffff;
	[tilespmem:v19+s3+$0x0] =	vst.idx.msk vm2, v22  }
0x38b: {  	v19 =	vmax.f32 v18, v17;
	vm2 =	vlt.s32 v8, $0x3FFF;
	vm7 =	vlt.s32 v6, $0x3FFF;
	v23 =	vld.idx.msk [tilespmem:v7+s25+$0x0], $0xffff;
	[tilespmem:v21+s3+$0x0] =	vst.idx.msk vm0, v18  }
0x38c: {  	v26 =	vadd.s32 s9, v1;
	v11 =	vnsel vm2, $0x3FFF, v8;
	v21 =	vnsel vm7, $0x3FFF, v6;
	v27 =	vld.idx.msk [tilespmem:v9+s25+$0x0], $0xffff;
	[tilespmem:v12+s3+$0x0] =	vst.idx.msk vm1, v16  }
0x38d: {  	v14 =	vadd.s32 s13, v1;
	vm7 =	vlt.s32 v26, $0x3FFF;
	v12 =	vsel vm5, v19, v18  }
0x38e: {  	vm1 =	vlt.s32 v14, $0x3FFF;
	v16 =	vsel vm6, v20, v13;
	v28 =	vsel vm0, v17, v12  }
0x38f: {  	v29 =	vnsel vm1, $0x3FFF, v14;
	vm5 =	vne.s32 v16, v13;
	v12 =	vmax.f32 v28, v15;
	v18 =	vld.idx.msk [tilespmem:v7+s23+$0x0], $0xffff;
	v7 =	vmovc v21  }
0x390: {  	v19 =	vsel vm5, v16, v10;
	v12 =	vsel vm6, v12, v28;
	v17 =	vsel vm4, v25, v16  }
0x391: {  	v22 =	vsel vm5, v15, v12;
	vm2 =	vne.s32 v17, v16;
	v15 =	vsel vm3, v23, v17  }
.Ltmp8:
0x392: {  	v12 =	vsel vm2, v17, v19;
	v16 =	vmax.f32 v22, v24;
	v13 =	vsel vm15, v27, v15;
	(pc) =	sbr.rel @p0 .LBB2_18-.Ltmp8, $4  }
0x393: {  	vm1 =	vne.s32 v15, v17;
	v16 =	vsel vm4, v16, v22;
	vm0 =	vne.s32 v13, v15;
	v17 =	vld.idx.msk [tilespmem:v9+s23+$0x0], $0xffff  }
0x394: {  	v21 =	vsel vm1, v15, v12;
	v9 =	vnsel vm7, $0x3FFF, v26;
	v16 =	vsel vm2, v24, v16;
	v20 =	vld.idx.msk [tilespmem:v29+s25+$0x0], $0xffff  }
0x395: {  	v23 =	vmax.f32 v16, v18;
	v15 =	vld.idx.msk [tilespmem:v29+s23+$0x0], $0xffff;
	[tilespmem:v10+s3+$0x0] =	vst.idx.msk vm5, v28;
	v10 =	vsel vm0, v13, v21  }
0x396: {  	s6 =	smov.u32 s0;
	v23 =	vsel vm3, v23, v16;
	vm5 =	vmmov vm15;
	vm15 =	vlt.u32 v26, v4  }
0x397: {  	_ =	sdelay $0x3  }
0x398: {  	v24 =	vld.idx.msk [tilespmem:v11+s25+$0x0], $0xffff  }
0x399: {  	v18 =	vsel vm1, v18, v23;
	v51 =	vld.idx.msk [tilespmem:v7+s25+$0x0], $0xffff  }
0x39a: {  	vm3 =	vlt.u32 v14, v4;
	[tilespmem:v19+s3+$0x0] =	vst.idx.msk vm2, v22;
	v53 =	vld.idx.msk [tilespmem:v9+s25+$0x0], $0xffff;
	v52 =	vmax.f32 v18, v17  }
0x39b: {  	vm4 =	vlt.u32 v8, v4;
	v54 =	vld.idx.msk [tilespmem:v11+s23+$0x0], $0xffff;
	v55 =	vsel vm5, v52, v18;
	v56 =	vsel vm3, v20, v13  }
0x39c: {  	vm13 =	vlt.u32 v6, v4;
	v6 =	vsel vm0, v17, v55;
	vm6 =	vne.s32 v56, v13  }
0x39d: {  	v11 =	vmax.f32 v6, v15;
	v13 =	vsel vm6, v56, v10;
	v57 =	vsel vm4, v24, v56  }
0x39e: {  	v7 =	vld.idx.msk [tilespmem:v7+s23+$0x0], $0xffff;
	v11 =	vsel vm3, v11, v6;
	vm14 =	vne.s32 v57, v56;
	v58 =	vsel vm13, v51, v57  }
0x39f: {  	v11 =	vsel vm6, v15, v11;
	v59 =	vsel vm15, v53, v58;
	vm7 =	vne.s32 v58, v57  }
0x3a0: {  	v17 =	vsel vm14, v57, v13;
	v60 =	vmax.f32 v11, v54;
	vm2 =	vne.s32 v59, v58  }
0x3a1: {  	[tilespmem:v12+s3+$0x0] =	vst.idx.msk vm1, v16;
	v61 =	vsel vm4, v60, v11;
	v14 =	vsel vm7, v58, v17  }
0x3a2: {  	[tilespmem:v21+s3+$0x0] =	vst.idx.msk vm0, v18;
	v8 =	vsel vm14, v54, v61  }
0x3a3: {  	[tilespmem:v10+s3+$0x0] =	vst.idx.msk vm6, v6;
	v6 =	vmax.f32 v8, v7  }
0x3a4: {  	v6 =	vsel vm13, v6, v8;
	[tilespmem:v13+s3+$0x0] =	vst.idx.msk vm14, v11  }
0x3a5: {  	v6 =	vsel vm7, v7, v6;
	[tilespmem:v17+s3+$0x0] =	vst.idx.msk vm7, v8  }
0x3a6: {  	v7 =	vld.idx.msk [tilespmem:v9+s23+$0x0], $0xffff;
	[tilespmem:v14+s3+$0x0] =	vst.idx.msk vm2, v6  }
0x3a7: {  	v8 =	vld.idx.msk [tilespmem:v2+s3+$0x0], $0xffff  }
0x3a8: {  	v62 =	vld.idx.msk [tilespmem:v5+s3+$0x0], $0xffff;
	_ =	sdelay $0x4  }
0x3a9: {  	v9 =	vmax.f32 v62, v8  }
0x3aa: {  	[tilespmem:v5+s3+$0x0] =	vst.idx.msk $0x1, v9  }
0x3ab: {  	vm1 =	vcmask $0x704;
	v9 =	vld.idx.msk [tilespmem:v5+s3+$0x0], $0xffff;
	_ =	sdelay $0x4  }
0x3ac: {  	v9 =	vmax.f32 v9, v8  }
0x3ad: {  	[tilespmem:v5+s3+$0x0] =	vst.idx.msk vm1, v9  }
0x3ae: {  	vm3 =	vcmask $0xB08;
	v9 =	vld.idx.msk [tilespmem:v5+s3+$0x0], $0xffff;
	_ =	sdelay $0x4  }
0x3af: {  	v9 =	vmax.f32 v9, v8  }
0x3b0: {  	[tilespmem:v5+s3+$0x0] =	vst.idx.msk vm3, v9  }
0x3b1: {  	vm4 =	vcmask $0xF0C;
	v9 =	vld.idx.msk [tilespmem:v5+s3+$0x0], $0xffff;
	_ =	sdelay $0x4  }
0x3b2: {  	v9 =	vmax.f32 v9, v8  }
0x3b3: {  	[tilespmem:v5+s3+$0x0] =	vst.idx.msk vm4, v9  }
0x3b4: {  	vm5 =	vcmask $0x1310;
	v9 =	vld.idx.msk [tilespmem:v5+s3+$0x0], $0xffff;
	_ =	sdelay $0x4  }
0x3b5: {  	v9 =	vmax.f32 v9, v8  }
0x3b6: {  	[tilespmem:v5+s3+$0x0] =	vst.idx.msk vm5, v9  }
0x3b7: {  	vm6 =	vcmask $0x1714;
	v9 =	vld.idx.msk [tilespmem:v5+s3+$0x0], $0xffff;
	_ =	sdelay $0x4  }
0x3b8: {  	v9 =	vmax.f32 v9, v8  }
0x3b9: {  	[tilespmem:v5+s3+$0x0] =	vst.idx.msk vm6, v9  }
0x3ba: {  	vm7 =	vcmask $0x1B18;
	v9 =	vld.idx.msk [tilespmem:v5+s3+$0x0], $0xffff;
	_ =	sdelay $0x4  }
0x3bb: {  	v9 =	vmax.f32 v9, v8  }
0x3bc: {  	[tilespmem:v5+s3+$0x0] =	vst.idx.msk vm7, v9  }
0x3bd: {  	vm8 =	vcmask $0x1F1C;
	v9 =	vld.idx.msk [tilespmem:v5+s3+$0x0], $0xffff;
	_ =	sdelay $0x4  }
0x3be: {  	v9 =	vmax.f32 v9, v8  }
0x3bf: {  	[tilespmem:v5+s3+$0x0] =	vst.idx.msk vm8, v9  }
0x3c0: {  	vm9 =	vcmask $0x2320;
	v9 =	vld.idx.msk [tilespmem:v5+s3+$0x0], $0xffff;
	_ =	sdelay $0x4  }
0x3c1: {  	v9 =	vmax.f32 v9, v8  }
0x3c2: {  	[tilespmem:v5+s3+$0x0] =	vst.idx.msk vm9, v9  }
0x3c3: {  	vm10 =	vcmask $0x2724;
	v9 =	vld.idx.msk [tilespmem:v5+s3+$0x0], $0xffff;
	_ =	sdelay $0x4  }
0x3c4: {  	v9 =	vmax.f32 v9, v8  }
0x3c5: {  	[tilespmem:v5+s3+$0x0] =	vst.idx.msk vm10, v9  }
0x3c6: {  	vm11 =	vcmask $0x2B28;
	v9 =	vld.idx.msk [tilespmem:v5+s3+$0x0], $0xffff;
	_ =	sdelay $0x4  }
0x3c7: {  	v9 =	vmax.f32 v9, v8  }
0x3c8: {  	[tilespmem:v5+s3+$0x0] =	vst.idx.msk vm11, v9  }
0x3c9: {  	vm14 =	vcmask $0x2F2C;
	v9 =	vld.idx.msk [tilespmem:v5+s3+$0x0], $0xffff;
	_ =	sdelay $0x4  }
0x3ca: {  	v9 =	vmax.f32 v9, v8  }
0x3cb: {  	[tilespmem:v5+s3+$0x0] =	vst.idx.msk vm14, v9  }
0x3cc: {  	vm12 =	vcmask $0x3330;
	v9 =	vld.idx.msk [tilespmem:v5+s3+$0x0], $0xffff;
	_ =	sdelay $0x4  }
0x3cd: {  	v9 =	vmax.f32 v9, v8  }
0x3ce: {  	[tilespmem:v5+s3+$0x0] =	vst.idx.msk vm12, v9  }
0x3cf: {  	vm13 =	vcmask $0x3734;
	v9 =	vld.idx.msk [tilespmem:v5+s3+$0x0], $0xffff;
	_ =	sdelay $0x4  }
0x3d0: {  	v9 =	vmax.f32 v9, v8  }
0x3d1: {  	[tilespmem:v5+s3+$0x0] =	vst.idx.msk vm13, v9  }
0x3d2: {  	vm0 =	vcmask $0x3B38;
	v9 =	vld.idx.msk [tilespmem:v5+s3+$0x0], $0xffff;
	_ =	sdelay $0x4  }
0x3d3: {  	v9 =	vmax.f32 v9, v8  }
0x3d4: {  	[tilespmem:v5+s3+$0x0] =	vst.idx.msk vm0, v9  }
0x3d5: {  	vm0 =	vcmask $0x3F3C;
	v9 =	vld.idx.msk [tilespmem:v5+s3+$0x0], $0xffff;
	_ =	sdelay $0x4  }
0x3d6: {  	v8 =	vmax.f32 v9, v8  }
0x3d7: {  	[tilespmem:v5+s3+$0x0] =	vst.idx.msk vm0, v8  }
0x3d8: {  	v5 =	vld.idx.msk [tilespmem:v59+s3+$0x0], $0xffff;
	_ =	sdelay $0x1  }
0x3d9: {  	vm15 =	vmmov vm15;
	v63 =	vmax.f32 v6, v7  }
0x3da: {  	v6 =	vsel vm15, v63, v6  }
0x3db: {  	v6 =	vsel vm2, v7, v6  }
0x3dc: {  	v5 =	vmax.f32 v5, v6  }
0x3dd: {  	[tilespmem:v59+s3+$0x0] =	vst.idx.msk $0x1, v5  }
0x3de: {  	v5 =	vld.idx.msk [tilespmem:v59+s3+$0x0], $0xffff;
	_ =	sdelay $0x4  }
0x3df: {  	v5 =	vmax.f32 v5, v6  }
0x3e0: {  	[tilespmem:v59+s3+$0x0] =	vst.idx.msk vm1, v5  }
0x3e1: {  	v5 =	vld.idx.msk [tilespmem:v59+s3+$0x0], $0xffff;
	_ =	sdelay $0x4  }
0x3e2: {  	v5 =	vmax.f32 v5, v6  }
0x3e3: {  	[tilespmem:v59+s3+$0x0] =	vst.idx.msk vm3, v5  }
0x3e4: {  	v5 =	vld.idx.msk [tilespmem:v59+s3+$0x0], $0xffff;
	_ =	sdelay $0x4  }
0x3e5: {  	v5 =	vmax.f32 v5, v6  }
0x3e6: {  	[tilespmem:v59+s3+$0x0] =	vst.idx.msk vm4, v5  }
0x3e7: {  	v5 =	vld.idx.msk [tilespmem:v59+s3+$0x0], $0xffff;
	_ =	sdelay $0x4  }
0x3e8: {  	v5 =	vmax.f32 v5, v6  }
0x3e9: {  	[tilespmem:v59+s3+$0x0] =	vst.idx.msk vm5, v5  }
0x3ea: {  	v5 =	vld.idx.msk [tilespmem:v59+s3+$0x0], $0xffff;
	_ =	sdelay $0x4  }
0x3eb: {  	v5 =	vmax.f32 v5, v6  }
0x3ec: {  	[tilespmem:v59+s3+$0x0] =	vst.idx.msk vm6, v5  }
0x3ed: {  	v5 =	vld.idx.msk [tilespmem:v59+s3+$0x0], $0xffff;
	_ =	sdelay $0x4  }
0x3ee: {  	v5 =	vmax.f32 v5, v6  }
0x3ef: {  	[tilespmem:v59+s3+$0x0] =	vst.idx.msk vm7, v5  }
0x3f0: {  	v5 =	vld.idx.msk [tilespmem:v59+s3+$0x0], $0xffff;
	_ =	sdelay $0x4  }
0x3f1: {  	v5 =	vmax.f32 v5, v6  }
0x3f2: {  	[tilespmem:v59+s3+$0x0] =	vst.idx.msk vm8, v5  }
0x3f3: {  	v5 =	vld.idx.msk [tilespmem:v59+s3+$0x0], $0xffff;
	_ =	sdelay $0x4  }
0x3f4: {  	v5 =	vmax.f32 v5, v6  }
0x3f5: {  	[tilespmem:v59+s3+$0x0] =	vst.idx.msk vm9, v5  }
0x3f6: {  	v5 =	vld.idx.msk [tilespmem:v59+s3+$0x0], $0xffff;
	_ =	sdelay $0x4  }
0x3f7: {  	v5 =	vmax.f32 v5, v6  }
0x3f8: {  	[tilespmem:v59+s3+$0x0] =	vst.idx.msk vm10, v5  }
0x3f9: {  	v5 =	vld.idx.msk [tilespmem:v59+s3+$0x0], $0xffff;
	_ =	sdelay $0x4  }
0x3fa: {  	v5 =	vmax.f32 v5, v6  }
0x3fb: {  	[tilespmem:v59+s3+$0x0] =	vst.idx.msk vm11, v5  }
0x3fc: {  	v5 =	vld.idx.msk [tilespmem:v59+s3+$0x0], $0xffff;
	_ =	sdelay $0x4  }
0x3fd: {  	v5 =	vmax.f32 v5, v6  }
0x3fe: {  	[tilespmem:v59+s3+$0x0] =	vst.idx.msk vm14, v5  }
0x3ff: {  	v5 =	vld.idx.msk [tilespmem:v59+s3+$0x0], $0xffff;
	_ =	sdelay $0x4  }
0x400: {  	v5 =	vmax.f32 v5, v6  }
0x401: {  	[tilespmem:v59+s3+$0x0] =	vst.idx.msk vm12, v5  }
0x402: {  	v5 =	vld.idx.msk [tilespmem:v59+s3+$0x0], $0xffff;
	_ =	sdelay $0x4  }
0x403: {  	v5 =	vmax.f32 v5, v6  }
0x404: {  	[tilespmem:v59+s3+$0x0] =	vst.idx.msk vm13, v5  }
0x405: {  	vm14 =	vcmask $0x3B38;
	v5 =	vld.idx.msk [tilespmem:v59+s3+$0x0], $0xffff;
	_ =	sdelay $0x4  }
0x406: {  	v5 =	vmax.f32 v5, v6  }
0x407: {  	[tilespmem:v59+s3+$0x0] =	vst.idx.msk vm14, v5  }
0x408: {  	vm15 =	vcmask $0x3F3C;
	v5 =	vld.idx.msk [tilespmem:v59+s3+$0x0], $0xffff;
	_ =	sdelay $0x4  }
0x409: {  	v5 =	vmax.f32 v5, v6  }
0x40a: {  	[tilespmem:v59+s3+$0x0] =	vst.idx.msk vm15, v5  }
0x40b: {  	[tilespmem:$0x4000] =	vst v0  }
0x40c: {  	[spmem:s4] =	stream.linear.scatter [tilespmem:s3], [sflag:$0x4], $0x4000, $0x38;
	[tilespmem:$0x1C480] =	vst v63  }
0x40d: {  	_ =	swait.ge [sflag:s24], $0x4000  }
0x40e: {  	[sflag:s24] =	ssyncset.done $0x0  }
0x40f: {  	s30 =	simm.s32 $0xC080;
	[sflag:s24] =	ssyncadd.s32 $0xFFFFC000  }
0x410: {  	[hbm:s18], [sflag:s7] =	dma.local [spmem:s2], $0x800  }
0x411: {  	[tilespmem:s30], [sflag:$0x4] =	stream.linear.gather [hbm4b:s19+s3], $0x200, $0x38;
	[tilespmem:$0x1C480] =	vst v63  }
0x412: {  	_ =	swait.ge [sflag:s24], $0x200  }
0x413: {  	[sflag:s24] =	ssyncset.done $0x0  }
0x414: {  	[sflag:s24] =	ssyncadd.s32 $0xFFFFFE00  }
0x415: {  	s6 =	simm.s32 $0x200;
	s9 =	simm.s32 $0xC280;
	s0 =	rddreg [dreg:$0x0]  }
0x416: {  	[tilespmem:s9], [sflag:$0x3] =	stream.indirect.gather [hbm4b:s0+s6], $0x1, s30, s6, $0xb8;
	[tilespmem:$0x1C480] =	vst v63  }
0x417: {  	_ =	swait.ge [sflag:s31], $0x200  }
0x418: {  	[sflag:s31] =	ssyncset.done $0x0  }
0x419: {  	s1 =	sadd.s32 $0x1, s1;
	[sflag:s31] =	ssyncadd.s32 $0xFFFFFE00  }
0x41a: {  	[hbm4b:s20+s3] =	stream.linear.scatter [tilespmem:s9], [sflag:$0x4], $0x200, $0x38;
	[tilespmem:$0x1C480] =	vst v63  }
0x41b: {  	p0 =	sne.s32 s1, s21;
	_ =	swait.ge [sflag:s24], $0x200  }
.Ltmp9:
0x41c: {  	[sflag:s24] =	ssyncset.done $0x0;
	(pc) =	sbr.rel @p0 .LBB2_1-.Ltmp9, $4  }
0x41d: {  	[sflag:s24] =	ssyncadd.s32 $0xFFFFFE00  }
0x41e: {  	_ =	swait.ge [sflag:s22], $0x800  }
0x41f: {  	[sflag:s22] =	ssyncset.done $0x0  }
0x420: {  	[sflag:s22] =	ssyncadd.s32 $0xFFFFF800  }
0x421: {  	_ =	sfence.sel $0x180000  }
0x422: {  	[bflag:$0x0] =	sbarrier.arrive $0xFFFF  }
0x423: {  	_ =	strace $0x90000047  }
0x424: {  	s0 =	stileid.u32;
	[bflag:$0x2] =	sbarrier.arrive $0xFFFF  }
0x425: {  	p0 =	sne.s32 s0, $0x0;
	s0 =	rddreg [dreg:$0x6]  }
0x426: {  	s0 =	sadd.s32 @!p0 $0x100000, s0  }
0x427: {  	[sflag:s0] =	ssyncadd.tile.s32 @!p0 $0x1;
	_ =	shalt  }
.Lfunc_end2:
_tile_overlayer_lowered:
.L_overlay_start_2:
0x428: {  	(tag) =	ssettag $0x2  }
0x429: {  	s0 =	rddreg [dreg:$0x0];
	s2 =	stileid.u32  }
0x42a: {  	s1 =	rddreg [dreg:$0x1];
	p0 =	sne.s32 s2, $0x0  }
0x42b: {  	s3 =	rddreg [dreg:$0x2];
	[bflag:$0x3] =	sbarrier.arrive $0xFFFF;
	s2 =	simm.s32 @!p0 $0x1C04  }
0x42c: {  	[timem:s3], [sflag:s2] =	dma.local @!p0 [hbm:s0], s1  }
0x42d: {  	s0 =	simm.s32 @!p0 $0x4  }
0x42e: {  	_ =	swait.ge @!p0 [sflag:s0], s1  }
0x42f: {  	s1 =	ssub.s32 @!p0 $0x0, s1;
	[sflag:s0] =	ssyncset.done @!p0 $0x0  }
0x430: {  	[sflag:s0] =	ssyncadd.s32 @!p0 s1  }
0x431: {  	[bflag:$0x3] =	sbarrier.arrive $0xFFFF  }
0x432: {  	_ =	shalt  }

</sc_bundles>
